<compile_context>
chip_gen: v7x
topology: tpu7x:2x2x1
jax: 0.10.2.dev20260603
libtpu: 0.0.44.dev20260713+nightly
codegen_flags: <defaults>
</compile_context>

<pallas_src>
import functools

import jax
import jax.numpy as jnp
from jax import lax
from jax.experimental import pallas as pl
from jax.experimental.pallas import tpu as pltpu
from jax.experimental.pallas import tpu_sc as plsc

N = 10000
D = 128
G = 64
EPS = 1e-5

NC = 2
NS = 16
NW = NC * NS
K = 128
NP = 10240
PMAX = 56
BM = 2048
GRID = NP // BM
L = 16



def _sc_mesh():
    return plsc.VectorSubcoreMesh(core_axis_name="c", subcore_axis_name="s")


def _deg_body(dst_hbm, deg_hbm, dstv, hist):
    cid = lax.axis_index("c")
    sid = lax.axis_index("s")
    wid = sid * NC + cid
    pltpu.sync_copy(dst_hbm.at[wid], dstv)

    zero = jnp.zeros((L,), jnp.float32)

    def zloop(i, c):
        hist[pl.ds(i * L, L)] = zero
        return c

    lax.fori_loop(0, NP // L, zloop, 0)

    ones = jnp.full((L,), 1.0, jnp.float32)
    nvec = dstv.shape[0] // L

    def hloop(i, c):
        idx = dstv[pl.ds(i * L, L)]
        plsc.addupdate_scatter(hist, [idx], ones)
        return c

    lax.fori_loop(0, nvec, hloop, 0)
    pltpu.sync_copy(hist, deg_hbm.at[wid])


def _make_deg_kernel(cflat):
    return pl.kernel(
        _deg_body,
        out_type=jax.ShapeDtypeStruct((NW, NP), jnp.float32),
        mesh=_sc_mesh(),
        compiler_params=pltpu.CompilerParams(needs_layout_passes=False),
        scratch_types=[
            pltpu.VMEM((cflat,), jnp.int32),
            pltpu.VMEM((NP,), jnp.float32),
        ],
    )


def _msg_body(hws_hbm, src_hbm, dst_hbm, out_hbm, srcv, dstv, rows0, rows1,
              sem0, sem1, acc, n0=None, n1=None):
    cid = lax.axis_index("c")
    sid = lax.axis_index("s")

    zero = jnp.zeros((L,), jnp.float32)

    def zv(i, c):
        rows0[i // (D // L), pl.ds((i % (D // L)) * L, L)] = zero
        return c

    lax.fori_loop(0, K * (D // L), zv, 0)

    base = sid * (NP // NS)

    def zacc(t, c):
        pltpu.sync_copy(rows0, acc.at[pl.ds(base + t * K, K)])
        return c

    lax.fori_loop(0, (NP // NS) // K, zacc, 0)

    plsc.subcore_barrier()

    def run_half(off, m):
        pltpu.sync_copy(src_hbm.at[sid, pl.ds(off, m)], srcv.at[pl.ds(0, m)])
        pltpu.sync_copy(dst_hbm.at[sid, pl.ds(off, m)], dstv.at[pl.ds(0, m)])
        pltpu.async_copy(hws_hbm.at[srcv.at[0]], rows0, sem0)

        def pair(t, c):
            j = 2 * t
            pltpu.async_copy(hws_hbm.at[srcv.at[j + 1]], rows1, sem1)
            pltpu.make_async_copy(hws_hbm.at[srcv.at[j]], rows0, sem0).wait()
            pltpu.sync_copy(rows0, acc.at[dstv.at[j]], add=True)

            @pl.when(j + 2 < m)
            def _():
                pltpu.async_copy(hws_hbm.at[srcv.at[j + 2]], rows0, sem0)

            pltpu.make_async_copy(hws_hbm.at[srcv.at[j + 1]], rows1,
                                  sem1).wait()
            pltpu.sync_copy(rows1, acc.at[dstv.at[j + 1]], add=True)
            return c

        lax.fori_loop(0, m // 2, pair, 0)

    def parts(total):
        out, off = [], 0
        while off < total:
            m = min(PMAX, total - off)
            out.append((off, m))
            off += m
        return out

    @pl.when(cid == 0)
    def _():
        for off, m in parts(n0):
            run_half(off, m)

    @pl.when(cid == 1)
    def _():
        for off, m in parts(n1):
            run_half(n0 + off, m)

    plsc.subcore_barrier()
    pltpu.sync_copy(acc.at[pl.ds(base, NP // NS)],
                    out_hbm.at[cid, pl.ds(base, NP // NS)])


def _make_msg_kernel(n0, n1):
    nmax = PMAX
    return pl.kernel(
        functools.partial(_msg_body, n0=n0, n1=n1),
        out_type=jax.ShapeDtypeStruct((NC, NP, D), jnp.float32),
        mesh=_sc_mesh(),
        scratch_types=[
            pltpu.VMEM((nmax, K), jnp.int32),
            pltpu.VMEM((nmax, K), jnp.int32),
            pltpu.VMEM((K, D), jnp.float32),
            pltpu.VMEM((K, D), jnp.float32),
            pltpu.SemaphoreType.DMA,
            pltpu.SemaphoreType.DMA,
            pltpu.VMEM_SHARED((NP, D), jnp.float32),
        ],
    )



def _t1_body(dpart_ref, x_ref, w_ref, hws_ref, dinv_ref):
    ones = jnp.ones((NW, 1), jnp.float32)
    deg = lax.dot_general(dpart_ref[...], ones,
                          (((0,), (0,)), ((), ())),
                          preferred_element_type=jnp.float32)
    dinv = lax.rsqrt(deg + 1.0)
    dinv_ref[...] = dinv
    hw = jnp.dot(x_ref[...], w_ref[...], preferred_element_type=jnp.float32)
    hws_ref[...] = hw * dinv


def _t1_call(deg_part, x_p, W):
    return pl.pallas_call(
        _t1_body,
        grid=(GRID,),
        in_specs=[
            pl.BlockSpec((NW, BM), lambda i: (0, i)),
            pl.BlockSpec((BM, D), lambda i: (i, 0)),
            pl.BlockSpec((D, D), lambda i: (0, 0)),
        ],
        out_specs=[
            pl.BlockSpec((BM, D), lambda i: (i, 0)),
            pl.BlockSpec((BM, 1), lambda i: (i, 0)),
        ],
        out_shape=[
            jax.ShapeDtypeStruct((NP, D), jnp.float32),
            jax.ShapeDtypeStruct((NP, 1), jnp.float32),
        ],
    )(deg_part, x_p, W)


def _stats_body(msg_ref, hws_ref, dinv_ref, b_ref, m_ref, s_ref):
    i = pl.program_id(0)
    m = (msg_ref[0] + msg_ref[1] + hws_ref[...]) * dinv_ref[...] + b_ref[...]
    m_ref[...] = m
    rows = lax.broadcasted_iota(jnp.int32, (BM, 1), 0) + i * BM
    mask = (rows < N).astype(jnp.float32)
    mm = m * mask
    s = jnp.sum(mm, axis=0, keepdims=True)
    ss = jnp.sum(mm * mm, axis=0, keepdims=True)
    upd = jnp.concatenate([s, ss, jnp.zeros((6, D), jnp.float32)], axis=0)

    @pl.when(i == 0)
    def _():
        s_ref[...] = jnp.zeros((8, D), jnp.float32)

    s_ref[...] += upd


def _stats_call(msg, hws, dinv, b_row):
    return pl.pallas_call(
        _stats_body,
        grid=(GRID,),
        in_specs=[
            pl.BlockSpec((NC, BM, D), lambda i: (0, i, 0)),
            pl.BlockSpec((BM, D), lambda i: (i, 0)),
            pl.BlockSpec((BM, 1), lambda i: (i, 0)),
            pl.BlockSpec((1, D), lambda i: (0, 0)),
        ],
        out_specs=[
            pl.BlockSpec((BM, D), lambda i: (i, 0)),
            pl.BlockSpec((8, D), lambda i: (0, 0)),
        ],
        out_shape=[
            jax.ShapeDtypeStruct((NP, D), jnp.float32),
            jax.ShapeDtypeStruct((8, D), jnp.float32),
        ],
    )(msg, hws, dinv, b_row)


def _bn(m, s_ref, g_ref, be_ref):
    s = s_ref[0:1, :]
    ss = s_ref[1:2, :]
    mean = s * (1.0 / N)
    var = ss * (1.0 / N) - mean * mean
    inv = lax.rsqrt(var + EPS)
    return jnp.maximum((m - mean) * inv * g_ref[...] + be_ref[...], 0.0)


def _t2b_body(m_ref, s_ref, g_ref, be_ref, dinv_ref, w_ref, out_ref):
    h = _bn(m_ref[...], s_ref, g_ref, be_ref)
    out_ref[...] = jnp.dot(h, w_ref[...],
                           preferred_element_type=jnp.float32) * dinv_ref[...]


def _t2b_call(m1, stats, g_row, be_row, dinv, W):
    return pl.pallas_call(
        _t2b_body,
        grid=(GRID,),
        in_specs=[
            pl.BlockSpec((BM, D), lambda i: (i, 0)),
            pl.BlockSpec((8, D), lambda i: (0, 0)),
            pl.BlockSpec((1, D), lambda i: (0, 0)),
            pl.BlockSpec((1, D), lambda i: (0, 0)),
            pl.BlockSpec((BM, 1), lambda i: (i, 0)),
            pl.BlockSpec((D, D), lambda i: (0, 0)),
        ],
        out_specs=pl.BlockSpec((BM, D), lambda i: (i, 0)),
        out_shape=jax.ShapeDtypeStruct((NP, D), jnp.float32),
    )(m1, stats, g_row, be_row, dinv, W)


def _t3b_body(m_ref, s_ref, g_ref, be_ref, batch_ref, out_ref):
    i = pl.program_id(0)
    h = _bn(m_ref[...], s_ref, g_ref, be_ref)
    onehot = (batch_ref[...] ==
              lax.broadcasted_iota(jnp.int32, (1, G), 1)).astype(jnp.float32)
    p = lax.dot_general(onehot, h, (((0,), (0,)), ((), ())),
                        preferred_element_type=jnp.float32)

    @pl.when(i == 0)
    def _():
        out_ref[...] = jnp.zeros((G, D), jnp.float32)

    out_ref[...] += p


def _t3b_call(m2, stats, g_row, be_row, batch_p):
    return pl.pallas_call(
        _t3b_body,
        grid=(GRID,),
        in_specs=[
            pl.BlockSpec((BM, D), lambda i: (i, 0)),
            pl.BlockSpec((8, D), lambda i: (0, 0)),
            pl.BlockSpec((1, D), lambda i: (0, 0)),
            pl.BlockSpec((1, D), lambda i: (0, 0)),
            pl.BlockSpec((BM, 1), lambda i: (i, 0)),
        ],
        out_specs=pl.BlockSpec((G, D), lambda i: (0, 0)),
        out_shape=jax.ShapeDtypeStruct((G, D), jnp.float32),
    )(m2, stats, g_row, be_row, batch_p)



def kernel(x, edge_index, batch, W1, b1, gamma1, beta1, W2, b2, gamma2, beta2):
    E = edge_index.shape[1]
    ntot = 8 * (-(-E // (NS * K * 8)))
    n0 = 8 * round(ntot * 0.75 / 8)
    n1 = ntot - n0
    Ep = NS * ntot * K
    pad = Ep - E

    src = edge_index[0]
    dst = edge_index[1]
    src3 = jnp.concatenate(
        [src, jnp.zeros((pad,), jnp.int32)]).reshape(NS, ntot, K)
    dst_p = jnp.concatenate([dst, jnp.full((pad,), N, jnp.int32)])
    dst3 = dst_p.reshape(NS, ntot, K)
    dst_flat = dst_p.reshape(NW, (NS * ntot * K) // NW)

    x_p = jnp.concatenate([x, jnp.zeros((NP - N, D), jnp.float32)], axis=0)
    batch_p = jnp.concatenate(
        [batch, jnp.full((NP - N,), G, jnp.int32)]).reshape(NP, 1)
    b1r = b1.reshape(1, D)
    b2r = b2.reshape(1, D)
    g1r = gamma1.reshape(1, D)
    g2r = gamma2.reshape(1, D)
    be1r = beta1.reshape(1, D)
    be2r = beta2.reshape(1, D)

    deg_part = _make_deg_kernel((NS * ntot * K) // NW)(dst_flat)
    hws1, dinv = _t1_call(deg_part, x_p, W1)

    msg_kernel = _make_msg_kernel(n0, n1)
    msg1 = msg_kernel(hws1, src3, dst3)
    m1, stats1 = _stats_call(msg1, hws1, dinv, b1r)
    hws2 = _t2b_call(m1, stats1, g1r, be1r, dinv, W2)

    msg2 = msg_kernel(hws2, src3, dst3)
    m2, stats2 = _stats_call(msg2, hws2, dinv, b2r)
    return _t3b_call(m2, stats2, g2r, be2r, batch_p)

# --- scband reference (transcript-rebuilt; emitter-appended) ---
"""Pipeline reference for scband-gcn-49143015800978 (READ-ONLY COPY).

The authoritative reference and input builder live on the scoring server;
editing this copy changes nothing except your own understanding.
"""

import jax, jax.numpy as jnp
import numpy as np

N = 10000
E = 320000
D = 128
G = 64
EPS = 1e-5


def setup_inputs(seed: int = 0) -> dict:
    key = jax.random.key(seed)
    ks = jax.random.split(key, 12)
    x = jax.random.normal(ks[0], (N, D), dtype=jnp.float32)
    edge_index = jax.random.randint(ks[1], (2, E), 0, N, dtype=jnp.int32)
    batch = jnp.sort(jax.random.randint(ks[2], (N,), 0, G, dtype=jnp.int32))
    s = 1.0 / np.sqrt(D)
    W1 = jax.random.uniform(ks[3], (D, D), jnp.float32, -s, s)
    b1 = jnp.zeros((D,), jnp.float32)
    gamma1 = jnp.ones((D,), jnp.float32)
    beta1 = jnp.zeros((D,), jnp.float32)
    W2 = jax.random.uniform(ks[4], (D, D), jnp.float32, -s, s)
    b2 = jnp.zeros((D,), jnp.float32)
    gamma2 = jnp.ones((D,), jnp.float32)
    beta2 = jnp.zeros((D,), jnp.float32)
    return {"x": x, "edge_index": edge_index, "batch": batch,
            "W1": W1, "b1": b1, "gamma1": gamma1, "beta1": beta1,
            "W2": W2, "b2": b2, "gamma2": gamma2, "beta2": beta2}


def _gcn_conv(h, edge_index, W, b):
    # PyG GCNConv: add self-loops, symmetric normalization, linear transform, scatter-add
    src = edge_index[0]
    dst = edge_index[1]
    loop = jnp.arange(N, dtype=src.dtype)
    src = jnp.concatenate([src, loop])
    dst = jnp.concatenate([dst, loop])
    deg = jnp.zeros((N,), jnp.float32).at[dst].add(1.0)
    dinv = jnp.where(deg > 0.0, 1.0 / jnp.sqrt(deg), 0.0)
    norm = dinv[src] * dinv[dst]
    hw = h @ W
    msg = hw[src] * norm[:, None]
    out = jnp.zeros((N, hw.shape[1]), jnp.float32).at[dst].add(msg)
    return out + b


def _bn_relu(h, gamma, beta):
    # BatchNorm1d training-mode batch statistics (biased variance), then ReLU
    mean = jnp.mean(h, axis=0)
    var = jnp.var(h, axis=0)
    h = (h - mean) / jnp.sqrt(var + EPS) * gamma + beta
    return jax.nn.relu(h)


def reference(x, edge_index, batch, W1, b1, gamma1, beta1, W2, b2, gamma2, beta2):
    h = _bn_relu(_gcn_conv(x, edge_index, W1, b1), gamma1, beta1)
    h = _bn_relu(_gcn_conv(h, edge_index, W2, b2), gamma2, beta2)
    # global_add_pool
    return jax.ops.segment_sum(h, batch, num_segments=G)

if __name__ == "__main__":
    import jax
    _d = setup_inputs()
    print(jax.jit(kernel)(*tuple(_d.values())))

</pallas_src>

<mosaic_0001>
#map = affine_map<(d0, d1) -> (0, 0)>
#map1 = affine_map<(d0, d1) -> (0, 0, 0)>
module attributes {stable_mosaic.version = 14 : i64} {
  func.func @_msg_body(%arg0: i32, %arg1: i32, %arg2: memref<10240x128xf32, #tpu.memory_space<hbm>>, %arg3: memref<16x160x128xi32, #tpu.memory_space<hbm>>, %arg4: memref<16x160x128xi32, #tpu.memory_space<hbm>>, %arg5: memref<2x10240x128xf32, #tpu.memory_space<hbm>>, %arg6: memref<56x128xi32, #tpu.memory_space<vmem>>, %arg7: memref<56x128xi32, #tpu.memory_space<vmem>>, %arg8: memref<128x128xf32, #tpu.memory_space<vmem>>, %arg9: memref<128x128xf32, #tpu.memory_space<vmem>>, %arg10: memref<!tpu.dma_semaphore, #tpu.memory_space<semaphore_mem>>, %arg11: memref<!tpu.dma_semaphore, #tpu.memory_space<semaphore_mem>>, %arg12: memref<10240x128xf32, #tpu.memory_space<vmem_shared>>) attributes {dimension_semantics = [#tpu.dimension_semantics<core_parallel>, #tpu.dimension_semantics<subcore_parallel>], iteration_bounds = array<i64: 2, 16>, scalar_prefetch = 0 : i64, scratch_operands = 7 : i64, tpu.core_type = #tpu.core_type<sc_vector_subcore>, window_params = [{transform_indices = #map}, {transform_indices = #map1}, {transform_indices = #map1}, {transform_indices = #map1}]} {
    %broadcast_in_dim3A = arith.constant 0.000000e+00 : f32
    %broadcast_in_dim3A_0 = vector.broadcast %broadcast_in_dim3A : f32 to vector<16xf32>
    %scan3A = arith.constant 0 : i32
    %scan3A_1 = arith.constant 0 : i32
    %scan3A_2 = arith.constant 1024 : i32
    %scan3A_3 = arith.addi %scan3A_1, %scan3A_2 : i32
    %scan3A_4 = arith.constant 1 : i32
    scf.for %scan3A_21 = %scan3A_1 to %scan3A_3 step %scan3A_4  : i32 {
      %jit3A = arith.constant 8 : i32
      %div3A = arith.divsi %scan3A_21, %jit3A : i32
      %sign3A = arith.constant 0 : i32
      %sign3A_22 = arith.cmpi sgt, %scan3A_21, %sign3A : i32
      %sign3A_23 = arith.extui %sign3A_22 : i1 to i32
      %sign3A_24 = arith.constant 0 : i32
      %sign3A_25 = arith.cmpi slt, %scan3A_21, %sign3A_24 : i32
      %sign3A_26 = arith.extui %sign3A_25 : i1 to i32
      %sign3A_27 = arith.subi %sign3A_23, %sign3A_26 : i32
      %sign3A_28 = arith.constant 0 : i32
      %sign3A_29 = arith.cmpi sgt, %jit3A, %sign3A_28 : i32
      %sign3A_30 = arith.extui %sign3A_29 : i1 to i32
      %sign3A_31 = arith.constant 0 : i32
      %sign3A_32 = arith.cmpi slt, %jit3A, %sign3A_31 : i32
      %sign3A_33 = arith.extui %sign3A_32 : i1 to i32
      %sign3A_34 = arith.subi %sign3A_30, %sign3A_33 : i32
      %ne3A = arith.cmpi ne, %sign3A_27, %sign3A_34 : i32
      %rem3A = arith.remsi %scan3A_21, %jit3A : i32
      %ne3A_35 = arith.constant 0 : i32
      %ne3A_36 = arith.cmpi ne, %rem3A, %ne3A_35 : i32
      %and3A = arith.andi %ne3A, %ne3A_36 : i1
      %sub3A = arith.constant 1 : i32
      %sub3A_37 = arith.subi %div3A, %sub3A : i32
      %select_n3A = arith.select %and3A, %sub3A_37, %div3A : i32
      %jit3A_38 = arith.constant 8 : i32
      %eq3A_39 = arith.constant 0 : i32
      %eq3A_40 = arith.cmpi eq, %jit3A_38, %eq3A_39 : i32
      %jit3A_41 = arith.constant 1 : i32
      %select_n3A_42 = arith.select %eq3A_40, %jit3A_41, %jit3A_38 : i32
      %rem3A_43 = arith.remsi %scan3A_21, %select_n3A_42 : i32
      %ne3A_44 = arith.constant 0 : i32
      %ne3A_45 = arith.cmpi ne, %rem3A_43, %ne3A_44 : i32
      %lt3A = arith.constant 0 : i32
      %lt3A_46 = arith.cmpi slt, %rem3A_43, %lt3A : i32
      %lt3A_47 = arith.constant 0 : i32
      %lt3A_48 = arith.cmpi slt, %select_n3A_42, %lt3A_47 : i32
      %ne3A_49 = arith.xori %lt3A_46, %lt3A_48 : i1
      %and3A_50 = arith.andi %ne3A_49, %ne3A_45 : i1
      %add3A = arith.addi %rem3A_43, %select_n3A_42 : i32
      %select_n3A_51 = arith.select %and3A_50, %add3A, %rem3A_43 : i32
      %mul3A_52 = arith.constant 16 : i32
      %mul3A_53 = arith.muli %select_n3A_51, %mul3A_52 : i32
      %swap3A = arith.index_cast %select_n3A : i32 to index
      %swap3A_54 = arith.index_cast %mul3A_53 : i32 to index
      %swap3A_55 = tpu.vector_load %arg8[%swap3A, %swap3A_54] {strides = array<i32>} : memref<128x128xf32, #tpu.memory_space<vmem>>, vector<1x16xf32>,
      %swap3A_56 = vector.shape_cast %swap3A_55 : vector<1x16xf32> to vector<16xf32>
      %swap3A_57 = vector.shape_cast %broadcast_in_dim3A_0 : vector<16xf32> to vector<1x16xf32>
      tpu.vector_store %arg8[%swap3A, %swap3A_54], %swap3A_57 {strides = array<i32>} : memref<128x128xf32, #tpu.memory_space<vmem>>, vector<1x16xf32>,
    }
    %scan3A_5 = arith.constant 1024 : i32
    %mul3A = arith.constant 640 : i32
    %mul3A_6 = arith.muli %arg1, %mul3A : i32
    %scan3A_7 = arith.constant 0 : i32
    %scan3A_8 = arith.constant 0 : i32
    %scan3A_9 = arith.constant 5 : i32
    %scan3A_10 = arith.addi %scan3A_8, %scan3A_9 : i32
    %scan3A_11 = arith.constant 1 : i32
    scf.for %scan3A_21 = %scan3A_8 to %scan3A_10 step %scan3A_11  : i32 {
      %mul3A_22 = arith.constant 128 : i32
      %mul3A_23 = arith.muli %scan3A_21, %mul3A_22 : i32
      %add3A = arith.addi %mul3A_6, %mul3A_23 : i32
      "tpu.region"() ({
        %run_scoped3A = tpu.sem_alloc : memref<!tpu.dma_semaphore, #tpu.memory_space<semaphore_mem>>
        %dma_start3A = arith.constant 0 : i32
        %dma_start3A_24 = tpu.memref_slice %arg12[%add3A, %dma_start3A] : memref<10240x128xf32, #tpu.memory_space<vmem_shared>> -> memref<128x128xf32, #tpu.memory_space<vmem_shared>>
        %dma_start3A_25 = arith.constant 0 : i32
        %dma_start3A_26 = tpu.memref_slice %arg12[%add3A, %dma_start3A_25] : memref<10240x128xf32, #tpu.memory_space<vmem_shared>> -> memref<128x128xf32, #tpu.memory_space<vmem_shared>>
        tpu.enqueue_dma source(%arg8 : memref<128x128xf32, #tpu.memory_space<vmem>>) target(%dma_start3A_26 : memref<128x128xf32, #tpu.memory_space<vmem_shared>>) target_semaphore(%run_scoped3A : memref<!tpu.dma_semaphore, #tpu.memory_space<semaphore_mem>>)
        %dma_wait3A = arith.constant 0 : i32
        %dma_wait3A_27 = tpu.memref_slice %arg12[%add3A, %dma_wait3A] : memref<10240x128xf32, #tpu.memory_space<vmem_shared>> -> memref<128x128xf32, #tpu.memory_space<vmem_shared>>
        %dma_wait3A_28 = arith.constant 0 : i32
        %dma_wait3A_29 = tpu.memref_slice %arg12[%add3A, %dma_wait3A_28] : memref<10240x128xf32, #tpu.memory_space<vmem_shared>> -> memref<128x128xf32, #tpu.memory_space<vmem_shared>>
        tpu.wait_dma2 semaphore(%run_scoped3A : memref<!tpu.dma_semaphore, #tpu.memory_space<semaphore_mem>>) src(%arg8 : memref<128x128xf32, #tpu.memory_space<vmem>>) dst(%dma_wait3A_29 : memref<128x128xf32, #tpu.memory_space<vmem_shared>>)
        tpu.yield
      }) : () -> ()
    }
    %scan3A_12 = arith.constant 5 : i32
    %barrier3A = arith.constant 0 : index
    tpu.barrier barrier_id(%barrier3A)
    %eq3A = arith.constant 0 : i32
    %eq3A_13 = arith.cmpi eq, %arg0, %eq3A : i32
    %convert_element_type3A = arith.extui %eq3A_13 : i1 to i32
    %cond3A = arith.constant 0 : i32
    %cond3A_14 = arith.cmpi ne, %convert_element_type3A, %cond3A : i32
    scf.if %cond3A_14 {
      "tpu.region"() ({
        %run_scoped3A = tpu.sem_alloc : memref<!tpu.dma_semaphore, #tpu.memory_space<semaphore_mem>>
        %dma_start3A_59 = arith.constant 0 : i32
        %dma_start3A_60 = arith.constant 0 : i32
        %dma_start3A_61 = tpu.memref_slice %arg6[%dma_start3A_59, %dma_start3A_60] : memref<56x128xi32, #tpu.memory_space<vmem>> -> memref<56x128xi32, #tpu.memory_space<vmem>>
        %dma_start3A_62 = arith.constant 0 : i32
        %dma_start3A_63 = arith.constant 0 : i32
        %dma_start3A_64 = tpu.memref_slice %arg3[%arg1, %dma_start3A_62, %dma_start3A_63] : memref<16x160x128xi32, #tpu.memory_space<hbm>> -> memref<1x56x128xi32, #tpu.memory_space<hbm>>
        %dma_start3A_65 = tpu.memref_squeeze %dma_start3A_64 : memref<1x56x128xi32, #tpu.memory_space<hbm>> -> memref<56x128xi32, #tpu.memory_space<hbm>>
        %dma_start3A_66 = arith.constant 0 : i32
        %dma_start3A_67 = arith.constant 0 : i32
        %dma_start3A_68 = tpu.memref_slice %arg6[%dma_start3A_66, %dma_start3A_67] : memref<56x128xi32, #tpu.memory_space<vmem>> -> memref<56x128xi32, #tpu.memory_space<vmem>>
        %dma_start3A_69 = arith.constant 0 : i32
        %dma_start3A_70 = arith.constant 0 : i32
        %dma_start3A_71 = tpu.memref_slice %arg3[%arg1, %dma_start3A_69, %dma_start3A_70] : memref<16x160x128xi32, #tpu.memory_space<hbm>> -> memref<1x56x128xi32, #tpu.memory_space<hbm>>
        %dma_start3A_72 = tpu.memref_squeeze %dma_start3A_71 : memref<1x56x128xi32, #tpu.memory_space<hbm>> -> memref<56x128xi32, #tpu.memory_space<hbm>>
        tpu.enqueue_dma source(%dma_start3A_72 : memref<56x128xi32, #tpu.memory_space<hbm>>) target(%dma_start3A_68 : memref<56x128xi32, #tpu.memory_space<vmem>>) target_semaphore(%run_scoped3A : memref<!tpu.dma_semaphore, #tpu.memory_space<semaphore_mem>>)
        %dma_wait3A = arith.constant 0 : i32
        %dma_wait3A_73 = arith.constant 0 : i32
        %dma_wait3A_74 = tpu.memref_slice %arg6[%dma_wait3A, %dma_wait3A_73] : memref<56x128xi32, #tpu.memory_space<vmem>> -> memref<56x128xi32, #tpu.memory_space<vmem>>
        %dma_wait3A_75 = arith.constant 0 : i32
        %dma_wait3A_76 = arith.constant 0 : i32
        %dma_wait3A_77 = tpu.memref_slice %arg3[%arg1, %dma_wait3A_75, %dma_wait3A_76] : memref<16x160x128xi32, #tpu.memory_space<hbm>> -> memref<1x56x128xi32, #tpu.memory_space<hbm>>
        %dma_wait3A_78 = tpu.memref_squeeze %dma_wait3A_77 : memref<1x56x128xi32, #tpu.memory_space<hbm>> -> memref<56x128xi32, #tpu.memory_space<hbm>>
        %dma_wait3A_79 = arith.constant 0 : i32
        %dma_wait3A_80 = arith.constant 0 : i32
        %dma_wait3A_81 = tpu.memref_slice %arg6[%dma_wait3A_79, %dma_wait3A_80] : memref<56x128xi32, #tpu.memory_space<vmem>> -> memref<56x128xi32, #tpu.memory_space<vmem>>
        %dma_wait3A_82 = arith.constant 0 : i32
        %dma_wait3A_83 = arith.constant 0 : i32
        %dma_wait3A_84 = tpu.memref_slice %arg3[%arg1, %dma_wait3A_82, %dma_wait3A_83] : memref<16x160x128xi32, #tpu.memory_space<hbm>> -> memref<1x56x128xi32, #tpu.memory_space<hbm>>
        %dma_wait3A_85 = tpu.memref_squeeze %dma_wait3A_84 : memref<1x56x128xi32, #tpu.memory_space<hbm>> -> memref<56x128xi32, #tpu.memory_space<hbm>>
        tpu.wait_dma2 semaphore(%run_scoped3A : memref<!tpu.dma_semaphore, #tpu.memory_space<semaphore_mem>>) src(%dma_wait3A_85 : memref<56x128xi32, #tpu.memory_space<hbm>>) dst(%dma_wait3A_81 : memref<56x128xi32, #tpu.memory_space<vmem>>)
        tpu.yield
      }) : () -> ()
      "tpu.region"() ({
        %run_scoped3A = tpu.sem_alloc : memref<!tpu.dma_semaphore, #tpu.memory_space<semaphore_mem>>
        %dma_start3A_59 = arith.constant 0 : i32
        %dma_start3A_60 = arith.constant 0 : i32
        %dma_start3A_61 = tpu.memref_slice %arg7[%dma_start3A_59, %dma_start3A_60] : memref<56x128xi32, #tpu.memory_space<vmem>> -> memref<56x128xi32, #tpu.memory_space<vmem>>
        %dma_start3A_62 = arith.constant 0 : i32
        %dma_start3A_63 = arith.constant 0 : i32
        %dma_start3A_64 = tpu.memref_slice %arg4[%arg1, %dma_start3A_62, %dma_start3A_63] : memref<16x160x128xi32, #tpu.memory_space<hbm>> -> memref<1x56x128xi32, #tpu.memory_space<hbm>>
        %dma_start3A_65 = tpu.memref_squeeze %dma_start3A_64 : memref<1x56x128xi32, #tpu.memory_space<hbm>> -> memref<56x128xi32, #tpu.memory_space<hbm>>
        %dma_start3A_66 = arith.constant 0 : i32
        %dma_start3A_67 = arith.constant 0 : i32
        %dma_start3A_68 = tpu.memref_slice %arg7[%dma_start3A_66, %dma_start3A_67] : memref<56x128xi32, #tpu.memory_space<vmem>> -> memref<56x128xi32, #tpu.memory_space<vmem>>
        %dma_start3A_69 = arith.constant 0 : i32
        %dma_start3A_70 = arith.constant 0 : i32
        %dma_start3A_71 = tpu.memref_slice %arg4[%arg1, %dma_start3A_69, %dma_start3A_70] : memref<16x160x128xi32, #tpu.memory_space<hbm>> -> memref<1x56x128xi32, #tpu.memory_space<hbm>>
        %dma_start3A_72 = tpu.memref_squeeze %dma_start3A_71 : memref<1x56x128xi32, #tpu.memory_space<hbm>> -> memref<56x128xi32, #tpu.memory_space<hbm>>
        tpu.enqueue_dma source(%dma_start3A_72 : memref<56x128xi32, #tpu.memory_space<hbm>>) target(%dma_start3A_68 : memref<56x128xi32, #tpu.memory_space<vmem>>) target_semaphore(%run_scoped3A : memref<!tpu.dma_semaphore, #tpu.memory_space<semaphore_mem>>)
        %dma_wait3A = arith.constant 0 : i32
        %dma_wait3A_73 = arith.constant 0 : i32
        %dma_wait3A_74 = tpu.memref_slice %arg7[%dma_wait3A, %dma_wait3A_73] : memref<56x128xi32, #tpu.memory_space<vmem>> -> memref<56x128xi32, #tpu.memory_space<vmem>>
        %dma_wait3A_75 = arith.constant 0 : i32
        %dma_wait3A_76 = arith.constant 0 : i32
        %dma_wait3A_77 = tpu.memref_slice %arg4[%arg1, %dma_wait3A_75, %dma_wait3A_76] : memref<16x160x128xi32, #tpu.memory_space<hbm>> -> memref<1x56x128xi32, #tpu.memory_space<hbm>>
        %dma_wait3A_78 = tpu.memref_squeeze %dma_wait3A_77 : memref<1x56x128xi32, #tpu.memory_space<hbm>> -> memref<56x128xi32, #tpu.memory_space<hbm>>
        %dma_wait3A_79 = arith.constant 0 : i32
        %dma_wait3A_80 = arith.constant 0 : i32
        %dma_wait3A_81 = tpu.memref_slice %arg7[%dma_wait3A_79, %dma_wait3A_80] : memref<56x128xi32, #tpu.memory_space<vmem>> -> memref<56x128xi32, #tpu.memory_space<vmem>>
        %dma_wait3A_82 = arith.constant 0 : i32
        %dma_wait3A_83 = arith.constant 0 : i32
        %dma_wait3A_84 = tpu.memref_slice %arg4[%arg1, %dma_wait3A_82, %dma_wait3A_83] : memref<16x160x128xi32, #tpu.memory_space<hbm>> -> memref<1x56x128xi32, #tpu.memory_space<hbm>>
        %dma_wait3A_85 = tpu.memref_squeeze %dma_wait3A_84 : memref<1x56x128xi32, #tpu.memory_space<hbm>> -> memref<56x128xi32, #tpu.memory_space<hbm>>
        tpu.wait_dma2 semaphore(%run_scoped3A : memref<!tpu.dma_semaphore, #tpu.memory_space<semaphore_mem>>) src(%dma_wait3A_85 : memref<56x128xi32, #tpu.memory_space<hbm>>) dst(%dma_wait3A_81 : memref<56x128xi32, #tpu.memory_space<vmem>>)
        tpu.yield
      }) : () -> ()
      %dma_start3A = arith.constant 0 : i32
      %dma_start3A_21 = arith.constant 0 : i32
      %dma_start3A_22 = tpu.memref_slice %arg6[%dma_start3A, %dma_start3A_21] : memref<56x128xi32, #tpu.memory_space<vmem>> -> memref<1x128xi32, #tpu.memory_space<vmem>>
      %dma_start3A_23 = tpu.memref_squeeze %dma_start3A_22 : memref<1x128xi32, #tpu.memory_space<vmem>> -> memref<128xi32, #tpu.memory_space<vmem>>
      %dma_start3A_24 = arith.constant 0 : i32
      %dma_start3A_25 = arith.constant 0 : i32
      %dma_start3A_26 = tpu.memref_slice %arg2[%dma_start3A_24, %dma_start3A_25] : memref<10240x128xf32, #tpu.memory_space<hbm>> -> memref<10240x128xf32, #tpu.memory_space<hbm>>
      tpu.enqueue_indirect_dma source(%dma_start3A_26 : memref<10240x128xf32, #tpu.memory_space<hbm>>) target(%arg8 : memref<128x128xf32, #tpu.memory_space<vmem>>) offsets(%dma_start3A_23 : memref<128xi32, #tpu.memory_space<vmem>>) semaphore(%arg10 : memref<!tpu.dma_semaphore, #tpu.memory_space<semaphore_mem>>)
      %scan3A_27 = arith.constant 0 : i32
      %scan3A_28 = arith.constant 0 : i32
      %scan3A_29 = arith.constant 28 : i32
      %scan3A_30 = arith.addi %scan3A_28, %scan3A_29 : i32
      %scan3A_31 = arith.constant 1 : i32
      scf.for %scan3A_59 = %scan3A_28 to %scan3A_30 step %scan3A_31  : i32 {
        %mul3A_60 = arith.constant 2 : i32
        %mul3A_61 = arith.muli %mul3A_60, %scan3A_59 : i32
        %add3A = arith.constant 1 : i32
        %add3A_62 = arith.addi %mul3A_61, %add3A : i32
        %dma_start3A_63 = arith.constant 0 : i32
        %dma_start3A_64 = tpu.memref_slice %arg6[%add3A_62, %dma_start3A_63] : memref<56x128xi32, #tpu.memory_space<vmem>> -> memref<1x128xi32, #tpu.memory_space<vmem>>
        %dma_start3A_65 = tpu.memref_squeeze %dma_start3A_64 : memref<1x128xi32, #tpu.memory_space<vmem>> -> memref<128xi32, #tpu.memory_space<vmem>>
        %dma_start3A_66 = arith.constant 0 : i32
        %dma_start3A_67 = arith.constant 0 : i32
        %dma_start3A_68 = tpu.memref_slice %arg2[%dma_start3A_66, %dma_start3A_67] : memref<10240x128xf32, #tpu.memory_space<hbm>> -> memref<10240x128xf32, #tpu.memory_space<hbm>>
        tpu.enqueue_indirect_dma source(%dma_start3A_68 : memref<10240x128xf32, #tpu.memory_space<hbm>>) target(%arg9 : memref<128x128xf32, #tpu.memory_space<vmem>>) offsets(%dma_start3A_65 : memref<128xi32, #tpu.memory_space<vmem>>) semaphore(%arg11 : memref<!tpu.dma_semaphore, #tpu.memory_space<semaphore_mem>>)
        %dma_wait3A = arith.constant 0 : i32
        %dma_wait3A_69 = tpu.memref_slice %arg6[%mul3A_61, %dma_wait3A] : memref<56x128xi32, #tpu.memory_space<vmem>> -> memref<1x128xi32, #tpu.memory_space<vmem>>
        %dma_wait3A_70 = tpu.memref_squeeze %dma_wait3A_69 : memref<1x128xi32, #tpu.memory_space<vmem>> -> memref<128xi32, #tpu.memory_space<vmem>>
        %dma_wait3A_71 = arith.constant 0 : i32
        %dma_wait3A_72 = arith.constant 0 : i32
        %dma_wait3A_73 = tpu.memref_slice %arg2[%dma_wait3A_71, %dma_wait3A_72] : memref<10240x128xf32, #tpu.memory_space<hbm>> -> memref<10240x128xf32, #tpu.memory_space<hbm>>
        tpu.wait_indirect_dma semaphore(%arg10 : memref<!tpu.dma_semaphore, #tpu.memory_space<semaphore_mem>>) src(%dma_wait3A_73 : memref<10240x128xf32, #tpu.memory_space<hbm>>) dst(%arg8 : memref<128x128xf32, #tpu.memory_space<vmem>>)
        "tpu.region"() ({
          %run_scoped3A = tpu.sem_alloc : memref<!tpu.dma_semaphore, #tpu.memory_space<semaphore_mem>>
          %dma_start3A_90 = arith.constant 0 : i32
          %dma_start3A_91 = tpu.memref_slice %arg7[%mul3A_61, %dma_start3A_90] : memref<56x128xi32, #tpu.memory_space<vmem>> -> memref<1x128xi32, #tpu.memory_space<vmem>>
          %dma_start3A_92 = tpu.memref_squeeze %dma_start3A_91 : memref<1x128xi32, #tpu.memory_space<vmem>> -> memref<128xi32, #tpu.memory_space<vmem>>
          %dma_start3A_93 = arith.constant 0 : i32
          %dma_start3A_94 = arith.constant 0 : i32
          %dma_start3A_95 = tpu.memref_slice %arg12[%dma_start3A_93, %dma_start3A_94] : memref<10240x128xf32, #tpu.memory_space<vmem_shared>> -> memref<10240x128xf32, #tpu.memory_space<vmem_shared>>
          tpu.enqueue_indirect_dma source(%arg8 : memref<128x128xf32, #tpu.memory_space<vmem>>) target(%dma_start3A_95 : memref<10240x128xf32, #tpu.memory_space<vmem_shared>>) offsets(%dma_start3A_92 : memref<128xi32, #tpu.memory_space<vmem>>) semaphore(%run_scoped3A : memref<!tpu.dma_semaphore, #tpu.memory_space<semaphore_mem>>) {add = true}
          %dma_wait3A_96 = arith.constant 0 : i32
          %dma_wait3A_97 = tpu.memref_slice %arg7[%mul3A_61, %dma_wait3A_96] : memref<56x128xi32, #tpu.memory_space<vmem>> -> memref<1x128xi32, #tpu.memory_space<vmem>>
          %dma_wait3A_98 = tpu.memref_squeeze %dma_wait3A_97 : memref<1x128xi32, #tpu.memory_space<vmem>> -> memref<128xi32, #tpu.memory_space<vmem>>
          %dma_wait3A_99 = arith.constant 0 : i32
          %dma_wait3A_100 = arith.constant 0 : i32
          %dma_wait3A_101 = tpu.memref_slice %arg12[%dma_wait3A_99, %dma_wait3A_100] : memref<10240x128xf32, #tpu.memory_space<vmem_shared>> -> memref<10240x128xf32, #tpu.memory_space<vmem_shared>>
          tpu.wait_indirect_dma semaphore(%run_scoped3A : memref<!tpu.dma_semaphore, #tpu.memory_space<semaphore_mem>>) src(%arg8 : memref<128x128xf32, #tpu.memory_space<vmem>>) dst(%dma_wait3A_101 : memref<10240x128xf32, #tpu.memory_space<vmem_shared>>)
          tpu.yield
        }) : () -> ()
        %add3A_74 = arith.constant 2 : i32
        %add3A_75 = arith.addi %mul3A_61, %add3A_74 : i32
        %lt3A = arith.constant 56 : i32
        %lt3A_76 = arith.cmpi slt, %add3A_75, %lt3A : i32
        %convert_element_type3A_77 = arith.extui %lt3A_76 : i1 to i32
        %cond3A_78 = arith.constant 0 : i32
        %cond3A_79 = arith.cmpi ne, %convert_element_type3A_77, %cond3A_78 : i32
        scf.if %cond3A_79 {
          %add3A_90 = arith.constant 2 : i32
          %add3A_91 = arith.addi %mul3A_61, %add3A_90 : i32
          %dma_start3A_92 = arith.constant 0 : i32
          %dma_start3A_93 = tpu.memref_slice %arg6[%add3A_91, %dma_start3A_92] : memref<56x128xi32, #tpu.memory_space<vmem>> -> memref<1x128xi32, #tpu.memory_space<vmem>>
          %dma_start3A_94 = tpu.memref_squeeze %dma_start3A_93 : memref<1x128xi32, #tpu.memory_space<vmem>> -> memref<128xi32, #tpu.memory_space<vmem>>
          %dma_start3A_95 = arith.constant 0 : i32
          %dma_start3A_96 = arith.constant 0 : i32
          %dma_start3A_97 = tpu.memref_slice %arg2[%dma_start3A_95, %dma_start3A_96] : memref<10240x128xf32, #tpu.memory_space<hbm>> -> memref<10240x128xf32, #tpu.memory_space<hbm>>
          tpu.enqueue_indirect_dma source(%dma_start3A_97 : memref<10240x128xf32, #tpu.memory_space<hbm>>) target(%arg8 : memref<128x128xf32, #tpu.memory_space<vmem>>) offsets(%dma_start3A_94 : memref<128xi32, #tpu.memory_space<vmem>>) semaphore(%arg10 : memref<!tpu.dma_semaphore, #tpu.memory_space<semaphore_mem>>)
        } else {
        }
        %add3A_80 = arith.constant 1 : i32
        %add3A_81 = arith.addi %mul3A_61, %add3A_80 : i32
        %dma_wait3A_82 = arith.constant 0 : i32
        %dma_wait3A_83 = tpu.memref_slice %arg6[%add3A_81, %dma_wait3A_82] : memref<56x128xi32, #tpu.memory_space<vmem>> -> memref<1x128xi32, #tpu.memory_space<vmem>>
        %dma_wait3A_84 = tpu.memref_squeeze %dma_wait3A_83 : memref<1x128xi32, #tpu.memory_space<vmem>> -> memref<128xi32, #tpu.memory_space<vmem>>
        %dma_wait3A_85 = arith.constant 0 : i32
        %dma_wait3A_86 = arith.constant 0 : i32
        %dma_wait3A_87 = tpu.memref_slice %arg2[%dma_wait3A_85, %dma_wait3A_86] : memref<10240x128xf32, #tpu.memory_space<hbm>> -> memref<10240x128xf32, #tpu.memory_space<hbm>>
        tpu.wait_indirect_dma semaphore(%arg11 : memref<!tpu.dma_semaphore, #tpu.memory_space<semaphore_mem>>) src(%dma_wait3A_87 : memref<10240x128xf32, #tpu.memory_space<hbm>>) dst(%arg9 : memref<128x128xf32, #tpu.memory_space<vmem>>)
        %add3A_88 = arith.constant 1 : i32
        %add3A_89 = arith.addi %mul3A_61, %add3A_88 : i32
        "tpu.region"() ({
          %run_scoped3A = tpu.sem_alloc : memref<!tpu.dma_semaphore, #tpu.memory_space<semaphore_mem>>
          %dma_start3A_90 = arith.constant 0 : i32
          %dma_start3A_91 = tpu.memref_slice %arg7[%add3A_89, %dma_start3A_90] : memref<56x128xi32, #tpu.memory_space<vmem>> -> memref<1x128xi32, #tpu.memory_space<vmem>>
          %dma_start3A_92 = tpu.memref_squeeze %dma_start3A_91 : memref<1x128xi32, #tpu.memory_space<vmem>> -> memref<128xi32, #tpu.memory_space<vmem>>
          %dma_start3A_93 = arith.constant 0 : i32
          %dma_start3A_94 = arith.constant 0 : i32
          %dma_start3A_95 = tpu.memref_slice %arg12[%dma_start3A_93, %dma_start3A_94] : memref<10240x128xf32, #tpu.memory_space<vmem_shared>> -> memref<10240x128xf32, #tpu.memory_space<vmem_shared>>
          tpu.enqueue_indirect_dma source(%arg9 : memref<128x128xf32, #tpu.memory_space<vmem>>) target(%dma_start3A_95 : memref<10240x128xf32, #tpu.memory_space<vmem_shared>>) offsets(%dma_start3A_92 : memref<128xi32, #tpu.memory_space<vmem>>) semaphore(%run_scoped3A : memref<!tpu.dma_semaphore, #tpu.memory_space<semaphore_mem>>) {add = true}
          %dma_wait3A_96 = arith.constant 0 : i32
          %dma_wait3A_97 = tpu.memref_slice %arg7[%add3A_89, %dma_wait3A_96] : memref<56x128xi32, #tpu.memory_space<vmem>> -> memref<1x128xi32, #tpu.memory_space<vmem>>
          %dma_wait3A_98 = tpu.memref_squeeze %dma_wait3A_97 : memref<1x128xi32, #tpu.memory_space<vmem>> -> memref<128xi32, #tpu.memory_space<vmem>>
          %dma_wait3A_99 = arith.constant 0 : i32
          %dma_wait3A_100 = arith.constant 0 : i32
          %dma_wait3A_101 = tpu.memref_slice %arg12[%dma_wait3A_99, %dma_wait3A_100] : memref<10240x128xf32, #tpu.memory_space<vmem_shared>> -> memref<10240x128xf32, #tpu.memory_space<vmem_shared>>
          tpu.wait_indirect_dma semaphore(%run_scoped3A : memref<!tpu.dma_semaphore, #tpu.memory_space<semaphore_mem>>) src(%arg9 : memref<128x128xf32, #tpu.memory_space<vmem>>) dst(%dma_wait3A_101 : memref<10240x128xf32, #tpu.memory_space<vmem_shared>>)
          tpu.yield
        }) : () -> ()
      }
      %scan3A_32 = arith.constant 28 : i32
      "tpu.region"() ({
        %run_scoped3A = tpu.sem_alloc : memref<!tpu.dma_semaphore, #tpu.memory_space<semaphore_mem>>
        %dma_start3A_59 = arith.constant 0 : i32
        %dma_start3A_60 = arith.constant 0 : i32
        %dma_start3A_61 = tpu.memref_slice %arg6[%dma_start3A_59, %dma_start3A_60] : memref<56x128xi32, #tpu.memory_space<vmem>> -> memref<56x128xi32, #tpu.memory_space<vmem>>
        %dma_start3A_62 = arith.constant 56 : i32
        %dma_start3A_63 = arith.constant 0 : i32
        %dma_start3A_64 = tpu.memref_slice %arg3[%arg1, %dma_start3A_62, %dma_start3A_63] : memref<16x160x128xi32, #tpu.memory_space<hbm>> -> memref<1x56x128xi32, #tpu.memory_space<hbm>>
        %dma_start3A_65 = tpu.memref_squeeze %dma_start3A_64 : memref<1x56x128xi32, #tpu.memory_space<hbm>> -> memref<56x128xi32, #tpu.memory_space<hbm>>
        %dma_start3A_66 = arith.constant 0 : i32
        %dma_start3A_67 = arith.constant 0 : i32
        %dma_start3A_68 = tpu.memref_slice %arg6[%dma_start3A_66, %dma_start3A_67] : memref<56x128xi32, #tpu.memory_space<vmem>> -> memref<56x128xi32, #tpu.memory_space<vmem>>
        %dma_start3A_69 = arith.constant 56 : i32
        %dma_start3A_70 = arith.constant 0 : i32
        %dma_start3A_71 = tpu.memref_slice %arg3[%arg1, %dma_start3A_69, %dma_start3A_70] : memref<16x160x128xi32, #tpu.memory_space<hbm>> -> memref<1x56x128xi32, #tpu.memory_space<hbm>>
        %dma_start3A_72 = tpu.memref_squeeze %dma_start3A_71 : memref<1x56x128xi32, #tpu.memory_space<hbm>> -> memref<56x128xi32, #tpu.memory_space<hbm>>
        tpu.enqueue_dma source(%dma_start3A_72 : memref<56x128xi32, #tpu.memory_space<hbm>>) target(%dma_start3A_68 : memref<56x128xi32, #tpu.memory_space<vmem>>) target_semaphore(%run_scoped3A : memref<!tpu.dma_semaphore, #tpu.memory_space<semaphore_mem>>)
        %dma_wait3A = arith.constant 0 : i32
        %dma_wait3A_73 = arith.constant 0 : i32
        %dma_wait3A_74 = tpu.memref_slice %arg6[%dma_wait3A, %dma_wait3A_73] : memref<56x128xi32, #tpu.memory_space<vmem>> -> memref<56x128xi32, #tpu.memory_space<vmem>>
        %dma_wait3A_75 = arith.constant 56 : i32
        %dma_wait3A_76 = arith.constant 0 : i32
        %dma_wait3A_77 = tpu.memref_slice %arg3[%arg1, %dma_wait3A_75, %dma_wait3A_76] : memref<16x160x128xi32, #tpu.memory_space<hbm>> -> memref<1x56x128xi32, #tpu.memory_space<hbm>>
        %dma_wait3A_78 = tpu.memref_squeeze %dma_wait3A_77 : memref<1x56x128xi32, #tpu.memory_space<hbm>> -> memref<56x128xi32, #tpu.memory_space<hbm>>
        %dma_wait3A_79 = arith.constant 0 : i32
        %dma_wait3A_80 = arith.constant 0 : i32
        %dma_wait3A_81 = tpu.memref_slice %arg6[%dma_wait3A_79, %dma_wait3A_80] : memref<56x128xi32, #tpu.memory_space<vmem>> -> memref<56x128xi32, #tpu.memory_space<vmem>>
        %dma_wait3A_82 = arith.constant 56 : i32
        %dma_wait3A_83 = arith.constant 0 : i32
        %dma_wait3A_84 = tpu.memref_slice %arg3[%arg1, %dma_wait3A_82, %dma_wait3A_83] : memref<16x160x128xi32, #tpu.memory_space<hbm>> -> memref<1x56x128xi32, #tpu.memory_space<hbm>>
        %dma_wait3A_85 = tpu.memref_squeeze %dma_wait3A_84 : memref<1x56x128xi32, #tpu.memory_space<hbm>> -> memref<56x128xi32, #tpu.memory_space<hbm>>
        tpu.wait_dma2 semaphore(%run_scoped3A : memref<!tpu.dma_semaphore, #tpu.memory_space<semaphore_mem>>) src(%dma_wait3A_85 : memref<56x128xi32, #tpu.memory_space<hbm>>) dst(%dma_wait3A_81 : memref<56x128xi32, #tpu.memory_space<vmem>>)
        tpu.yield
      }) : () -> ()
      "tpu.region"() ({
        %run_scoped3A = tpu.sem_alloc : memref<!tpu.dma_semaphore, #tpu.memory_space<semaphore_mem>>
        %dma_start3A_59 = arith.constant 0 : i32
        %dma_start3A_60 = arith.constant 0 : i32
        %dma_start3A_61 = tpu.memref_slice %arg7[%dma_start3A_59, %dma_start3A_60] : memref<56x128xi32, #tpu.memory_space<vmem>> -> memref<56x128xi32, #tpu.memory_space<vmem>>
        %dma_start3A_62 = arith.constant 56 : i32
        %dma_start3A_63 = arith.constant 0 : i32
        %dma_start3A_64 = tpu.memref_slice %arg4[%arg1, %dma_start3A_62, %dma_start3A_63] : memref<16x160x128xi32, #tpu.memory_space<hbm>> -> memref<1x56x128xi32, #tpu.memory_space<hbm>>
        %dma_start3A_65 = tpu.memref_squeeze %dma_start3A_64 : memref<1x56x128xi32, #tpu.memory_space<hbm>> -> memref<56x128xi32, #tpu.memory_space<hbm>>
        %dma_start3A_66 = arith.constant 0 : i32
        %dma_start3A_67 = arith.constant 0 : i32
        %dma_start3A_68 = tpu.memref_slice %arg7[%dma_start3A_66, %dma_start3A_67] : memref<56x128xi32, #tpu.memory_space<vmem>> -> memref<56x128xi32, #tpu.memory_space<vmem>>
        %dma_start3A_69 = arith.constant 56 : i32
        %dma_start3A_70 = arith.constant 0 : i32
        %dma_start3A_71 = tpu.memref_slice %arg4[%arg1, %dma_start3A_69, %dma_start3A_70] : memref<16x160x128xi32, #tpu.memory_space<hbm>> -> memref<1x56x128xi32, #tpu.memory_space<hbm>>
        %dma_start3A_72 = tpu.memref_squeeze %dma_start3A_71 : memref<1x56x128xi32, #tpu.memory_space<hbm>> -> memref<56x128xi32, #tpu.memory_space<hbm>>
        tpu.enqueue_dma source(%dma_start3A_72 : memref<56x128xi32, #tpu.memory_space<hbm>>) target(%dma_start3A_68 : memref<56x128xi32, #tpu.memory_space<vmem>>) target_semaphore(%run_scoped3A : memref<!tpu.dma_semaphore, #tpu.memory_space<semaphore_mem>>)
        %dma_wait3A = arith.constant 0 : i32
        %dma_wait3A_73 = arith.constant 0 : i32
        %dma_wait3A_74 = tpu.memref_slice %arg7[%dma_wait3A, %dma_wait3A_73] : memref<56x128xi32, #tpu.memory_space<vmem>> -> memref<56x128xi32, #tpu.memory_space<vmem>>
        %dma_wait3A_75 = arith.constant 56 : i32
        %dma_wait3A_76 = arith.constant 0 : i32
        %dma_wait3A_77 = tpu.memref_slice %arg4[%arg1, %dma_wait3A_75, %dma_wait3A_76] : memref<16x160x128xi32, #tpu.memory_space<hbm>> -> memref<1x56x128xi32, #tpu.memory_space<hbm>>
        %dma_wait3A_78 = tpu.memref_squeeze %dma_wait3A_77 : memref<1x56x128xi32, #tpu.memory_space<hbm>> -> memref<56x128xi32, #tpu.memory_space<hbm>>
        %dma_wait3A_79 = arith.constant 0 : i32
        %dma_wait3A_80 = arith.constant 0 : i32
        %dma_wait3A_81 = tpu.memref_slice %arg7[%dma_wait3A_79, %dma_wait3A_80] : memref<56x128xi32, #tpu.memory_space<vmem>> -> memref<56x128xi32, #tpu.memory_space<vmem>>
        %dma_wait3A_82 = arith.constant 56 : i32
        %dma_wait3A_83 = arith.constant 0 : i32
        %dma_wait3A_84 = tpu.memref_slice %arg4[%arg1, %dma_wait3A_82, %dma_wait3A_83] : memref<16x160x128xi32, #tpu.memory_space<hbm>> -> memref<1x56x128xi32, #tpu.memory_space<hbm>>
        %dma_wait3A_85 = tpu.memref_squeeze %dma_wait3A_84 : memref<1x56x128xi32, #tpu.memory_space<hbm>> -> memref<56x128xi32, #tpu.memory_space<hbm>>
        tpu.wait_dma2 semaphore(%run_scoped3A : memref<!tpu.dma_semaphore, #tpu.memory_space<semaphore_mem>>) src(%dma_wait3A_85 : memref<56x128xi32, #tpu.memory_space<hbm>>) dst(%dma_wait3A_81 : memref<56x128xi32, #tpu.memory_space<vmem>>)
        tpu.yield
      }) : () -> ()
      %dma_start3A_33 = arith.constant 0 : i32
      %dma_start3A_34 = arith.constant 0 : i32
      %dma_start3A_35 = tpu.memref_slice %arg6[%dma_start3A_33, %dma_start3A_34] : memref<56x128xi32, #tpu.memory_space<vmem>> -> memref<1x128xi32, #tpu.memory_space<vmem>>
      %dma_start3A_36 = tpu.memref_squeeze %dma_start3A_35 : memref<1x128xi32, #tpu.memory_space<vmem>> -> memref<128xi32, #tpu.memory_space<vmem>>
      %dma_start3A_37 = arith.constant 0 : i32
      %dma_start3A_38 = arith.constant 0 : i32
      %dma_start3A_39 = tpu.memref_slice %arg2[%dma_start3A_37, %dma_start3A_38] : memref<10240x128xf32, #tpu.memory_space<hbm>> -> memref<10240x128xf32, #tpu.memory_space<hbm>>
      tpu.enqueue_indirect_dma source(%dma_start3A_39 : memref<10240x128xf32, #tpu.memory_space<hbm>>) target(%arg8 : memref<128x128xf32, #tpu.memory_space<vmem>>) offsets(%dma_start3A_36 : memref<128xi32, #tpu.memory_space<vmem>>) semaphore(%arg10 : memref<!tpu.dma_semaphore, #tpu.memory_space<semaphore_mem>>)
      %scan3A_40 = arith.constant 0 : i32
      %scan3A_41 = arith.constant 0 : i32
      %scan3A_42 = arith.constant 28 : i32
      %scan3A_43 = arith.addi %scan3A_41, %scan3A_42 : i32
      %scan3A_44 = arith.constant 1 : i32
      scf.for %scan3A_59 = %scan3A_41 to %scan3A_43 step %scan3A_44  : i32 {
        %mul3A_60 = arith.constant 2 : i32
        %mul3A_61 = arith.muli %mul3A_60, %scan3A_59 : i32
        %add3A = arith.constant 1 : i32
        %add3A_62 = arith.addi %mul3A_61, %add3A : i32
        %dma_start3A_63 = arith.constant 0 : i32
        %dma_start3A_64 = tpu.memref_slice %arg6[%add3A_62, %dma_start3A_63] : memref<56x128xi32, #tpu.memory_space<vmem>> -> memref<1x128xi32, #tpu.memory_space<vmem>>
        %dma_start3A_65 = tpu.memref_squeeze %dma_start3A_64 : memref<1x128xi32, #tpu.memory_space<vmem>> -> memref<128xi32, #tpu.memory_space<vmem>>
        %dma_start3A_66 = arith.constant 0 : i32
        %dma_start3A_67 = arith.constant 0 : i32
        %dma_start3A_68 = tpu.memref_slice %arg2[%dma_start3A_66, %dma_start3A_67] : memref<10240x128xf32, #tpu.memory_space<hbm>> -> memref<10240x128xf32, #tpu.memory_space<hbm>>
        tpu.enqueue_indirect_dma source(%dma_start3A_68 : memref<10240x128xf32, #tpu.memory_space<hbm>>) target(%arg9 : memref<128x128xf32, #tpu.memory_space<vmem>>) offsets(%dma_start3A_65 : memref<128xi32, #tpu.memory_space<vmem>>) semaphore(%arg11 : memref<!tpu.dma_semaphore, #tpu.memory_space<semaphore_mem>>)
        %dma_wait3A = arith.constant 0 : i32
        %dma_wait3A_69 = tpu.memref_slice %arg6[%mul3A_61, %dma_wait3A] : memref<56x128xi32, #tpu.memory_space<vmem>> -> memref<1x128xi32, #tpu.memory_space<vmem>>
        %dma_wait3A_70 = tpu.memref_squeeze %dma_wait3A_69 : memref<1x128xi32, #tpu.memory_space<vmem>> -> memref<128xi32, #tpu.memory_space<vmem>>
        %dma_wait3A_71 = arith.constant 0 : i32
        %dma_wait3A_72 = arith.constant 0 : i32
        %dma_wait3A_73 = tpu.memref_slice %arg2[%dma_wait3A_71, %dma_wait3A_72] : memref<10240x128xf32, #tpu.memory_space<hbm>> -> memref<10240x128xf32, #tpu.memory_space<hbm>>
        tpu.wait_indirect_dma semaphore(%arg10 : memref<!tpu.dma_semaphore, #tpu.memory_space<semaphore_mem>>) src(%dma_wait3A_73 : memref<10240x128xf32, #tpu.memory_space<hbm>>) dst(%arg8 : memref<128x128xf32, #tpu.memory_space<vmem>>)
        "tpu.region"() ({
          %run_scoped3A = tpu.sem_alloc : memref<!tpu.dma_semaphore, #tpu.memory_space<semaphore_mem>>
          %dma_start3A_90 = arith.constant 0 : i32
          %dma_start3A_91 = tpu.memref_slice %arg7[%mul3A_61, %dma_start3A_90] : memref<56x128xi32, #tpu.memory_space<vmem>> -> memref<1x128xi32, #tpu.memory_space<vmem>>
          %dma_start3A_92 = tpu.memref_squeeze %dma_start3A_91 : memref<1x128xi32, #tpu.memory_space<vmem>> -> memref<128xi32, #tpu.memory_space<vmem>>
          %dma_start3A_93 = arith.constant 0 : i32
          %dma_start3A_94 = arith.constant 0 : i32
          %dma_start3A_95 = tpu.memref_slice %arg12[%dma_start3A_93, %dma_start3A_94] : memref<10240x128xf32, #tpu.memory_space<vmem_shared>> -> memref<10240x128xf32, #tpu.memory_space<vmem_shared>>
          tpu.enqueue_indirect_dma source(%arg8 : memref<128x128xf32, #tpu.memory_space<vmem>>) target(%dma_start3A_95 : memref<10240x128xf32, #tpu.memory_space<vmem_shared>>) offsets(%dma_start3A_92 : memref<128xi32, #tpu.memory_space<vmem>>) semaphore(%run_scoped3A : memref<!tpu.dma_semaphore, #tpu.memory_space<semaphore_mem>>) {add = true}
          %dma_wait3A_96 = arith.constant 0 : i32
          %dma_wait3A_97 = tpu.memref_slice %arg7[%mul3A_61, %dma_wait3A_96] : memref<56x128xi32, #tpu.memory_space<vmem>> -> memref<1x128xi32, #tpu.memory_space<vmem>>
          %dma_wait3A_98 = tpu.memref_squeeze %dma_wait3A_97 : memref<1x128xi32, #tpu.memory_space<vmem>> -> memref<128xi32, #tpu.memory_space<vmem>>
          %dma_wait3A_99 = arith.constant 0 : i32
          %dma_wait3A_100 = arith.constant 0 : i32
          %dma_wait3A_101 = tpu.memref_slice %arg12[%dma_wait3A_99, %dma_wait3A_100] : memref<10240x128xf32, #tpu.memory_space<vmem_shared>> -> memref<10240x128xf32, #tpu.memory_space<vmem_shared>>
          tpu.wait_indirect_dma semaphore(%run_scoped3A : memref<!tpu.dma_semaphore, #tpu.memory_space<semaphore_mem>>) src(%arg8 : memref<128x128xf32, #tpu.memory_space<vmem>>) dst(%dma_wait3A_101 : memref<10240x128xf32, #tpu.memory_space<vmem_shared>>)
          tpu.yield
        }) : () -> ()
        %add3A_74 = arith.constant 2 : i32
        %add3A_75 = arith.addi %mul3A_61, %add3A_74 : i32
        %lt3A = arith.constant 56 : i32
        %lt3A_76 = arith.cmpi slt, %add3A_75, %lt3A : i32
        %convert_element_type3A_77 = arith.extui %lt3A_76 : i1 to i32
        %cond3A_78 = arith.constant 0 : i32
        %cond3A_79 = arith.cmpi ne, %convert_element_type3A_77, %cond3A_78 : i32
        scf.if %cond3A_79 {
          %add3A_90 = arith.constant 2 : i32
          %add3A_91 = arith.addi %mul3A_61, %add3A_90 : i32
          %dma_start3A_92 = arith.constant 0 : i32
          %dma_start3A_93 = tpu.memref_slice %arg6[%add3A_91, %dma_start3A_92] : memref<56x128xi32, #tpu.memory_space<vmem>> -> memref<1x128xi32, #tpu.memory_space<vmem>>
          %dma_start3A_94 = tpu.memref_squeeze %dma_start3A_93 : memref<1x128xi32, #tpu.memory_space<vmem>> -> memref<128xi32, #tpu.memory_space<vmem>>
          %dma_start3A_95 = arith.constant 0 : i32
          %dma_start3A_96 = arith.constant 0 : i32
          %dma_start3A_97 = tpu.memref_slice %arg2[%dma_start3A_95, %dma_start3A_96] : memref<10240x128xf32, #tpu.memory_space<hbm>> -> memref<10240x128xf32, #tpu.memory_space<hbm>>
          tpu.enqueue_indirect_dma source(%dma_start3A_97 : memref<10240x128xf32, #tpu.memory_space<hbm>>) target(%arg8 : memref<128x128xf32, #tpu.memory_space<vmem>>) offsets(%dma_start3A_94 : memref<128xi32, #tpu.memory_space<vmem>>) semaphore(%arg10 : memref<!tpu.dma_semaphore, #tpu.memory_space<semaphore_mem>>)
        } else {
        }
        %add3A_80 = arith.constant 1 : i32
        %add3A_81 = arith.addi %mul3A_61, %add3A_80 : i32
        %dma_wait3A_82 = arith.constant 0 : i32
        %dma_wait3A_83 = tpu.memref_slice %arg6[%add3A_81, %dma_wait3A_82] : memref<56x128xi32, #tpu.memory_space<vmem>> -> memref<1x128xi32, #tpu.memory_space<vmem>>
        %dma_wait3A_84 = tpu.memref_squeeze %dma_wait3A_83 : memref<1x128xi32, #tpu.memory_space<vmem>> -> memref<128xi32, #tpu.memory_space<vmem>>
        %dma_wait3A_85 = arith.constant 0 : i32
        %dma_wait3A_86 = arith.constant 0 : i32
        %dma_wait3A_87 = tpu.memref_slice %arg2[%dma_wait3A_85, %dma_wait3A_86] : memref<10240x128xf32, #tpu.memory_space<hbm>> -> memref<10240x128xf32, #tpu.memory_space<hbm>>
        tpu.wait_indirect_dma semaphore(%arg11 : memref<!tpu.dma_semaphore, #tpu.memory_space<semaphore_mem>>) src(%dma_wait3A_87 : memref<10240x128xf32, #tpu.memory_space<hbm>>) dst(%arg9 : memref<128x128xf32, #tpu.memory_space<vmem>>)
        %add3A_88 = arith.constant 1 : i32
        %add3A_89 = arith.addi %mul3A_61, %add3A_88 : i32
        "tpu.region"() ({
          %run_scoped3A = tpu.sem_alloc : memref<!tpu.dma_semaphore, #tpu.memory_space<semaphore_mem>>
          %dma_start3A_90 = arith.constant 0 : i32
          %dma_start3A_91 = tpu.memref_slice %arg7[%add3A_89, %dma_start3A_90] : memref<56x128xi32, #tpu.memory_space<vmem>> -> memref<1x128xi32, #tpu.memory_space<vmem>>
          %dma_start3A_92 = tpu.memref_squeeze %dma_start3A_91 : memref<1x128xi32, #tpu.memory_space<vmem>> -> memref<128xi32, #tpu.memory_space<vmem>>
          %dma_start3A_93 = arith.constant 0 : i32
          %dma_start3A_94 = arith.constant 0 : i32
          %dma_start3A_95 = tpu.memref_slice %arg12[%dma_start3A_93, %dma_start3A_94] : memref<10240x128xf32, #tpu.memory_space<vmem_shared>> -> memref<10240x128xf32, #tpu.memory_space<vmem_shared>>
          tpu.enqueue_indirect_dma source(%arg9 : memref<128x128xf32, #tpu.memory_space<vmem>>) target(%dma_start3A_95 : memref<10240x128xf32, #tpu.memory_space<vmem_shared>>) offsets(%dma_start3A_92 : memref<128xi32, #tpu.memory_space<vmem>>) semaphore(%run_scoped3A : memref<!tpu.dma_semaphore, #tpu.memory_space<semaphore_mem>>) {add = true}
          %dma_wait3A_96 = arith.constant 0 : i32
          %dma_wait3A_97 = tpu.memref_slice %arg7[%add3A_89, %dma_wait3A_96] : memref<56x128xi32, #tpu.memory_space<vmem>> -> memref<1x128xi32, #tpu.memory_space<vmem>>
          %dma_wait3A_98 = tpu.memref_squeeze %dma_wait3A_97 : memref<1x128xi32, #tpu.memory_space<vmem>> -> memref<128xi32, #tpu.memory_space<vmem>>
          %dma_wait3A_99 = arith.constant 0 : i32
          %dma_wait3A_100 = arith.constant 0 : i32
          %dma_wait3A_101 = tpu.memref_slice %arg12[%dma_wait3A_99, %dma_wait3A_100] : memref<10240x128xf32, #tpu.memory_space<vmem_shared>> -> memref<10240x128xf32, #tpu.memory_space<vmem_shared>>
          tpu.wait_indirect_dma semaphore(%run_scoped3A : memref<!tpu.dma_semaphore, #tpu.memory_space<semaphore_mem>>) src(%arg9 : memref<128x128xf32, #tpu.memory_space<vmem>>) dst(%dma_wait3A_101 : memref<10240x128xf32, #tpu.memory_space<vmem_shared>>)
          tpu.yield
        }) : () -> ()
      }
      %scan3A_45 = arith.constant 28 : i32
      "tpu.region"() ({
        %run_scoped3A = tpu.sem_alloc : memref<!tpu.dma_semaphore, #tpu.memory_space<semaphore_mem>>
        %dma_start3A_59 = arith.constant 0 : i32
        %dma_start3A_60 = arith.constant 0 : i32
        %dma_start3A_61 = tpu.memref_slice %arg6[%dma_start3A_59, %dma_start3A_60] : memref<56x128xi32, #tpu.memory_space<vmem>> -> memref<8x128xi32, #tpu.memory_space<vmem>>
        %dma_start3A_62 = arith.constant 112 : i32
        %dma_start3A_63 = arith.constant 0 : i32
        %dma_start3A_64 = tpu.memref_slice %arg3[%arg1, %dma_start3A_62, %dma_start3A_63] : memref<16x160x128xi32, #tpu.memory_space<hbm>> -> memref<1x8x128xi32, #tpu.memory_space<hbm>>
        %dma_start3A_65 = tpu.memref_squeeze %dma_start3A_64 : memref<1x8x128xi32, #tpu.memory_space<hbm>> -> memref<8x128xi32, #tpu.memory_space<hbm>>
        %dma_start3A_66 = arith.constant 0 : i32
        %dma_start3A_67 = arith.constant 0 : i32
        %dma_start3A_68 = tpu.memref_slice %arg6[%dma_start3A_66, %dma_start3A_67] : memref<56x128xi32, #tpu.memory_space<vmem>> -> memref<8x128xi32, #tpu.memory_space<vmem>>
        %dma_start3A_69 = arith.constant 112 : i32
        %dma_start3A_70 = arith.constant 0 : i32
        %dma_start3A_71 = tpu.memref_slice %arg3[%arg1, %dma_start3A_69, %dma_start3A_70] : memref<16x160x128xi32, #tpu.memory_space<hbm>> -> memref<1x8x128xi32, #tpu.memory_space<hbm>>
        %dma_start3A_72 = tpu.memref_squeeze %dma_start3A_71 : memref<1x8x128xi32, #tpu.memory_space<hbm>> -> memref<8x128xi32, #tpu.memory_space<hbm>>
        tpu.enqueue_dma source(%dma_start3A_72 : memref<8x128xi32, #tpu.memory_space<hbm>>) target(%dma_start3A_68 : memref<8x128xi32, #tpu.memory_space<vmem>>) target_semaphore(%run_scoped3A : memref<!tpu.dma_semaphore, #tpu.memory_space<semaphore_mem>>)
        %dma_wait3A = arith.constant 0 : i32
        %dma_wait3A_73 = arith.constant 0 : i32
        %dma_wait3A_74 = tpu.memref_slice %arg6[%dma_wait3A, %dma_wait3A_73] : memref<56x128xi32, #tpu.memory_space<vmem>> -> memref<8x128xi32, #tpu.memory_space<vmem>>
        %dma_wait3A_75 = arith.constant 112 : i32
        %dma_wait3A_76 = arith.constant 0 : i32
        %dma_wait3A_77 = tpu.memref_slice %arg3[%arg1, %dma_wait3A_75, %dma_wait3A_76] : memref<16x160x128xi32, #tpu.memory_space<hbm>> -> memref<1x8x128xi32, #tpu.memory_space<hbm>>
        %dma_wait3A_78 = tpu.memref_squeeze %dma_wait3A_77 : memref<1x8x128xi32, #tpu.memory_space<hbm>> -> memref<8x128xi32, #tpu.memory_space<hbm>>
        %dma_wait3A_79 = arith.constant 0 : i32
        %dma_wait3A_80 = arith.constant 0 : i32
        %dma_wait3A_81 = tpu.memref_slice %arg6[%dma_wait3A_79, %dma_wait3A_80] : memref<56x128xi32, #tpu.memory_space<vmem>> -> memref<8x128xi32, #tpu.memory_space<vmem>>
        %dma_wait3A_82 = arith.constant 112 : i32
        %dma_wait3A_83 = arith.constant 0 : i32
        %dma_wait3A_84 = tpu.memref_slice %arg3[%arg1, %dma_wait3A_82, %dma_wait3A_83] : memref<16x160x128xi32, #tpu.memory_space<hbm>> -> memref<1x8x128xi32, #tpu.memory_space<hbm>>
        %dma_wait3A_85 = tpu.memref_squeeze %dma_wait3A_84 : memref<1x8x128xi32, #tpu.memory_space<hbm>> -> memref<8x128xi32, #tpu.memory_space<hbm>>
        tpu.wait_dma2 semaphore(%run_scoped3A : memref<!tpu.dma_semaphore, #tpu.memory_space<semaphore_mem>>) src(%dma_wait3A_85 : memref<8x128xi32, #tpu.memory_space<hbm>>) dst(%dma_wait3A_81 : memref<8x128xi32, #tpu.memory_space<vmem>>)
        tpu.yield
      }) : () -> ()
      "tpu.region"() ({
        %run_scoped3A = tpu.sem_alloc : memref<!tpu.dma_semaphore, #tpu.memory_space<semaphore_mem>>
        %dma_start3A_59 = arith.constant 0 : i32
        %dma_start3A_60 = arith.constant 0 : i32
        %dma_start3A_61 = tpu.memref_slice %arg7[%dma_start3A_59, %dma_start3A_60] : memref<56x128xi32, #tpu.memory_space<vmem>> -> memref<8x128xi32, #tpu.memory_space<vmem>>
        %dma_start3A_62 = arith.constant 112 : i32
        %dma_start3A_63 = arith.constant 0 : i32
        %dma_start3A_64 = tpu.memref_slice %arg4[%arg1, %dma_start3A_62, %dma_start3A_63] : memref<16x160x128xi32, #tpu.memory_space<hbm>> -> memref<1x8x128xi32, #tpu.memory_space<hbm>>
        %dma_start3A_65 = tpu.memref_squeeze %dma_start3A_64 : memref<1x8x128xi32, #tpu.memory_space<hbm>> -> memref<8x128xi32, #tpu.memory_space<hbm>>
        %dma_start3A_66 = arith.constant 0 : i32
        %dma_start3A_67 = arith.constant 0 : i32
        %dma_start3A_68 = tpu.memref_slice %arg7[%dma_start3A_66, %dma_start3A_67] : memref<56x128xi32, #tpu.memory_space<vmem>> -> memref<8x128xi32, #tpu.memory_space<vmem>>
        %dma_start3A_69 = arith.constant 112 : i32
        %dma_start3A_70 = arith.constant 0 : i32
        %dma_start3A_71 = tpu.memref_slice %arg4[%arg1, %dma_start3A_69, %dma_start3A_70] : memref<16x160x128xi32, #tpu.memory_space<hbm>> -> memref<1x8x128xi32, #tpu.memory_space<hbm>>
        %dma_start3A_72 = tpu.memref_squeeze %dma_start3A_71 : memref<1x8x128xi32, #tpu.memory_space<hbm>> -> memref<8x128xi32, #tpu.memory_space<hbm>>
        tpu.enqueue_dma source(%dma_start3A_72 : memref<8x128xi32, #tpu.memory_space<hbm>>) target(%dma_start3A_68 : memref<8x128xi32, #tpu.memory_space<vmem>>) target_semaphore(%run_scoped3A : memref<!tpu.dma_semaphore, #tpu.memory_space<semaphore_mem>>)
        %dma_wait3A = arith.constant 0 : i32
        %dma_wait3A_73 = arith.constant 0 : i32
        %dma_wait3A_74 = tpu.memref_slice %arg7[%dma_wait3A, %dma_wait3A_73] : memref<56x128xi32, #tpu.memory_space<vmem>> -> memref<8x128xi32, #tpu.memory_space<vmem>>
        %dma_wait3A_75 = arith.constant 112 : i32
        %dma_wait3A_76 = arith.constant 0 : i32
        %dma_wait3A_77 = tpu.memref_slice %arg4[%arg1, %dma_wait3A_75, %dma_wait3A_76] : memref<16x160x128xi32, #tpu.memory_space<hbm>> -> memref<1x8x128xi32, #tpu.memory_space<hbm>>
        %dma_wait3A_78 = tpu.memref_squeeze %dma_wait3A_77 : memref<1x8x128xi32, #tpu.memory_space<hbm>> -> memref<8x128xi32, #tpu.memory_space<hbm>>
        %dma_wait3A_79 = arith.constant 0 : i32
        %dma_wait3A_80 = arith.constant 0 : i32
        %dma_wait3A_81 = tpu.memref_slice %arg7[%dma_wait3A_79, %dma_wait3A_80] : memref<56x128xi32, #tpu.memory_space<vmem>> -> memref<8x128xi32, #tpu.memory_space<vmem>>
        %dma_wait3A_82 = arith.constant 112 : i32
        %dma_wait3A_83 = arith.constant 0 : i32
        %dma_wait3A_84 = tpu.memref_slice %arg4[%arg1, %dma_wait3A_82, %dma_wait3A_83] : memref<16x160x128xi32, #tpu.memory_space<hbm>> -> memref<1x8x128xi32, #tpu.memory_space<hbm>>
        %dma_wait3A_85 = tpu.memref_squeeze %dma_wait3A_84 : memref<1x8x128xi32, #tpu.memory_space<hbm>> -> memref<8x128xi32, #tpu.memory_space<hbm>>
        tpu.wait_dma2 semaphore(%run_scoped3A : memref<!tpu.dma_semaphore, #tpu.memory_space<semaphore_mem>>) src(%dma_wait3A_85 : memref<8x128xi32, #tpu.memory_space<hbm>>) dst(%dma_wait3A_81 : memref<8x128xi32, #tpu.memory_space<vmem>>)
        tpu.yield
      }) : () -> ()
      %dma_start3A_46 = arith.constant 0 : i32
      %dma_start3A_47 = arith.constant 0 : i32
      %dma_start3A_48 = tpu.memref_slice %arg6[%dma_start3A_46, %dma_start3A_47] : memref<56x128xi32, #tpu.memory_space<vmem>> -> memref<1x128xi32, #tpu.memory_space<vmem>>
      %dma_start3A_49 = tpu.memref_squeeze %dma_start3A_48 : memref<1x128xi32, #tpu.memory_space<vmem>> -> memref<128xi32, #tpu.memory_space<vmem>>
      %dma_start3A_50 = arith.constant 0 : i32
      %dma_start3A_51 = arith.constant 0 : i32
      %dma_start3A_52 = tpu.memref_slice %arg2[%dma_start3A_50, %dma_start3A_51] : memref<10240x128xf32, #tpu.memory_space<hbm>> -> memref<10240x128xf32, #tpu.memory_space<hbm>>
      tpu.enqueue_indirect_dma source(%dma_start3A_52 : memref<10240x128xf32, #tpu.memory_space<hbm>>) target(%arg8 : memref<128x128xf32, #tpu.memory_space<vmem>>) offsets(%dma_start3A_49 : memref<128xi32, #tpu.memory_space<vmem>>) semaphore(%arg10 : memref<!tpu.dma_semaphore, #tpu.memory_space<semaphore_mem>>)
      %scan3A_53 = arith.constant 0 : i32
      %scan3A_54 = arith.constant 0 : i32
      %scan3A_55 = arith.constant 4 : i32
      %scan3A_56 = arith.addi %scan3A_54, %scan3A_55 : i32
      %scan3A_57 = arith.constant 1 : i32
      scf.for %scan3A_59 = %scan3A_54 to %scan3A_56 step %scan3A_57  : i32 {
        %mul3A_60 = arith.constant 2 : i32
        %mul3A_61 = arith.muli %mul3A_60, %scan3A_59 : i32
        %add3A = arith.constant 1 : i32
        %add3A_62 = arith.addi %mul3A_61, %add3A : i32
        %dma_start3A_63 = arith.constant 0 : i32
        %dma_start3A_64 = tpu.memref_slice %arg6[%add3A_62, %dma_start3A_63] : memref<56x128xi32, #tpu.memory_space<vmem>> -> memref<1x128xi32, #tpu.memory_space<vmem>>
        %dma_start3A_65 = tpu.memref_squeeze %dma_start3A_64 : memref<1x128xi32, #tpu.memory_space<vmem>> -> memref<128xi32, #tpu.memory_space<vmem>>
        %dma_start3A_66 = arith.constant 0 : i32
        %dma_start3A_67 = arith.constant 0 : i32
        %dma_start3A_68 = tpu.memref_slice %arg2[%dma_start3A_66, %dma_start3A_67] : memref<10240x128xf32, #tpu.memory_space<hbm>> -> memref<10240x128xf32, #tpu.memory_space<hbm>>
        tpu.enqueue_indirect_dma source(%dma_start3A_68 : memref<10240x128xf32, #tpu.memory_space<hbm>>) target(%arg9 : memref<128x128xf32, #tpu.memory_space<vmem>>) offsets(%dma_start3A_65 : memref<128xi32, #tpu.memory_space<vmem>>) semaphore(%arg11 : memref<!tpu.dma_semaphore, #tpu.memory_space<semaphore_mem>>)
        %dma_wait3A = arith.constant 0 : i32
        %dma_wait3A_69 = tpu.memref_slice %arg6[%mul3A_61, %dma_wait3A] : memref<56x128xi32, #tpu.memory_space<vmem>> -> memref<1x128xi32, #tpu.memory_space<vmem>>
        %dma_wait3A_70 = tpu.memref_squeeze %dma_wait3A_69 : memref<1x128xi32, #tpu.memory_space<vmem>> -> memref<128xi32, #tpu.memory_space<vmem>>
        %dma_wait3A_71 = arith.constant 0 : i32
        %dma_wait3A_72 = arith.constant 0 : i32
        %dma_wait3A_73 = tpu.memref_slice %arg2[%dma_wait3A_71, %dma_wait3A_72] : memref<10240x128xf32, #tpu.memory_space<hbm>> -> memref<10240x128xf32, #tpu.memory_space<hbm>>
        tpu.wait_indirect_dma semaphore(%arg10 : memref<!tpu.dma_semaphore, #tpu.memory_space<semaphore_mem>>) src(%dma_wait3A_73 : memref<10240x128xf32, #tpu.memory_space<hbm>>) dst(%arg8 : memref<128x128xf32, #tpu.memory_space<vmem>>)
        "tpu.region"() ({
          %run_scoped3A = tpu.sem_alloc : memref<!tpu.dma_semaphore, #tpu.memory_space<semaphore_mem>>
          %dma_start3A_90 = arith.constant 0 : i32
          %dma_start3A_91 = tpu.memref_slice %arg7[%mul3A_61, %dma_start3A_90] : memref<56x128xi32, #tpu.memory_space<vmem>> -> memref<1x128xi32, #tpu.memory_space<vmem>>
          %dma_start3A_92 = tpu.memref_squeeze %dma_start3A_91 : memref<1x128xi32, #tpu.memory_space<vmem>> -> memref<128xi32, #tpu.memory_space<vmem>>
          %dma_start3A_93 = arith.constant 0 : i32
          %dma_start3A_94 = arith.constant 0 : i32
          %dma_start3A_95 = tpu.memref_slice %arg12[%dma_start3A_93, %dma_start3A_94] : memref<10240x128xf32, #tpu.memory_space<vmem_shared>> -> memref<10240x128xf32, #tpu.memory_space<vmem_shared>>
          tpu.enqueue_indirect_dma source(%arg8 : memref<128x128xf32, #tpu.memory_space<vmem>>) target(%dma_start3A_95 : memref<10240x128xf32, #tpu.memory_space<vmem_shared>>) offsets(%dma_start3A_92 : memref<128xi32, #tpu.memory_space<vmem>>) semaphore(%run_scoped3A : memref<!tpu.dma_semaphore, #tpu.memory_space<semaphore_mem>>) {add = true}
          %dma_wait3A_96 = arith.constant 0 : i32
          %dma_wait3A_97 = tpu.memref_slice %arg7[%mul3A_61, %dma_wait3A_96] : memref<56x128xi32, #tpu.memory_space<vmem>> -> memref<1x128xi32, #tpu.memory_space<vmem>>
          %dma_wait3A_98 = tpu.memref_squeeze %dma_wait3A_97 : memref<1x128xi32, #tpu.memory_space<vmem>> -> memref<128xi32, #tpu.memory_space<vmem>>
          %dma_wait3A_99 = arith.constant 0 : i32
          %dma_wait3A_100 = arith.constant 0 : i32
          %dma_wait3A_101 = tpu.memref_slice %arg12[%dma_wait3A_99, %dma_wait3A_100] : memref<10240x128xf32, #tpu.memory_space<vmem_shared>> -> memref<10240x128xf32, #tpu.memory_space<vmem_shared>>
          tpu.wait_indirect_dma semaphore(%run_scoped3A : memref<!tpu.dma_semaphore, #tpu.memory_space<semaphore_mem>>) src(%arg8 : memref<128x128xf32, #tpu.memory_space<vmem>>) dst(%dma_wait3A_101 : memref<10240x128xf32, #tpu.memory_space<vmem_shared>>)
          tpu.yield
        }) : () -> ()
        %add3A_74 = arith.constant 2 : i32
        %add3A_75 = arith.addi %mul3A_61, %add3A_74 : i32
        %lt3A = arith.constant 8 : i32
        %lt3A_76 = arith.cmpi slt, %add3A_75, %lt3A : i32
        %convert_element_type3A_77 = arith.extui %lt3A_76 : i1 to i32
        %cond3A_78 = arith.constant 0 : i32
        %cond3A_79 = arith.cmpi ne, %convert_element_type3A_77, %cond3A_78 : i32
        scf.if %cond3A_79 {
          %add3A_90 = arith.constant 2 : i32
          %add3A_91 = arith.addi %mul3A_61, %add3A_90 : i32
          %dma_start3A_92 = arith.constant 0 : i32
          %dma_start3A_93 = tpu.memref_slice %arg6[%add3A_91, %dma_start3A_92] : memref<56x128xi32, #tpu.memory_space<vmem>> -> memref<1x128xi32, #tpu.memory_space<vmem>>
          %dma_start3A_94 = tpu.memref_squeeze %dma_start3A_93 : memref<1x128xi32, #tpu.memory_space<vmem>> -> memref<128xi32, #tpu.memory_space<vmem>>
          %dma_start3A_95 = arith.constant 0 : i32
          %dma_start3A_96 = arith.constant 0 : i32
          %dma_start3A_97 = tpu.memref_slice %arg2[%dma_start3A_95, %dma_start3A_96] : memref<10240x128xf32, #tpu.memory_space<hbm>> -> memref<10240x128xf32, #tpu.memory_space<hbm>>
          tpu.enqueue_indirect_dma source(%dma_start3A_97 : memref<10240x128xf32, #tpu.memory_space<hbm>>) target(%arg8 : memref<128x128xf32, #tpu.memory_space<vmem>>) offsets(%dma_start3A_94 : memref<128xi32, #tpu.memory_space<vmem>>) semaphore(%arg10 : memref<!tpu.dma_semaphore, #tpu.memory_space<semaphore_mem>>)
        } else {
        }
        %add3A_80 = arith.constant 1 : i32
        %add3A_81 = arith.addi %mul3A_61, %add3A_80 : i32
        %dma_wait3A_82 = arith.constant 0 : i32
        %dma_wait3A_83 = tpu.memref_slice %arg6[%add3A_81, %dma_wait3A_82] : memref<56x128xi32, #tpu.memory_space<vmem>> -> memref<1x128xi32, #tpu.memory_space<vmem>>
        %dma_wait3A_84 = tpu.memref_squeeze %dma_wait3A_83 : memref<1x128xi32, #tpu.memory_space<vmem>> -> memref<128xi32, #tpu.memory_space<vmem>>
        %dma_wait3A_85 = arith.constant 0 : i32
        %dma_wait3A_86 = arith.constant 0 : i32
        %dma_wait3A_87 = tpu.memref_slice %arg2[%dma_wait3A_85, %dma_wait3A_86] : memref<10240x128xf32, #tpu.memory_space<hbm>> -> memref<10240x128xf32, #tpu.memory_space<hbm>>
        tpu.wait_indirect_dma semaphore(%arg11 : memref<!tpu.dma_semaphore, #tpu.memory_space<semaphore_mem>>) src(%dma_wait3A_87 : memref<10240x128xf32, #tpu.memory_space<hbm>>) dst(%arg9 : memref<128x128xf32, #tpu.memory_space<vmem>>)
        %add3A_88 = arith.constant 1 : i32
        %add3A_89 = arith.addi %mul3A_61, %add3A_88 : i32
        "tpu.region"() ({
          %run_scoped3A = tpu.sem_alloc : memref<!tpu.dma_semaphore, #tpu.memory_space<semaphore_mem>>
          %dma_start3A_90 = arith.constant 0 : i32
          %dma_start3A_91 = tpu.memref_slice %arg7[%add3A_89, %dma_start3A_90] : memref<56x128xi32, #tpu.memory_space<vmem>> -> memref<1x128xi32, #tpu.memory_space<vmem>>
          %dma_start3A_92 = tpu.memref_squeeze %dma_start3A_91 : memref<1x128xi32, #tpu.memory_space<vmem>> -> memref<128xi32, #tpu.memory_space<vmem>>
          %dma_start3A_93 = arith.constant 0 : i32
          %dma_start3A_94 = arith.constant 0 : i32
          %dma_start3A_95 = tpu.memref_slice %arg12[%dma_start3A_93, %dma_start3A_94] : memref<10240x128xf32, #tpu.memory_space<vmem_shared>> -> memref<10240x128xf32, #tpu.memory_space<vmem_shared>>
          tpu.enqueue_indirect_dma source(%arg9 : memref<128x128xf32, #tpu.memory_space<vmem>>) target(%dma_start3A_95 : memref<10240x128xf32, #tpu.memory_space<vmem_shared>>) offsets(%dma_start3A_92 : memref<128xi32, #tpu.memory_space<vmem>>) semaphore(%run_scoped3A : memref<!tpu.dma_semaphore, #tpu.memory_space<semaphore_mem>>) {add = true}
          %dma_wait3A_96 = arith.constant 0 : i32
          %dma_wait3A_97 = tpu.memref_slice %arg7[%add3A_89, %dma_wait3A_96] : memref<56x128xi32, #tpu.memory_space<vmem>> -> memref<1x128xi32, #tpu.memory_space<vmem>>
          %dma_wait3A_98 = tpu.memref_squeeze %dma_wait3A_97 : memref<1x128xi32, #tpu.memory_space<vmem>> -> memref<128xi32, #tpu.memory_space<vmem>>
          %dma_wait3A_99 = arith.constant 0 : i32
          %dma_wait3A_100 = arith.constant 0 : i32
          %dma_wait3A_101 = tpu.memref_slice %arg12[%dma_wait3A_99, %dma_wait3A_100] : memref<10240x128xf32, #tpu.memory_space<vmem_shared>> -> memref<10240x128xf32, #tpu.memory_space<vmem_shared>>
          tpu.wait_indirect_dma semaphore(%run_scoped3A : memref<!tpu.dma_semaphore, #tpu.memory_space<semaphore_mem>>) src(%arg9 : memref<128x128xf32, #tpu.memory_space<vmem>>) dst(%dma_wait3A_101 : memref<10240x128xf32, #tpu.memory_space<vmem_shared>>)
          tpu.yield
        }) : () -> ()
      }
      %scan3A_58 = arith.constant 4 : i32
    } else {
    }
    %eq3A_15 = arith.constant 1 : i32
    %eq3A_16 = arith.cmpi eq, %arg0, %eq3A_15 : i32
    %convert_element_type3A_17 = arith.extui %eq3A_16 : i1 to i32
    %cond3A_18 = arith.constant 0 : i32
    %cond3A_19 = arith.cmpi ne, %convert_element_type3A_17, %cond3A_18 : i32
    scf.if %cond3A_19 {
      "tpu.region"() ({
        %run_scoped3A = tpu.sem_alloc : memref<!tpu.dma_semaphore, #tpu.memory_space<semaphore_mem>>
        %dma_start3A_33 = arith.constant 0 : i32
        %dma_start3A_34 = arith.constant 0 : i32
        %dma_start3A_35 = tpu.memref_slice %arg6[%dma_start3A_33, %dma_start3A_34] : memref<56x128xi32, #tpu.memory_space<vmem>> -> memref<40x128xi32, #tpu.memory_space<vmem>>
        %dma_start3A_36 = arith.constant 120 : i32
        %dma_start3A_37 = arith.constant 0 : i32
        %dma_start3A_38 = tpu.memref_slice %arg3[%arg1, %dma_start3A_36, %dma_start3A_37] : memref<16x160x128xi32, #tpu.memory_space<hbm>> -> memref<1x40x128xi32, #tpu.memory_space<hbm>>
        %dma_start3A_39 = tpu.memref_squeeze %dma_start3A_38 : memref<1x40x128xi32, #tpu.memory_space<hbm>> -> memref<40x128xi32, #tpu.memory_space<hbm>>
        %dma_start3A_40 = arith.constant 0 : i32
        %dma_start3A_41 = arith.constant 0 : i32
        %dma_start3A_42 = tpu.memref_slice %arg6[%dma_start3A_40, %dma_start3A_41] : memref<56x128xi32, #tpu.memory_space<vmem>> -> memref<40x128xi32, #tpu.memory_space<vmem>>
        %dma_start3A_43 = arith.constant 120 : i32
        %dma_start3A_44 = arith.constant 0 : i32
        %dma_start3A_45 = tpu.memref_slice %arg3[%arg1, %dma_start3A_43, %dma_start3A_44] : memref<16x160x128xi32, #tpu.memory_space<hbm>> -> memref<1x40x128xi32, #tpu.memory_space<hbm>>
        %dma_start3A_46 = tpu.memref_squeeze %dma_start3A_45 : memref<1x40x128xi32, #tpu.memory_space<hbm>> -> memref<40x128xi32, #tpu.memory_space<hbm>>
        tpu.enqueue_dma source(%dma_start3A_46 : memref<40x128xi32, #tpu.memory_space<hbm>>) target(%dma_start3A_42 : memref<40x128xi32, #tpu.memory_space<vmem>>) target_semaphore(%run_scoped3A : memref<!tpu.dma_semaphore, #tpu.memory_space<semaphore_mem>>)
        %dma_wait3A = arith.constant 0 : i32
        %dma_wait3A_47 = arith.constant 0 : i32
        %dma_wait3A_48 = tpu.memref_slice %arg6[%dma_wait3A, %dma_wait3A_47] : memref<56x128xi32, #tpu.memory_space<vmem>> -> memref<40x128xi32, #tpu.memory_space<vmem>>
        %dma_wait3A_49 = arith.constant 120 : i32
        %dma_wait3A_50 = arith.constant 0 : i32
        %dma_wait3A_51 = tpu.memref_slice %arg3[%arg1, %dma_wait3A_49, %dma_wait3A_50] : memref<16x160x128xi32, #tpu.memory_space<hbm>> -> memref<1x40x128xi32, #tpu.memory_space<hbm>>
        %dma_wait3A_52 = tpu.memref_squeeze %dma_wait3A_51 : memref<1x40x128xi32, #tpu.memory_space<hbm>> -> memref<40x128xi32, #tpu.memory_space<hbm>>
        %dma_wait3A_53 = arith.constant 0 : i32
        %dma_wait3A_54 = arith.constant 0 : i32
        %dma_wait3A_55 = tpu.memref_slice %arg6[%dma_wait3A_53, %dma_wait3A_54] : memref<56x128xi32, #tpu.memory_space<vmem>> -> memref<40x128xi32, #tpu.memory_space<vmem>>
        %dma_wait3A_56 = arith.constant 120 : i32
        %dma_wait3A_57 = arith.constant 0 : i32
        %dma_wait3A_58 = tpu.memref_slice %arg3[%arg1, %dma_wait3A_56, %dma_wait3A_57] : memref<16x160x128xi32, #tpu.memory_space<hbm>> -> memref<1x40x128xi32, #tpu.memory_space<hbm>>
        %dma_wait3A_59 = tpu.memref_squeeze %dma_wait3A_58 : memref<1x40x128xi32, #tpu.memory_space<hbm>> -> memref<40x128xi32, #tpu.memory_space<hbm>>
        tpu.wait_dma2 semaphore(%run_scoped3A : memref<!tpu.dma_semaphore, #tpu.memory_space<semaphore_mem>>) src(%dma_wait3A_59 : memref<40x128xi32, #tpu.memory_space<hbm>>) dst(%dma_wait3A_55 : memref<40x128xi32, #tpu.memory_space<vmem>>)
        tpu.yield
      }) : () -> ()
      "tpu.region"() ({
        %run_scoped3A = tpu.sem_alloc : memref<!tpu.dma_semaphore, #tpu.memory_space<semaphore_mem>>
        %dma_start3A_33 = arith.constant 0 : i32
        %dma_start3A_34 = arith.constant 0 : i32
        %dma_start3A_35 = tpu.memref_slice %arg7[%dma_start3A_33, %dma_start3A_34] : memref<56x128xi32, #tpu.memory_space<vmem>> -> memref<40x128xi32, #tpu.memory_space<vmem>>
        %dma_start3A_36 = arith.constant 120 : i32
        %dma_start3A_37 = arith.constant 0 : i32
        %dma_start3A_38 = tpu.memref_slice %arg4[%arg1, %dma_start3A_36, %dma_start3A_37] : memref<16x160x128xi32, #tpu.memory_space<hbm>> -> memref<1x40x128xi32, #tpu.memory_space<hbm>>
        %dma_start3A_39 = tpu.memref_squeeze %dma_start3A_38 : memref<1x40x128xi32, #tpu.memory_space<hbm>> -> memref<40x128xi32, #tpu.memory_space<hbm>>
        %dma_start3A_40 = arith.constant 0 : i32
        %dma_start3A_41 = arith.constant 0 : i32
        %dma_start3A_42 = tpu.memref_slice %arg7[%dma_start3A_40, %dma_start3A_41] : memref<56x128xi32, #tpu.memory_space<vmem>> -> memref<40x128xi32, #tpu.memory_space<vmem>>
        %dma_start3A_43 = arith.constant 120 : i32
        %dma_start3A_44 = arith.constant 0 : i32
        %dma_start3A_45 = tpu.memref_slice %arg4[%arg1, %dma_start3A_43, %dma_start3A_44] : memref<16x160x128xi32, #tpu.memory_space<hbm>> -> memref<1x40x128xi32, #tpu.memory_space<hbm>>
        %dma_start3A_46 = tpu.memref_squeeze %dma_start3A_45 : memref<1x40x128xi32, #tpu.memory_space<hbm>> -> memref<40x128xi32, #tpu.memory_space<hbm>>
        tpu.enqueue_dma source(%dma_start3A_46 : memref<40x128xi32, #tpu.memory_space<hbm>>) target(%dma_start3A_42 : memref<40x128xi32, #tpu.memory_space<vmem>>) target_semaphore(%run_scoped3A : memref<!tpu.dma_semaphore, #tpu.memory_space<semaphore_mem>>)
        %dma_wait3A = arith.constant 0 : i32
        %dma_wait3A_47 = arith.constant 0 : i32
        %dma_wait3A_48 = tpu.memref_slice %arg7[%dma_wait3A, %dma_wait3A_47] : memref<56x128xi32, #tpu.memory_space<vmem>> -> memref<40x128xi32, #tpu.memory_space<vmem>>
        %dma_wait3A_49 = arith.constant 120 : i32
        %dma_wait3A_50 = arith.constant 0 : i32
        %dma_wait3A_51 = tpu.memref_slice %arg4[%arg1, %dma_wait3A_49, %dma_wait3A_50] : memref<16x160x128xi32, #tpu.memory_space<hbm>> -> memref<1x40x128xi32, #tpu.memory_space<hbm>>
        %dma_wait3A_52 = tpu.memref_squeeze %dma_wait3A_51 : memref<1x40x128xi32, #tpu.memory_space<hbm>> -> memref<40x128xi32, #tpu.memory_space<hbm>>
        %dma_wait3A_53 = arith.constant 0 : i32
        %dma_wait3A_54 = arith.constant 0 : i32
        %dma_wait3A_55 = tpu.memref_slice %arg7[%dma_wait3A_53, %dma_wait3A_54] : memref<56x128xi32, #tpu.memory_space<vmem>> -> memref<40x128xi32, #tpu.memory_space<vmem>>
        %dma_wait3A_56 = arith.constant 120 : i32
        %dma_wait3A_57 = arith.constant 0 : i32
        %dma_wait3A_58 = tpu.memref_slice %arg4[%arg1, %dma_wait3A_56, %dma_wait3A_57] : memref<16x160x128xi32, #tpu.memory_space<hbm>> -> memref<1x40x128xi32, #tpu.memory_space<hbm>>
        %dma_wait3A_59 = tpu.memref_squeeze %dma_wait3A_58 : memref<1x40x128xi32, #tpu.memory_space<hbm>> -> memref<40x128xi32, #tpu.memory_space<hbm>>
        tpu.wait_dma2 semaphore(%run_scoped3A : memref<!tpu.dma_semaphore, #tpu.memory_space<semaphore_mem>>) src(%dma_wait3A_59 : memref<40x128xi32, #tpu.memory_space<hbm>>) dst(%dma_wait3A_55 : memref<40x128xi32, #tpu.memory_space<vmem>>)
        tpu.yield
      }) : () -> ()
      %dma_start3A = arith.constant 0 : i32
      %dma_start3A_21 = arith.constant 0 : i32
      %dma_start3A_22 = tpu.memref_slice %arg6[%dma_start3A, %dma_start3A_21] : memref<56x128xi32, #tpu.memory_space<vmem>> -> memref<1x128xi32, #tpu.memory_space<vmem>>
      %dma_start3A_23 = tpu.memref_squeeze %dma_start3A_22 : memref<1x128xi32, #tpu.memory_space<vmem>> -> memref<128xi32, #tpu.memory_space<vmem>>
      %dma_start3A_24 = arith.constant 0 : i32
      %dma_start3A_25 = arith.constant 0 : i32
      %dma_start3A_26 = tpu.memref_slice %arg2[%dma_start3A_24, %dma_start3A_25] : memref<10240x128xf32, #tpu.memory_space<hbm>> -> memref<10240x128xf32, #tpu.memory_space<hbm>>
      tpu.enqueue_indirect_dma source(%dma_start3A_26 : memref<10240x128xf32, #tpu.memory_space<hbm>>) target(%arg8 : memref<128x128xf32, #tpu.memory_space<vmem>>) offsets(%dma_start3A_23 : memref<128xi32, #tpu.memory_space<vmem>>) semaphore(%arg10 : memref<!tpu.dma_semaphore, #tpu.memory_space<semaphore_mem>>)
      %scan3A_27 = arith.constant 0 : i32
      %scan3A_28 = arith.constant 0 : i32
      %scan3A_29 = arith.constant 20 : i32
      %scan3A_30 = arith.addi %scan3A_28, %scan3A_29 : i32
      %scan3A_31 = arith.constant 1 : i32
      scf.for %scan3A_33 = %scan3A_28 to %scan3A_30 step %scan3A_31  : i32 {
        %mul3A_34 = arith.constant 2 : i32
        %mul3A_35 = arith.muli %mul3A_34, %scan3A_33 : i32
        %add3A = arith.constant 1 : i32
        %add3A_36 = arith.addi %mul3A_35, %add3A : i32
        %dma_start3A_37 = arith.constant 0 : i32
        %dma_start3A_38 = tpu.memref_slice %arg6[%add3A_36, %dma_start3A_37] : memref<56x128xi32, #tpu.memory_space<vmem>> -> memref<1x128xi32, #tpu.memory_space<vmem>>
        %dma_start3A_39 = tpu.memref_squeeze %dma_start3A_38 : memref<1x128xi32, #tpu.memory_space<vmem>> -> memref<128xi32, #tpu.memory_space<vmem>>
        %dma_start3A_40 = arith.constant 0 : i32
        %dma_start3A_41 = arith.constant 0 : i32
        %dma_start3A_42 = tpu.memref_slice %arg2[%dma_start3A_40, %dma_start3A_41] : memref<10240x128xf32, #tpu.memory_space<hbm>> -> memref<10240x128xf32, #tpu.memory_space<hbm>>
        tpu.enqueue_indirect_dma source(%dma_start3A_42 : memref<10240x128xf32, #tpu.memory_space<hbm>>) target(%arg9 : memref<128x128xf32, #tpu.memory_space<vmem>>) offsets(%dma_start3A_39 : memref<128xi32, #tpu.memory_space<vmem>>) semaphore(%arg11 : memref<!tpu.dma_semaphore, #tpu.memory_space<semaphore_mem>>)
        %dma_wait3A = arith.constant 0 : i32
        %dma_wait3A_43 = tpu.memref_slice %arg6[%mul3A_35, %dma_wait3A] : memref<56x128xi32, #tpu.memory_space<vmem>> -> memref<1x128xi32, #tpu.memory_space<vmem>>
        %dma_wait3A_44 = tpu.memref_squeeze %dma_wait3A_43 : memref<1x128xi32, #tpu.memory_space<vmem>> -> memref<128xi32, #tpu.memory_space<vmem>>
        %dma_wait3A_45 = arith.constant 0 : i32
        %dma_wait3A_46 = arith.constant 0 : i32
        %dma_wait3A_47 = tpu.memref_slice %arg2[%dma_wait3A_45, %dma_wait3A_46] : memref<10240x128xf32, #tpu.memory_space<hbm>> -> memref<10240x128xf32, #tpu.memory_space<hbm>>
        tpu.wait_indirect_dma semaphore(%arg10 : memref<!tpu.dma_semaphore, #tpu.memory_space<semaphore_mem>>) src(%dma_wait3A_47 : memref<10240x128xf32, #tpu.memory_space<hbm>>) dst(%arg8 : memref<128x128xf32, #tpu.memory_space<vmem>>)
        "tpu.region"() ({
          %run_scoped3A = tpu.sem_alloc : memref<!tpu.dma_semaphore, #tpu.memory_space<semaphore_mem>>
          %dma_start3A_64 = arith.constant 0 : i32
          %dma_start3A_65 = tpu.memref_slice %arg7[%mul3A_35, %dma_start3A_64] : memref<56x128xi32, #tpu.memory_space<vmem>> -> memref<1x128xi32, #tpu.memory_space<vmem>>
          %dma_start3A_66 = tpu.memref_squeeze %dma_start3A_65 : memref<1x128xi32, #tpu.memory_space<vmem>> -> memref<128xi32, #tpu.memory_space<vmem>>
          %dma_start3A_67 = arith.constant 0 : i32
          %dma_start3A_68 = arith.constant 0 : i32
          %dma_start3A_69 = tpu.memref_slice %arg12[%dma_start3A_67, %dma_start3A_68] : memref<10240x128xf32, #tpu.memory_space<vmem_shared>> -> memref<10240x128xf32, #tpu.memory_space<vmem_shared>>
          tpu.enqueue_indirect_dma source(%arg8 : memref<128x128xf32, #tpu.memory_space<vmem>>) target(%dma_start3A_69 : memref<10240x128xf32, #tpu.memory_space<vmem_shared>>) offsets(%dma_start3A_66 : memref<128xi32, #tpu.memory_space<vmem>>) semaphore(%run_scoped3A : memref<!tpu.dma_semaphore, #tpu.memory_space<semaphore_mem>>) {add = true}
          %dma_wait3A_70 = arith.constant 0 : i32
          %dma_wait3A_71 = tpu.memref_slice %arg7[%mul3A_35, %dma_wait3A_70] : memref<56x128xi32, #tpu.memory_space<vmem>> -> memref<1x128xi32, #tpu.memory_space<vmem>>
          %dma_wait3A_72 = tpu.memref_squeeze %dma_wait3A_71 : memref<1x128xi32, #tpu.memory_space<vmem>> -> memref<128xi32, #tpu.memory_space<vmem>>
          %dma_wait3A_73 = arith.constant 0 : i32
          %dma_wait3A_74 = arith.constant 0 : i32
          %dma_wait3A_75 = tpu.memref_slice %arg12[%dma_wait3A_73, %dma_wait3A_74] : memref<10240x128xf32, #tpu.memory_space<vmem_shared>> -> memref<10240x128xf32, #tpu.memory_space<vmem_shared>>
          tpu.wait_indirect_dma semaphore(%run_scoped3A : memref<!tpu.dma_semaphore, #tpu.memory_space<semaphore_mem>>) src(%arg8 : memref<128x128xf32, #tpu.memory_space<vmem>>) dst(%dma_wait3A_75 : memref<10240x128xf32, #tpu.memory_space<vmem_shared>>)
          tpu.yield
        }) : () -> ()
        %add3A_48 = arith.constant 2 : i32
        %add3A_49 = arith.addi %mul3A_35, %add3A_48 : i32
        %lt3A = arith.constant 40 : i32
        %lt3A_50 = arith.cmpi slt, %add3A_49, %lt3A : i32
        %convert_element_type3A_51 = arith.extui %lt3A_50 : i1 to i32
        %cond3A_52 = arith.constant 0 : i32
        %cond3A_53 = arith.cmpi ne, %convert_element_type3A_51, %cond3A_52 : i32
        scf.if %cond3A_53 {
          %add3A_64 = arith.constant 2 : i32
          %add3A_65 = arith.addi %mul3A_35, %add3A_64 : i32
          %dma_start3A_66 = arith.constant 0 : i32
          %dma_start3A_67 = tpu.memref_slice %arg6[%add3A_65, %dma_start3A_66] : memref<56x128xi32, #tpu.memory_space<vmem>> -> memref<1x128xi32, #tpu.memory_space<vmem>>
          %dma_start3A_68 = tpu.memref_squeeze %dma_start3A_67 : memref<1x128xi32, #tpu.memory_space<vmem>> -> memref<128xi32, #tpu.memory_space<vmem>>
          %dma_start3A_69 = arith.constant 0 : i32
          %dma_start3A_70 = arith.constant 0 : i32
          %dma_start3A_71 = tpu.memref_slice %arg2[%dma_start3A_69, %dma_start3A_70] : memref<10240x128xf32, #tpu.memory_space<hbm>> -> memref<10240x128xf32, #tpu.memory_space<hbm>>
          tpu.enqueue_indirect_dma source(%dma_start3A_71 : memref<10240x128xf32, #tpu.memory_space<hbm>>) target(%arg8 : memref<128x128xf32, #tpu.memory_space<vmem>>) offsets(%dma_start3A_68 : memref<128xi32, #tpu.memory_space<vmem>>) semaphore(%arg10 : memref<!tpu.dma_semaphore, #tpu.memory_space<semaphore_mem>>)
        } else {
        }
        %add3A_54 = arith.constant 1 : i32
        %add3A_55 = arith.addi %mul3A_35, %add3A_54 : i32
        %dma_wait3A_56 = arith.constant 0 : i32
        %dma_wait3A_57 = tpu.memref_slice %arg6[%add3A_55, %dma_wait3A_56] : memref<56x128xi32, #tpu.memory_space<vmem>> -> memref<1x128xi32, #tpu.memory_space<vmem>>
        %dma_wait3A_58 = tpu.memref_squeeze %dma_wait3A_57 : memref<1x128xi32, #tpu.memory_space<vmem>> -> memref<128xi32, #tpu.memory_space<vmem>>
        %dma_wait3A_59 = arith.constant 0 : i32
        %dma_wait3A_60 = arith.constant 0 : i32
        %dma_wait3A_61 = tpu.memref_slice %arg2[%dma_wait3A_59, %dma_wait3A_60] : memref<10240x128xf32, #tpu.memory_space<hbm>> -> memref<10240x128xf32, #tpu.memory_space<hbm>>
        tpu.wait_indirect_dma semaphore(%arg11 : memref<!tpu.dma_semaphore, #tpu.memory_space<semaphore_mem>>) src(%dma_wait3A_61 : memref<10240x128xf32, #tpu.memory_space<hbm>>) dst(%arg9 : memref<128x128xf32, #tpu.memory_space<vmem>>)
        %add3A_62 = arith.constant 1 : i32
        %add3A_63 = arith.addi %mul3A_35, %add3A_62 : i32
        "tpu.region"() ({
          %run_scoped3A = tpu.sem_alloc : memref<!tpu.dma_semaphore, #tpu.memory_space<semaphore_mem>>
          %dma_start3A_64 = arith.constant 0 : i32
          %dma_start3A_65 = tpu.memref_slice %arg7[%add3A_63, %dma_start3A_64] : memref<56x128xi32, #tpu.memory_space<vmem>> -> memref<1x128xi32, #tpu.memory_space<vmem>>
          %dma_start3A_66 = tpu.memref_squeeze %dma_start3A_65 : memref<1x128xi32, #tpu.memory_space<vmem>> -> memref<128xi32, #tpu.memory_space<vmem>>
          %dma_start3A_67 = arith.constant 0 : i32
          %dma_start3A_68 = arith.constant 0 : i32
          %dma_start3A_69 = tpu.memref_slice %arg12[%dma_start3A_67, %dma_start3A_68] : memref<10240x128xf32, #tpu.memory_space<vmem_shared>> -> memref<10240x128xf32, #tpu.memory_space<vmem_shared>>
          tpu.enqueue_indirect_dma source(%arg9 : memref<128x128xf32, #tpu.memory_space<vmem>>) target(%dma_start3A_69 : memref<10240x128xf32, #tpu.memory_space<vmem_shared>>) offsets(%dma_start3A_66 : memref<128xi32, #tpu.memory_space<vmem>>) semaphore(%run_scoped3A : memref<!tpu.dma_semaphore, #tpu.memory_space<semaphore_mem>>) {add = true}
          %dma_wait3A_70 = arith.constant 0 : i32
          %dma_wait3A_71 = tpu.memref_slice %arg7[%add3A_63, %dma_wait3A_70] : memref<56x128xi32, #tpu.memory_space<vmem>> -> memref<1x128xi32, #tpu.memory_space<vmem>>
          %dma_wait3A_72 = tpu.memref_squeeze %dma_wait3A_71 : memref<1x128xi32, #tpu.memory_space<vmem>> -> memref<128xi32, #tpu.memory_space<vmem>>
          %dma_wait3A_73 = arith.constant 0 : i32
          %dma_wait3A_74 = arith.constant 0 : i32
          %dma_wait3A_75 = tpu.memref_slice %arg12[%dma_wait3A_73, %dma_wait3A_74] : memref<10240x128xf32, #tpu.memory_space<vmem_shared>> -> memref<10240x128xf32, #tpu.memory_space<vmem_shared>>
          tpu.wait_indirect_dma semaphore(%run_scoped3A : memref<!tpu.dma_semaphore, #tpu.memory_space<semaphore_mem>>) src(%arg9 : memref<128x128xf32, #tpu.memory_space<vmem>>) dst(%dma_wait3A_75 : memref<10240x128xf32, #tpu.memory_space<vmem_shared>>)
          tpu.yield
        }) : () -> ()
      }
      %scan3A_32 = arith.constant 20 : i32
    } else {
    }
    %barrier3A_20 = arith.constant 0 : index
    tpu.barrier barrier_id(%barrier3A_20)
    "tpu.region"() ({
      %run_scoped3A = tpu.sem_alloc : memref<!tpu.dma_semaphore, #tpu.memory_space<semaphore_mem>>
      %dma_start3A = arith.constant 0 : i32
      %dma_start3A_21 = tpu.memref_slice %arg5[%arg0, %mul3A_6, %dma_start3A] : memref<2x10240x128xf32, #tpu.memory_space<hbm>> -> memref<1x640x128xf32, #tpu.memory_space<hbm>>
      %dma_start3A_22 = tpu.memref_squeeze %dma_start3A_21 : memref<1x640x128xf32, #tpu.memory_space<hbm>> -> memref<640x128xf32, #tpu.memory_space<hbm>>
      %dma_start3A_23 = arith.constant 0 : i32
      %dma_start3A_24 = tpu.memref_slice %arg12[%mul3A_6, %dma_start3A_23] : memref<10240x128xf32, #tpu.memory_space<vmem_shared>> -> memref<640x128xf32, #tpu.memory_space<vmem_shared>>
      tpu.enqueue_dma source(%dma_start3A_24 : memref<640x128xf32, #tpu.memory_space<vmem_shared>>) target(%dma_start3A_22 : memref<640x128xf32, #tpu.memory_space<hbm>>) target_semaphore(%run_scoped3A : memref<!tpu.dma_semaphore, #tpu.memory_space<semaphore_mem>>)
      %dma_wait3A = arith.constant 0 : i32
      %dma_wait3A_25 = tpu.memref_slice %arg5[%arg0, %mul3A_6, %dma_wait3A] : memref<2x10240x128xf32, #tpu.memory_space<hbm>> -> memref<1x640x128xf32, #tpu.memory_space<hbm>>
      %dma_wait3A_26 = tpu.memref_squeeze %dma_wait3A_25 : memref<1x640x128xf32, #tpu.memory_space<hbm>> -> memref<640x128xf32, #tpu.memory_space<hbm>>
      %dma_wait3A_27 = arith.constant 0 : i32
      %dma_wait3A_28 = tpu.memref_slice %arg12[%mul3A_6, %dma_wait3A_27] : memref<10240x128xf32, #tpu.memory_space<vmem_shared>> -> memref<640x128xf32, #tpu.memory_space<vmem_shared>>
      tpu.wait_dma2 semaphore(%run_scoped3A : memref<!tpu.dma_semaphore, #tpu.memory_space<semaphore_mem>>) src(%dma_wait3A_28 : memref<640x128xf32, #tpu.memory_space<vmem_shared>>) dst(%dma_wait3A_26 : memref<640x128xf32, #tpu.memory_space<hbm>>)
      tpu.yield
    }) : () -> ()
    return
  }
}

#map = affine_map<(d0, d1) -> (0, 0)>
module attributes {stable_mosaic.version = 14 : i64} {
  func.func @_deg_body(%arg0: i32, %arg1: i32, %arg2: memref<32x10240xi32, #tpu.memory_space<hbm>>, %arg3: memref<32x10240xf32, #tpu.memory_space<hbm>>, %arg4: memref<10240xi32, #tpu.memory_space<vmem>>, %arg5: memref<10240xf32, #tpu.memory_space<vmem>>) attributes {dimension_semantics = [#tpu.dimension_semantics<core_parallel>, #tpu.dimension_semantics<subcore_parallel>], iteration_bounds = array<i64: 2, 16>, scalar_prefetch = 0 : i64, scratch_operands = 2 : i64, tpu.core_type = #tpu.core_type<sc_vector_subcore>, window_params = [{transform_indices = #map}, {transform_indices = #map}]} {
    %mul3A = arith.constant 2 : i32
    %mul3A_0 = arith.muli %arg1, %mul3A : i32
    %add3A = arith.addi %mul3A_0, %arg0 : i32
    "tpu.region"() ({
      %run_scoped3A = tpu.sem_alloc : memref<!tpu.dma_semaphore, #tpu.memory_space<semaphore_mem>>
      %dma_start3A = arith.constant 0 : i32
      %dma_start3A_15 = tpu.memref_slice %arg2[%add3A, %dma_start3A] : memref<32x10240xi32, #tpu.memory_space<hbm>> -> memref<1x10240xi32, #tpu.memory_space<hbm>>
      %dma_start3A_16 = tpu.memref_squeeze %dma_start3A_15 : memref<1x10240xi32, #tpu.memory_space<hbm>> -> memref<10240xi32, #tpu.memory_space<hbm>>
      %dma_start3A_17 = arith.constant 0 : i32
      %dma_start3A_18 = tpu.memref_slice %arg2[%add3A, %dma_start3A_17] : memref<32x10240xi32, #tpu.memory_space<hbm>> -> memref<1x10240xi32, #tpu.memory_space<hbm>>
      %dma_start3A_19 = tpu.memref_squeeze %dma_start3A_18 : memref<1x10240xi32, #tpu.memory_space<hbm>> -> memref<10240xi32, #tpu.memory_space<hbm>>
      tpu.enqueue_dma source(%dma_start3A_19 : memref<10240xi32, #tpu.memory_space<hbm>>) target(%arg4 : memref<10240xi32, #tpu.memory_space<vmem>>) target_semaphore(%run_scoped3A : memref<!tpu.dma_semaphore, #tpu.memory_space<semaphore_mem>>)
      %dma_wait3A = arith.constant 0 : i32
      %dma_wait3A_20 = tpu.memref_slice %arg2[%add3A, %dma_wait3A] : memref<32x10240xi32, #tpu.memory_space<hbm>> -> memref<1x10240xi32, #tpu.memory_space<hbm>>
      %dma_wait3A_21 = tpu.memref_squeeze %dma_wait3A_20 : memref<1x10240xi32, #tpu.memory_space<hbm>> -> memref<10240xi32, #tpu.memory_space<hbm>>
      %dma_wait3A_22 = arith.constant 0 : i32
      %dma_wait3A_23 = tpu.memref_slice %arg2[%add3A, %dma_wait3A_22] : memref<32x10240xi32, #tpu.memory_space<hbm>> -> memref<1x10240xi32, #tpu.memory_space<hbm>>
      %dma_wait3A_24 = tpu.memref_squeeze %dma_wait3A_23 : memref<1x10240xi32, #tpu.memory_space<hbm>> -> memref<10240xi32, #tpu.memory_space<hbm>>
      tpu.wait_dma2 semaphore(%run_scoped3A : memref<!tpu.dma_semaphore, #tpu.memory_space<semaphore_mem>>) src(%dma_wait3A_24 : memref<10240xi32, #tpu.memory_space<hbm>>) dst(%arg4 : memref<10240xi32, #tpu.memory_space<vmem>>)
      tpu.yield
    }) : () -> ()
    %broadcast_in_dim3A = arith.constant 0.000000e+00 : f32
    %broadcast_in_dim3A_1 = vector.broadcast %broadcast_in_dim3A : f32 to vector<16xf32>
    %scan3A = arith.constant 0 : i32
    %scan3A_2 = arith.constant 0 : i32
    %scan3A_3 = arith.constant 640 : i32
    %scan3A_4 = arith.addi %scan3A_2, %scan3A_3 : i32
    %scan3A_5 = arith.constant 1 : i32
    scf.for %scan3A_15 = %scan3A_2 to %scan3A_4 step %scan3A_5  : i32 {
      %mul3A_16 = arith.constant 16 : i32
      %mul3A_17 = arith.muli %scan3A_15, %mul3A_16 : i32
      %swap3A = arith.index_cast %mul3A_17 : i32 to index
      %swap3A_18 = tpu.vector_load %arg5[%swap3A] {strides = array<i32>} : memref<10240xf32, #tpu.memory_space<vmem>>, vector<16xf32>,
      tpu.vector_store %arg5[%swap3A], %broadcast_in_dim3A_1 {strides = array<i32>} : memref<10240xf32, #tpu.memory_space<vmem>>, vector<16xf32>,
    }
    %scan3A_6 = arith.constant 640 : i32
    %broadcast_in_dim3A_7 = arith.constant 1.000000e+00 : f32
    %broadcast_in_dim3A_8 = vector.broadcast %broadcast_in_dim3A_7 : f32 to vector<16xf32>
    %scan3A_9 = arith.constant 0 : i32
    %scan3A_10 = arith.constant 0 : i32
    %scan3A_11 = arith.constant 640 : i32
    %scan3A_12 = arith.addi %scan3A_10, %scan3A_11 : i32
    %scan3A_13 = arith.constant 1 : i32
    scf.for %scan3A_15 = %scan3A_10 to %scan3A_12 step %scan3A_13  : i32 {
      %mul3A_16 = arith.constant 16 : i32
      %mul3A_17 = arith.muli %scan3A_15, %mul3A_16 : i32
      %get3A = arith.index_cast %mul3A_17 : i32 to index
      %get3A_18 = tpu.vector_load %arg4[%get3A] {strides = array<i32>} : memref<10240xi32, #tpu.memory_space<vmem>>, vector<16xi32>,
      tpu.vector_store_idx %arg5[%get3A_18], %broadcast_in_dim3A_8 {add = true} : memref<10240xf32, #tpu.memory_space<vmem>>[vector<16xi32>], vector<16xf32>,
    }
    %scan3A_14 = arith.constant 640 : i32
    "tpu.region"() ({
      %run_scoped3A = tpu.sem_alloc : memref<!tpu.dma_semaphore, #tpu.memory_space<semaphore_mem>>
      %dma_start3A = arith.constant 0 : i32
      %dma_start3A_15 = tpu.memref_slice %arg3[%add3A, %dma_start3A] : memref<32x10240xf32, #tpu.memory_space<hbm>> -> memref<1x10240xf32, #tpu.memory_space<hbm>>
      %dma_start3A_16 = tpu.memref_squeeze %dma_start3A_15 : memref<1x10240xf32, #tpu.memory_space<hbm>> -> memref<10240xf32, #tpu.memory_space<hbm>>
      %dma_start3A_17 = arith.constant 0 : i32
      %dma_start3A_18 = tpu.memref_slice %arg3[%add3A, %dma_start3A_17] : memref<32x10240xf32, #tpu.memory_space<hbm>> -> memref<1x10240xf32, #tpu.memory_space<hbm>>
      %dma_start3A_19 = tpu.memref_squeeze %dma_start3A_18 : memref<1x10240xf32, #tpu.memory_space<hbm>> -> memref<10240xf32, #tpu.memory_space<hbm>>
      tpu.enqueue_dma source(%arg5 : memref<10240xf32, #tpu.memory_space<vmem>>) target(%dma_start3A_19 : memref<10240xf32, #tpu.memory_space<hbm>>) target_semaphore(%run_scoped3A : memref<!tpu.dma_semaphore, #tpu.memory_space<semaphore_mem>>)
      %dma_wait3A = arith.constant 0 : i32
      %dma_wait3A_20 = tpu.memref_slice %arg3[%add3A, %dma_wait3A] : memref<32x10240xf32, #tpu.memory_space<hbm>> -> memref<1x10240xf32, #tpu.memory_space<hbm>>
      %dma_wait3A_21 = tpu.memref_squeeze %dma_wait3A_20 : memref<1x10240xf32, #tpu.memory_space<hbm>> -> memref<10240xf32, #tpu.memory_space<hbm>>
      %dma_wait3A_22 = arith.constant 0 : i32
      %dma_wait3A_23 = tpu.memref_slice %arg3[%add3A, %dma_wait3A_22] : memref<32x10240xf32, #tpu.memory_space<hbm>> -> memref<1x10240xf32, #tpu.memory_space<hbm>>
      %dma_wait3A_24 = tpu.memref_squeeze %dma_wait3A_23 : memref<1x10240xf32, #tpu.memory_space<hbm>> -> memref<10240xf32, #tpu.memory_space<hbm>>
      tpu.wait_dma2 semaphore(%run_scoped3A : memref<!tpu.dma_semaphore, #tpu.memory_space<semaphore_mem>>) src(%arg5 : memref<10240xf32, #tpu.memory_space<vmem>>) dst(%dma_wait3A_24 : memref<10240xf32, #tpu.memory_space<hbm>>)
      tpu.yield
    }) : () -> ()
    return
  }
}

#map = affine_map<(d0, d1) -> (0, 0)>
#map1 = affine_map<(d0, d1) -> (0, 0, 0)>
module attributes {stable_mosaic.version = 14 : i64} {
  func.func @_msg_body(%arg0: i32, %arg1: i32, %arg2: memref<10240x128xf32, #tpu.memory_space<hbm>>, %arg3: memref<16x160x128xi32, #tpu.memory_space<hbm>>, %arg4: memref<16x160x128xi32, #tpu.memory_space<hbm>>, %arg5: memref<2x10240x128xf32, #tpu.memory_space<hbm>>, %arg6: memref<56x128xi32, #tpu.memory_space<vmem>>, %arg7: memref<56x128xi32, #tpu.memory_space<vmem>>, %arg8: memref<128x128xf32, #tpu.memory_space<vmem>>, %arg9: memref<128x128xf32, #tpu.memory_space<vmem>>, %arg10: memref<!tpu.dma_semaphore, #tpu.memory_space<semaphore_mem>>, %arg11: memref<!tpu.dma_semaphore, #tpu.memory_space<semaphore_mem>>, %arg12: memref<10240x128xf32, #tpu.memory_space<vmem_shared>>) attributes {dimension_semantics = [#tpu.dimension_semantics<core_parallel>, #tpu.dimension_semantics<subcore_parallel>], iteration_bounds = array<i64: 2, 16>, scalar_prefetch = 0 : i64, scratch_operands = 7 : i64, tpu.core_type = #tpu.core_type<sc_vector_subcore>, window_params = [{transform_indices = #map}, {transform_indices = #map1}, {transform_indices = #map1}, {transform_indices = #map1}]} {
    %broadcast_in_dim3A = arith.constant 0.000000e+00 : f32
    %broadcast_in_dim3A_0 = vector.broadcast %broadcast_in_dim3A : f32 to vector<16xf32>
    %scan3A = arith.constant 0 : i32
    %scan3A_1 = arith.constant 0 : i32
    %scan3A_2 = arith.constant 1024 : i32
    %scan3A_3 = arith.addi %scan3A_1, %scan3A_2 : i32
    %scan3A_4 = arith.constant 1 : i32
    scf.for %scan3A_21 = %scan3A_1 to %scan3A_3 step %scan3A_4  : i32 {
      %jit3A = arith.constant 8 : i32
      %div3A = arith.divsi %scan3A_21, %jit3A : i32
      %sign3A = arith.constant 0 : i32
      %sign3A_22 = arith.cmpi sgt, %scan3A_21, %sign3A : i32
      %sign3A_23 = arith.extui %sign3A_22 : i1 to i32
      %sign3A_24 = arith.constant 0 : i32
      %sign3A_25 = arith.cmpi slt, %scan3A_21, %sign3A_24 : i32
      %sign3A_26 = arith.extui %sign3A_25 : i1 to i32
      %sign3A_27 = arith.subi %sign3A_23, %sign3A_26 : i32
      %sign3A_28 = arith.constant 0 : i32
      %sign3A_29 = arith.cmpi sgt, %jit3A, %sign3A_28 : i32
      %sign3A_30 = arith.extui %sign3A_29 : i1 to i32
      %sign3A_31 = arith.constant 0 : i32
      %sign3A_32 = arith.cmpi slt, %jit3A, %sign3A_31 : i32
      %sign3A_33 = arith.extui %sign3A_32 : i1 to i32
      %sign3A_34 = arith.subi %sign3A_30, %sign3A_33 : i32
      %ne3A = arith.cmpi ne, %sign3A_27, %sign3A_34 : i32
      %rem3A = arith.remsi %scan3A_21, %jit3A : i32
      %ne3A_35 = arith.constant 0 : i32
      %ne3A_36 = arith.cmpi ne, %rem3A, %ne3A_35 : i32
      %and3A = arith.andi %ne3A, %ne3A_36 : i1
      %sub3A = arith.constant 1 : i32
      %sub3A_37 = arith.subi %div3A, %sub3A : i32
      %select_n3A = arith.select %and3A, %sub3A_37, %div3A : i32
      %jit3A_38 = arith.constant 8 : i32
      %eq3A_39 = arith.constant 0 : i32
      %eq3A_40 = arith.cmpi eq, %jit3A_38, %eq3A_39 : i32
      %jit3A_41 = arith.constant 1 : i32
      %select_n3A_42 = arith.select %eq3A_40, %jit3A_41, %jit3A_38 : i32
      %rem3A_43 = arith.remsi %scan3A_21, %select_n3A_42 : i32
      %ne3A_44 = arith.constant 0 : i32
      %ne3A_45 = arith.cmpi ne, %rem3A_43, %ne3A_44 : i32
      %lt3A = arith.constant 0 : i32
      %lt3A_46 = arith.cmpi slt, %rem3A_43, %lt3A : i32
      %lt3A_47 = arith.constant 0 : i32
      %lt3A_48 = arith.cmpi slt, %select_n3A_42, %lt3A_47 : i32
      %ne3A_49 = arith.xori %lt3A_46, %lt3A_48 : i1
      %and3A_50 = arith.andi %ne3A_49, %ne3A_45 : i1
      %add3A = arith.addi %rem3A_43, %select_n3A_42 : i32
      %select_n3A_51 = arith.select %and3A_50, %add3A, %rem3A_43 : i32
      %mul3A_52 = arith.constant 16 : i32
      %mul3A_53 = arith.muli %select_n3A_51, %mul3A_52 : i32
      %swap3A = arith.index_cast %select_n3A : i32 to index
      %swap3A_54 = arith.index_cast %mul3A_53 : i32 to index
      %swap3A_55 = tpu.vector_load %arg8[%swap3A, %swap3A_54] {strides = array<i32>} : memref<128x128xf32, #tpu.memory_space<vmem>>, vector<1x16xf32>,
      %swap3A_56 = vector.shape_cast %swap3A_55 : vector<1x16xf32> to vector<16xf32>
      %swap3A_57 = vector.shape_cast %broadcast_in_dim3A_0 : vector<16xf32> to vector<1x16xf32>
      tpu.vector_store %arg8[%swap3A, %swap3A_54], %swap3A_57 {strides = array<i32>} : memref<128x128xf32, #tpu.memory_space<vmem>>, vector<1x16xf32>,
    }
    %scan3A_5 = arith.constant 1024 : i32
    %mul3A = arith.constant 640 : i32
    %mul3A_6 = arith.muli %arg1, %mul3A : i32
    %scan3A_7 = arith.constant 0 : i32
    %scan3A_8 = arith.constant 0 : i32
    %scan3A_9 = arith.constant 5 : i32
    %scan3A_10 = arith.addi %scan3A_8, %scan3A_9 : i32
    %scan3A_11 = arith.constant 1 : i32
    scf.for %scan3A_21 = %scan3A_8 to %scan3A_10 step %scan3A_11  : i32 {
      %mul3A_22 = arith.constant 128 : i32
      %mul3A_23 = arith.muli %scan3A_21, %mul3A_22 : i32
      %add3A = arith.addi %mul3A_6, %mul3A_23 : i32
      "tpu.region"() ({
        %run_scoped3A = tpu.sem_alloc : memref<!tpu.dma_semaphore, #tpu.memory_space<semaphore_mem>>
        %dma_start3A = arith.constant 0 : i32
        %dma_start3A_24 = tpu.memref_slice %arg12[%add3A, %dma_start3A] : memref<10240x128xf32, #tpu.memory_space<vmem_shared>> -> memref<128x128xf32, #tpu.memory_space<vmem_shared>>
        %dma_start3A_25 = arith.constant 0 : i32
        %dma_start3A_26 = tpu.memref_slice %arg12[%add3A, %dma_start3A_25] : memref<10240x128xf32, #tpu.memory_space<vmem_shared>> -> memref<128x128xf32, #tpu.memory_space<vmem_shared>>
        tpu.enqueue_dma source(%arg8 : memref<128x128xf32, #tpu.memory_space<vmem>>) target(%dma_start3A_26 : memref<128x128xf32, #tpu.memory_space<vmem_shared>>) target_semaphore(%run_scoped3A : memref<!tpu.dma_semaphore, #tpu.memory_space<semaphore_mem>>)
        %dma_wait3A = arith.constant 0 : i32
        %dma_wait3A_27 = tpu.memref_slice %arg12[%add3A, %dma_wait3A] : memref<10240x128xf32, #tpu.memory_space<vmem_shared>> -> memref<128x128xf32, #tpu.memory_space<vmem_shared>>
        %dma_wait3A_28 = arith.constant 0 : i32
        %dma_wait3A_29 = tpu.memref_slice %arg12[%add3A, %dma_wait3A_28] : memref<10240x128xf32, #tpu.memory_space<vmem_shared>> -> memref<128x128xf32, #tpu.memory_space<vmem_shared>>
        tpu.wait_dma2 semaphore(%run_scoped3A : memref<!tpu.dma_semaphore, #tpu.memory_space<semaphore_mem>>) src(%arg8 : memref<128x128xf32, #tpu.memory_space<vmem>>) dst(%dma_wait3A_29 : memref<128x128xf32, #tpu.memory_space<vmem_shared>>)
        tpu.yield
      }) : () -> ()
    }
    %scan3A_12 = arith.constant 5 : i32
    %barrier3A = arith.constant 0 : index
    tpu.barrier barrier_id(%barrier3A)
    %eq3A = arith.constant 0 : i32
    %eq3A_13 = arith.cmpi eq, %arg0, %eq3A : i32
    %convert_element_type3A = arith.extui %eq3A_13 : i1 to i32
    %cond3A = arith.constant 0 : i32
    %cond3A_14 = arith.cmpi ne, %convert_element_type3A, %cond3A : i32
    scf.if %cond3A_14 {
      "tpu.region"() ({
        %run_scoped3A = tpu.sem_alloc : memref<!tpu.dma_semaphore, #tpu.memory_space<semaphore_mem>>
        %dma_start3A_59 = arith.constant 0 : i32
        %dma_start3A_60 = arith.constant 0 : i32
        %dma_start3A_61 = tpu.memref_slice %arg6[%dma_start3A_59, %dma_start3A_60] : memref<56x128xi32, #tpu.memory_space<vmem>> -> memref<56x128xi32, #tpu.memory_space<vmem>>
        %dma_start3A_62 = arith.constant 0 : i32
        %dma_start3A_63 = arith.constant 0 : i32
        %dma_start3A_64 = tpu.memref_slice %arg3[%arg1, %dma_start3A_62, %dma_start3A_63] : memref<16x160x128xi32, #tpu.memory_space<hbm>> -> memref<1x56x128xi32, #tpu.memory_space<hbm>>
        %dma_start3A_65 = tpu.memref_squeeze %dma_start3A_64 : memref<1x56x128xi32, #tpu.memory_space<hbm>> -> memref<56x128xi32, #tpu.memory_space<hbm>>
        %dma_start3A_66 = arith.constant 0 : i32
        %dma_start3A_67 = arith.constant 0 : i32
        %dma_start3A_68 = tpu.memref_slice %arg6[%dma_start3A_66, %dma_start3A_67] : memref<56x128xi32, #tpu.memory_space<vmem>> -> memref<56x128xi32, #tpu.memory_space<vmem>>
        %dma_start3A_69 = arith.constant 0 : i32
        %dma_start3A_70 = arith.constant 0 : i32
        %dma_start3A_71 = tpu.memref_slice %arg3[%arg1, %dma_start3A_69, %dma_start3A_70] : memref<16x160x128xi32, #tpu.memory_space<hbm>> -> memref<1x56x128xi32, #tpu.memory_space<hbm>>
        %dma_start3A_72 = tpu.memref_squeeze %dma_start3A_71 : memref<1x56x128xi32, #tpu.memory_space<hbm>> -> memref<56x128xi32, #tpu.memory_space<hbm>>
        tpu.enqueue_dma source(%dma_start3A_72 : memref<56x128xi32, #tpu.memory_space<hbm>>) target(%dma_start3A_68 : memref<56x128xi32, #tpu.memory_space<vmem>>) target_semaphore(%run_scoped3A : memref<!tpu.dma_semaphore, #tpu.memory_space<semaphore_mem>>)
        %dma_wait3A = arith.constant 0 : i32
        %dma_wait3A_73 = arith.constant 0 : i32
        %dma_wait3A_74 = tpu.memref_slice %arg6[%dma_wait3A, %dma_wait3A_73] : memref<56x128xi32, #tpu.memory_space<vmem>> -> memref<56x128xi32, #tpu.memory_space<vmem>>
        %dma_wait3A_75 = arith.constant 0 : i32
        %dma_wait3A_76 = arith.constant 0 : i32
        %dma_wait3A_77 = tpu.memref_slice %arg3[%arg1, %dma_wait3A_75, %dma_wait3A_76] : memref<16x160x128xi32, #tpu.memory_space<hbm>> -> memref<1x56x128xi32, #tpu.memory_space<hbm>>
        %dma_wait3A_78 = tpu.memref_squeeze %dma_wait3A_77 : memref<1x56x128xi32, #tpu.memory_space<hbm>> -> memref<56x128xi32, #tpu.memory_space<hbm>>
        %dma_wait3A_79 = arith.constant 0 : i32
        %dma_wait3A_80 = arith.constant 0 : i32
        %dma_wait3A_81 = tpu.memref_slice %arg6[%dma_wait3A_79, %dma_wait3A_80] : memref<56x128xi32, #tpu.memory_space<vmem>> -> memref<56x128xi32, #tpu.memory_space<vmem>>
        %dma_wait3A_82 = arith.constant 0 : i32
        %dma_wait3A_83 = arith.constant 0 : i32
        %dma_wait3A_84 = tpu.memref_slice %arg3[%arg1, %dma_wait3A_82, %dma_wait3A_83] : memref<16x160x128xi32, #tpu.memory_space<hbm>> -> memref<1x56x128xi32, #tpu.memory_space<hbm>>
        %dma_wait3A_85 = tpu.memref_squeeze %dma_wait3A_84 : memref<1x56x128xi32, #tpu.memory_space<hbm>> -> memref<56x128xi32, #tpu.memory_space<hbm>>
        tpu.wait_dma2 semaphore(%run_scoped3A : memref<!tpu.dma_semaphore, #tpu.memory_space<semaphore_mem>>) src(%dma_wait3A_85 : memref<56x128xi32, #tpu.memory_space<hbm>>) dst(%dma_wait3A_81 : memref<56x128xi32, #tpu.memory_space<vmem>>)
        tpu.yield
      }) : () -> ()
      "tpu.region"() ({
        %run_scoped3A = tpu.sem_alloc : memref<!tpu.dma_semaphore, #tpu.memory_space<semaphore_mem>>
        %dma_start3A_59 = arith.constant 0 : i32
        %dma_start3A_60 = arith.constant 0 : i32
        %dma_start3A_61 = tpu.memref_slice %arg7[%dma_start3A_59, %dma_start3A_60] : memref<56x128xi32, #tpu.memory_space<vmem>> -> memref<56x128xi32, #tpu.memory_space<vmem>>
        %dma_start3A_62 = arith.constant 0 : i32
        %dma_start3A_63 = arith.constant 0 : i32
        %dma_start3A_64 = tpu.memref_slice %arg4[%arg1, %dma_start3A_62, %dma_start3A_63] : memref<16x160x128xi32, #tpu.memory_space<hbm>> -> memref<1x56x128xi32, #tpu.memory_space<hbm>>
        %dma_start3A_65 = tpu.memref_squeeze %dma_start3A_64 : memref<1x56x128xi32, #tpu.memory_space<hbm>> -> memref<56x128xi32, #tpu.memory_space<hbm>>
        %dma_start3A_66 = arith.constant 0 : i32
        %dma_start3A_67 = arith.constant 0 : i32
        %dma_start3A_68 = tpu.memref_slice %arg7[%dma_start3A_66, %dma_start3A_67] : memref<56x128xi32, #tpu.memory_space<vmem>> -> memref<56x128xi32, #tpu.memory_space<vmem>>
        %dma_start3A_69 = arith.constant 0 : i32
        %dma_start3A_70 = arith.constant 0 : i32
        %dma_start3A_71 = tpu.memref_slice %arg4[%arg1, %dma_start3A_69, %dma_start3A_70] : memref<16x160x128xi32, #tpu.memory_space<hbm>> -> memref<1x56x128xi32, #tpu.memory_space<hbm>>
        %dma_start3A_72 = tpu.memref_squeeze %dma_start3A_71 : memref<1x56x128xi32, #tpu.memory_space<hbm>> -> memref<56x128xi32, #tpu.memory_space<hbm>>
        tpu.enqueue_dma source(%dma_start3A_72 : memref<56x128xi32, #tpu.memory_space<hbm>>) target(%dma_start3A_68 : memref<56x128xi32, #tpu.memory_space<vmem>>) target_semaphore(%run_scoped3A : memref<!tpu.dma_semaphore, #tpu.memory_space<semaphore_mem>>)
        %dma_wait3A = arith.constant 0 : i32
        %dma_wait3A_73 = arith.constant 0 : i32
        %dma_wait3A_74 = tpu.memref_slice %arg7[%dma_wait3A, %dma_wait3A_73] : memref<56x128xi32, #tpu.memory_space<vmem>> -> memref<56x128xi32, #tpu.memory_space<vmem>>
        %dma_wait3A_75 = arith.constant 0 : i32
        %dma_wait3A_76 = arith.constant 0 : i32
        %dma_wait3A_77 = tpu.memref_slice %arg4[%arg1, %dma_wait3A_75, %dma_wait3A_76] : memref<16x160x128xi32, #tpu.memory_space<hbm>> -> memref<1x56x128xi32, #tpu.memory_space<hbm>>
        %dma_wait3A_78 = tpu.memref_squeeze %dma_wait3A_77 : memref<1x56x128xi32, #tpu.memory_space<hbm>> -> memref<56x128xi32, #tpu.memory_space<hbm>>
        %dma_wait3A_79 = arith.constant 0 : i32
        %dma_wait3A_80 = arith.constant 0 : i32
        %dma_wait3A_81 = tpu.memref_slice %arg7[%dma_wait3A_79, %dma_wait3A_80] : memref<56x128xi32, #tpu.memory_space<vmem>> -> memref<56x128xi32, #tpu.memory_space<vmem>>
        %dma_wait3A_82 = arith.constant 0 : i32
        %dma_wait3A_83 = arith.constant 0 : i32
        %dma_wait3A_84 = tpu.memref_slice %arg4[%arg1, %dma_wait3A_82, %dma_wait3A_83] : memref<16x160x128xi32, #tpu.memory_space<hbm>> -> memref<1x56x128xi32, #tpu.memory_space<hbm>>
        %dma_wait3A_85 = tpu.memref_squeeze %dma_wait3A_84 : memref<1x56x128xi32, #tpu.memory_space<hbm>> -> memref<56x128xi32, #tpu.memory_space<hbm>>
        tpu.wait_dma2 semaphore(%run_scoped3A : memref<!tpu.dma_semaphore, #tpu.memory_space<semaphore_mem>>) src(%dma_wait3A_85 : memref<56x128xi32, #tpu.memory_space<hbm>>) dst(%dma_wait3A_81 : memref<56x128xi32, #tpu.memory_space<vmem>>)
        tpu.yield
      }) : () -> ()
      %dma_start3A = arith.constant 0 : i32
      %dma_start3A_21 = arith.constant 0 : i32
      %dma_start3A_22 = tpu.memref_slice %arg6[%dma_start3A, %dma_start3A_21] : memref<56x128xi32, #tpu.memory_space<vmem>> -> memref<1x128xi32, #tpu.memory_space<vmem>>
      %dma_start3A_23 = tpu.memref_squeeze %dma_start3A_22 : memref<1x128xi32, #tpu.memory_space<vmem>> -> memref<128xi32, #tpu.memory_space<vmem>>
      %dma_start3A_24 = arith.constant 0 : i32
      %dma_start3A_25 = arith.constant 0 : i32
      %dma_start3A_26 = tpu.memref_slice %arg2[%dma_start3A_24, %dma_start3A_25] : memref<10240x128xf32, #tpu.memory_space<hbm>> -> memref<10240x128xf32, #tpu.memory_space<hbm>>
      tpu.enqueue_indirect_dma source(%dma_start3A_26 : memref<10240x128xf32, #tpu.memory_space<hbm>>) target(%arg8 : memref<128x128xf32, #tpu.memory_space<vmem>>) offsets(%dma_start3A_23 : memref<128xi32, #tpu.memory_space<vmem>>) semaphore(%arg10 : memref<!tpu.dma_semaphore, #tpu.memory_space<semaphore_mem>>)
      %scan3A_27 = arith.constant 0 : i32
      %scan3A_28 = arith.constant 0 : i32
      %scan3A_29 = arith.constant 28 : i32
      %scan3A_30 = arith.addi %scan3A_28, %scan3A_29 : i32
      %scan3A_31 = arith.constant 1 : i32
      scf.for %scan3A_59 = %scan3A_28 to %scan3A_30 step %scan3A_31  : i32 {
        %mul3A_60 = arith.constant 2 : i32
        %mul3A_61 = arith.muli %mul3A_60, %scan3A_59 : i32
        %add3A = arith.constant 1 : i32
        %add3A_62 = arith.addi %mul3A_61, %add3A : i32
        %dma_start3A_63 = arith.constant 0 : i32
        %dma_start3A_64 = tpu.memref_slice %arg6[%add3A_62, %dma_start3A_63] : memref<56x128xi32, #tpu.memory_space<vmem>> -> memref<1x128xi32, #tpu.memory_space<vmem>>
        %dma_start3A_65 = tpu.memref_squeeze %dma_start3A_64 : memref<1x128xi32, #tpu.memory_space<vmem>> -> memref<128xi32, #tpu.memory_space<vmem>>
        %dma_start3A_66 = arith.constant 0 : i32
        %dma_start3A_67 = arith.constant 0 : i32
        %dma_start3A_68 = tpu.memref_slice %arg2[%dma_start3A_66, %dma_start3A_67] : memref<10240x128xf32, #tpu.memory_space<hbm>> -> memref<10240x128xf32, #tpu.memory_space<hbm>>
        tpu.enqueue_indirect_dma source(%dma_start3A_68 : memref<10240x128xf32, #tpu.memory_space<hbm>>) target(%arg9 : memref<128x128xf32, #tpu.memory_space<vmem>>) offsets(%dma_start3A_65 : memref<128xi32, #tpu.memory_space<vmem>>) semaphore(%arg11 : memref<!tpu.dma_semaphore, #tpu.memory_space<semaphore_mem>>)
        %dma_wait3A = arith.constant 0 : i32
        %dma_wait3A_69 = tpu.memref_slice %arg6[%mul3A_61, %dma_wait3A] : memref<56x128xi32, #tpu.memory_space<vmem>> -> memref<1x128xi32, #tpu.memory_space<vmem>>
        %dma_wait3A_70 = tpu.memref_squeeze %dma_wait3A_69 : memref<1x128xi32, #tpu.memory_space<vmem>> -> memref<128xi32, #tpu.memory_space<vmem>>
        %dma_wait3A_71 = arith.constant 0 : i32
        %dma_wait3A_72 = arith.constant 0 : i32
        %dma_wait3A_73 = tpu.memref_slice %arg2[%dma_wait3A_71, %dma_wait3A_72] : memref<10240x128xf32, #tpu.memory_space<hbm>> -> memref<10240x128xf32, #tpu.memory_space<hbm>>
        tpu.wait_indirect_dma semaphore(%arg10 : memref<!tpu.dma_semaphore, #tpu.memory_space<semaphore_mem>>) src(%dma_wait3A_73 : memref<10240x128xf32, #tpu.memory_space<hbm>>) dst(%arg8 : memref<128x128xf32, #tpu.memory_space<vmem>>)
        "tpu.region"() ({
          %run_scoped3A = tpu.sem_alloc : memref<!tpu.dma_semaphore, #tpu.memory_space<semaphore_mem>>
          %dma_start3A_90 = arith.constant 0 : i32
          %dma_start3A_91 = tpu.memref_slice %arg7[%mul3A_61, %dma_start3A_90] : memref<56x128xi32, #tpu.memory_space<vmem>> -> memref<1x128xi32, #tpu.memory_space<vmem>>
          %dma_start3A_92 = tpu.memref_squeeze %dma_start3A_91 : memref<1x128xi32, #tpu.memory_space<vmem>> -> memref<128xi32, #tpu.memory_space<vmem>>
          %dma_start3A_93 = arith.constant 0 : i32
          %dma_start3A_94 = arith.constant 0 : i32
          %dma_start3A_95 = tpu.memref_slice %arg12[%dma_start3A_93, %dma_start3A_94] : memref<10240x128xf32, #tpu.memory_space<vmem_shared>> -> memref<10240x128xf32, #tpu.memory_space<vmem_shared>>
          tpu.enqueue_indirect_dma source(%arg8 : memref<128x128xf32, #tpu.memory_space<vmem>>) target(%dma_start3A_95 : memref<10240x128xf32, #tpu.memory_space<vmem_shared>>) offsets(%dma_start3A_92 : memref<128xi32, #tpu.memory_space<vmem>>) semaphore(%run_scoped3A : memref<!tpu.dma_semaphore, #tpu.memory_space<semaphore_mem>>) {add = true}
          %dma_wait3A_96 = arith.constant 0 : i32
          %dma_wait3A_97 = tpu.memref_slice %arg7[%mul3A_61, %dma_wait3A_96] : memref<56x128xi32, #tpu.memory_space<vmem>> -> memref<1x128xi32, #tpu.memory_space<vmem>>
          %dma_wait3A_98 = tpu.memref_squeeze %dma_wait3A_97 : memref<1x128xi32, #tpu.memory_space<vmem>> -> memref<128xi32, #tpu.memory_space<vmem>>
          %dma_wait3A_99 = arith.constant 0 : i32
          %dma_wait3A_100 = arith.constant 0 : i32
          %dma_wait3A_101 = tpu.memref_slice %arg12[%dma_wait3A_99, %dma_wait3A_100] : memref<10240x128xf32, #tpu.memory_space<vmem_shared>> -> memref<10240x128xf32, #tpu.memory_space<vmem_shared>>
          tpu.wait_indirect_dma semaphore(%run_scoped3A : memref<!tpu.dma_semaphore, #tpu.memory_space<semaphore_mem>>) src(%arg8 : memref<128x128xf32, #tpu.memory_space<vmem>>) dst(%dma_wait3A_101 : memref<10240x128xf32, #tpu.memory_space<vmem_shared>>)
          tpu.yield
        }) : () -> ()
        %add3A_74 = arith.constant 2 : i32
        %add3A_75 = arith.addi %mul3A_61, %add3A_74 : i32
        %lt3A = arith.constant 56 : i32
        %lt3A_76 = arith.cmpi slt, %add3A_75, %lt3A : i32
        %convert_element_type3A_77 = arith.extui %lt3A_76 : i1 to i32
        %cond3A_78 = arith.constant 0 : i32
        %cond3A_79 = arith.cmpi ne, %convert_element_type3A_77, %cond3A_78 : i32
        scf.if %cond3A_79 {
          %add3A_90 = arith.constant 2 : i32
          %add3A_91 = arith.addi %mul3A_61, %add3A_90 : i32
          %dma_start3A_92 = arith.constant 0 : i32
          %dma_start3A_93 = tpu.memref_slice %arg6[%add3A_91, %dma_start3A_92] : memref<56x128xi32, #tpu.memory_space<vmem>> -> memref<1x128xi32, #tpu.memory_space<vmem>>
          %dma_start3A_94 = tpu.memref_squeeze %dma_start3A_93 : memref<1x128xi32, #tpu.memory_space<vmem>> -> memref<128xi32, #tpu.memory_space<vmem>>
          %dma_start3A_95 = arith.constant 0 : i32
          %dma_start3A_96 = arith.constant 0 : i32
          %dma_start3A_97 = tpu.memref_slice %arg2[%dma_start3A_95, %dma_start3A_96] : memref<10240x128xf32, #tpu.memory_space<hbm>> -> memref<10240x128xf32, #tpu.memory_space<hbm>>
          tpu.enqueue_indirect_dma source(%dma_start3A_97 : memref<10240x128xf32, #tpu.memory_space<hbm>>) target(%arg8 : memref<128x128xf32, #tpu.memory_space<vmem>>) offsets(%dma_start3A_94 : memref<128xi32, #tpu.memory_space<vmem>>) semaphore(%arg10 : memref<!tpu.dma_semaphore, #tpu.memory_space<semaphore_mem>>)
        } else {
        }
        %add3A_80 = arith.constant 1 : i32
        %add3A_81 = arith.addi %mul3A_61, %add3A_80 : i32
        %dma_wait3A_82 = arith.constant 0 : i32
        %dma_wait3A_83 = tpu.memref_slice %arg6[%add3A_81, %dma_wait3A_82] : memref<56x128xi32, #tpu.memory_space<vmem>> -> memref<1x128xi32, #tpu.memory_space<vmem>>
        %dma_wait3A_84 = tpu.memref_squeeze %dma_wait3A_83 : memref<1x128xi32, #tpu.memory_space<vmem>> -> memref<128xi32, #tpu.memory_space<vmem>>
        %dma_wait3A_85 = arith.constant 0 : i32
        %dma_wait3A_86 = arith.constant 0 : i32
        %dma_wait3A_87 = tpu.memref_slice %arg2[%dma_wait3A_85, %dma_wait3A_86] : memref<10240x128xf32, #tpu.memory_space<hbm>> -> memref<10240x128xf32, #tpu.memory_space<hbm>>
        tpu.wait_indirect_dma semaphore(%arg11 : memref<!tpu.dma_semaphore, #tpu.memory_space<semaphore_mem>>) src(%dma_wait3A_87 : memref<10240x128xf32, #tpu.memory_space<hbm>>) dst(%arg9 : memref<128x128xf32, #tpu.memory_space<vmem>>)
        %add3A_88 = arith.constant 1 : i32
        %add3A_89 = arith.addi %mul3A_61, %add3A_88 : i32
        "tpu.region"() ({
          %run_scoped3A = tpu.sem_alloc : memref<!tpu.dma_semaphore, #tpu.memory_space<semaphore_mem>>
          %dma_start3A_90 = arith.constant 0 : i32
          %dma_start3A_91 = tpu.memref_slice %arg7[%add3A_89, %dma_start3A_90] : memref<56x128xi32, #tpu.memory_space<vmem>> -> memref<1x128xi32, #tpu.memory_space<vmem>>
          %dma_start3A_92 = tpu.memref_squeeze %dma_start3A_91 : memref<1x128xi32, #tpu.memory_space<vmem>> -> memref<128xi32, #tpu.memory_space<vmem>>
          %dma_start3A_93 = arith.constant 0 : i32
          %dma_start3A_94 = arith.constant 0 : i32
          %dma_start3A_95 = tpu.memref_slice %arg12[%dma_start3A_93, %dma_start3A_94] : memref<10240x128xf32, #tpu.memory_space<vmem_shared>> -> memref<10240x128xf32, #tpu.memory_space<vmem_shared>>
          tpu.enqueue_indirect_dma source(%arg9 : memref<128x128xf32, #tpu.memory_space<vmem>>) target(%dma_start3A_95 : memref<10240x128xf32, #tpu.memory_space<vmem_shared>>) offsets(%dma_start3A_92 : memref<128xi32, #tpu.memory_space<vmem>>) semaphore(%run_scoped3A : memref<!tpu.dma_semaphore, #tpu.memory_space<semaphore_mem>>) {add = true}
          %dma_wait3A_96 = arith.constant 0 : i32
          %dma_wait3A_97 = tpu.memref_slice %arg7[%add3A_89, %dma_wait3A_96] : memref<56x128xi32, #tpu.memory_space<vmem>> -> memref<1x128xi32, #tpu.memory_space<vmem>>
          %dma_wait3A_98 = tpu.memref_squeeze %dma_wait3A_97 : memref<1x128xi32, #tpu.memory_space<vmem>> -> memref<128xi32, #tpu.memory_space<vmem>>
          %dma_wait3A_99 = arith.constant 0 : i32
          %dma_wait3A_100 = arith.constant 0 : i32
          %dma_wait3A_101 = tpu.memref_slice %arg12[%dma_wait3A_99, %dma_wait3A_100] : memref<10240x128xf32, #tpu.memory_space<vmem_shared>> -> memref<10240x128xf32, #tpu.memory_space<vmem_shared>>
          tpu.wait_indirect_dma semaphore(%run_scoped3A : memref<!tpu.dma_semaphore, #tpu.memory_space<semaphore_mem>>) src(%arg9 : memref<128x128xf32, #tpu.memory_space<vmem>>) dst(%dma_wait3A_101 : memref<10240x128xf32, #tpu.memory_space<vmem_shared>>)
          tpu.yield
        }) : () -> ()
      }
      %scan3A_32 = arith.constant 28 : i32
      "tpu.region"() ({
        %run_scoped3A = tpu.sem_alloc : memref<!tpu.dma_semaphore, #tpu.memory_space<semaphore_mem>>
        %dma_start3A_59 = arith.constant 0 : i32
        %dma_start3A_60 = arith.constant 0 : i32
        %dma_start3A_61 = tpu.memref_slice %arg6[%dma_start3A_59, %dma_start3A_60] : memref<56x128xi32, #tpu.memory_space<vmem>> -> memref<56x128xi32, #tpu.memory_space<vmem>>
        %dma_start3A_62 = arith.constant 56 : i32
        %dma_start3A_63 = arith.constant 0 : i32
        %dma_start3A_64 = tpu.memref_slice %arg3[%arg1, %dma_start3A_62, %dma_start3A_63] : memref<16x160x128xi32, #tpu.memory_space<hbm>> -> memref<1x56x128xi32, #tpu.memory_space<hbm>>
        %dma_start3A_65 = tpu.memref_squeeze %dma_start3A_64 : memref<1x56x128xi32, #tpu.memory_space<hbm>> -> memref<56x128xi32, #tpu.memory_space<hbm>>
        %dma_start3A_66 = arith.constant 0 : i32
        %dma_start3A_67 = arith.constant 0 : i32
        %dma_start3A_68 = tpu.memref_slice %arg6[%dma_start3A_66, %dma_start3A_67] : memref<56x128xi32, #tpu.memory_space<vmem>> -> memref<56x128xi32, #tpu.memory_space<vmem>>
        %dma_start3A_69 = arith.constant 56 : i32
        %dma_start3A_70 = arith.constant 0 : i32
        %dma_start3A_71 = tpu.memref_slice %arg3[%arg1, %dma_start3A_69, %dma_start3A_70] : memref<16x160x128xi32, #tpu.memory_space<hbm>> -> memref<1x56x128xi32, #tpu.memory_space<hbm>>
        %dma_start3A_72 = tpu.memref_squeeze %dma_start3A_71 : memref<1x56x128xi32, #tpu.memory_space<hbm>> -> memref<56x128xi32, #tpu.memory_space<hbm>>
        tpu.enqueue_dma source(%dma_start3A_72 : memref<56x128xi32, #tpu.memory_space<hbm>>) target(%dma_start3A_68 : memref<56x128xi32, #tpu.memory_space<vmem>>) target_semaphore(%run_scoped3A : memref<!tpu.dma_semaphore, #tpu.memory_space<semaphore_mem>>)
        %dma_wait3A = arith.constant 0 : i32
        %dma_wait3A_73 = arith.constant 0 : i32
        %dma_wait3A_74 = tpu.memref_slice %arg6[%dma_wait3A, %dma_wait3A_73] : memref<56x128xi32, #tpu.memory_space<vmem>> -> memref<56x128xi32, #tpu.memory_space<vmem>>
        %dma_wait3A_75 = arith.constant 56 : i32
        %dma_wait3A_76 = arith.constant 0 : i32
        %dma_wait3A_77 = tpu.memref_slice %arg3[%arg1, %dma_wait3A_75, %dma_wait3A_76] : memref<16x160x128xi32, #tpu.memory_space<hbm>> -> memref<1x56x128xi32, #tpu.memory_space<hbm>>
        %dma_wait3A_78 = tpu.memref_squeeze %dma_wait3A_77 : memref<1x56x128xi32, #tpu.memory_space<hbm>> -> memref<56x128xi32, #tpu.memory_space<hbm>>
        %dma_wait3A_79 = arith.constant 0 : i32
        %dma_wait3A_80 = arith.constant 0 : i32
        %dma_wait3A_81 = tpu.memref_slice %arg6[%dma_wait3A_79, %dma_wait3A_80] : memref<56x128xi32, #tpu.memory_space<vmem>> -> memref<56x128xi32, #tpu.memory_space<vmem>>
        %dma_wait3A_82 = arith.constant 56 : i32
        %dma_wait3A_83 = arith.constant 0 : i32
        %dma_wait3A_84 = tpu.memref_slice %arg3[%arg1, %dma_wait3A_82, %dma_wait3A_83] : memref<16x160x128xi32, #tpu.memory_space<hbm>> -> memref<1x56x128xi32, #tpu.memory_space<hbm>>
        %dma_wait3A_85 = tpu.memref_squeeze %dma_wait3A_84 : memref<1x56x128xi32, #tpu.memory_space<hbm>> -> memref<56x128xi32, #tpu.memory_space<hbm>>
        tpu.wait_dma2 semaphore(%run_scoped3A : memref<!tpu.dma_semaphore, #tpu.memory_space<semaphore_mem>>) src(%dma_wait3A_85 : memref<56x128xi32, #tpu.memory_space<hbm>>) dst(%dma_wait3A_81 : memref<56x128xi32, #tpu.memory_space<vmem>>)
        tpu.yield
      }) : () -> ()
      "tpu.region"() ({
        %run_scoped3A = tpu.sem_alloc : memref<!tpu.dma_semaphore, #tpu.memory_space<semaphore_mem>>
        %dma_start3A_59 = arith.constant 0 : i32
        %dma_start3A_60 = arith.constant 0 : i32
        %dma_start3A_61 = tpu.memref_slice %arg7[%dma_start3A_59, %dma_start3A_60] : memref<56x128xi32, #tpu.memory_space<vmem>> -> memref<56x128xi32, #tpu.memory_space<vmem>>
        %dma_start3A_62 = arith.constant 56 : i32
        %dma_start3A_63 = arith.constant 0 : i32
        %dma_start3A_64 = tpu.memref_slice %arg4[%arg1, %dma_start3A_62, %dma_start3A_63] : memref<16x160x128xi32, #tpu.memory_space<hbm>> -> memref<1x56x128xi32, #tpu.memory_space<hbm>>
        %dma_start3A_65 = tpu.memref_squeeze %dma_start3A_64 : memref<1x56x128xi32, #tpu.memory_space<hbm>> -> memref<56x128xi32, #tpu.memory_space<hbm>>
        %dma_start3A_66 = arith.constant 0 : i32
        %dma_start3A_67 = arith.constant 0 : i32
        %dma_start3A_68 = tpu.memref_slice %arg7[%dma_start3A_66, %dma_start3A_67] : memref<56x128xi32, #tpu.memory_space<vmem>> -> memref<56x128xi32, #tpu.memory_space<vmem>>
        %dma_start3A_69 = arith.constant 56 : i32
        %dma_start3A_70 = arith.constant 0 : i32
        %dma_start3A_71 = tpu.memref_slice %arg4[%arg1, %dma_start3A_69, %dma_start3A_70] : memref<16x160x128xi32, #tpu.memory_space<hbm>> -> memref<1x56x128xi32, #tpu.memory_space<hbm>>
        %dma_start3A_72 = tpu.memref_squeeze %dma_start3A_71 : memref<1x56x128xi32, #tpu.memory_space<hbm>> -> memref<56x128xi32, #tpu.memory_space<hbm>>
        tpu.enqueue_dma source(%dma_start3A_72 : memref<56x128xi32, #tpu.memory_space<hbm>>) target(%dma_start3A_68 : memref<56x128xi32, #tpu.memory_space<vmem>>) target_semaphore(%run_scoped3A : memref<!tpu.dma_semaphore, #tpu.memory_space<semaphore_mem>>)
        %dma_wait3A = arith.constant 0 : i32
        %dma_wait3A_73 = arith.constant 0 : i32
        %dma_wait3A_74 = tpu.memref_slice %arg7[%dma_wait3A, %dma_wait3A_73] : memref<56x128xi32, #tpu.memory_space<vmem>> -> memref<56x128xi32, #tpu.memory_space<vmem>>
        %dma_wait3A_75 = arith.constant 56 : i32
        %dma_wait3A_76 = arith.constant 0 : i32
        %dma_wait3A_77 = tpu.memref_slice %arg4[%arg1, %dma_wait3A_75, %dma_wait3A_76] : memref<16x160x128xi32, #tpu.memory_space<hbm>> -> memref<1x56x128xi32, #tpu.memory_space<hbm>>
        %dma_wait3A_78 = tpu.memref_squeeze %dma_wait3A_77 : memref<1x56x128xi32, #tpu.memory_space<hbm>> -> memref<56x128xi32, #tpu.memory_space<hbm>>
        %dma_wait3A_79 = arith.constant 0 : i32
        %dma_wait3A_80 = arith.constant 0 : i32
        %dma_wait3A_81 = tpu.memref_slice %arg7[%dma_wait3A_79, %dma_wait3A_80] : memref<56x128xi32, #tpu.memory_space<vmem>> -> memref<56x128xi32, #tpu.memory_space<vmem>>
        %dma_wait3A_82 = arith.constant 56 : i32
        %dma_wait3A_83 = arith.constant 0 : i32
        %dma_wait3A_84 = tpu.memref_slice %arg4[%arg1, %dma_wait3A_82, %dma_wait3A_83] : memref<16x160x128xi32, #tpu.memory_space<hbm>> -> memref<1x56x128xi32, #tpu.memory_space<hbm>>
        %dma_wait3A_85 = tpu.memref_squeeze %dma_wait3A_84 : memref<1x56x128xi32, #tpu.memory_space<hbm>> -> memref<56x128xi32, #tpu.memory_space<hbm>>
        tpu.wait_dma2 semaphore(%run_scoped3A : memref<!tpu.dma_semaphore, #tpu.memory_space<semaphore_mem>>) src(%dma_wait3A_85 : memref<56x128xi32, #tpu.memory_space<hbm>>) dst(%dma_wait3A_81 : memref<56x128xi32, #tpu.memory_space<vmem>>)
        tpu.yield
      }) : () -> ()
      %dma_start3A_33 = arith.constant 0 : i32
      %dma_start3A_34 = arith.constant 0 : i32
      %dma_start3A_35 = tpu.memref_slice %arg6[%dma_start3A_33, %dma_start3A_34] : memref<56x128xi32, #tpu.memory_space<vmem>> -> memref<1x128xi32, #tpu.memory_space<vmem>>
      %dma_start3A_36 = tpu.memref_squeeze %dma_start3A_35 : memref<1x128xi32, #tpu.memory_space<vmem>> -> memref<128xi32, #tpu.memory_space<vmem>>
      %dma_start3A_37 = arith.constant 0 : i32
      %dma_start3A_38 = arith.constant 0 : i32
      %dma_start3A_39 = tpu.memref_slice %arg2[%dma_start3A_37, %dma_start3A_38] : memref<10240x128xf32, #tpu.memory_space<hbm>> -> memref<10240x128xf32, #tpu.memory_space<hbm>>
      tpu.enqueue_indirect_dma source(%dma_start3A_39 : memref<10240x128xf32, #tpu.memory_space<hbm>>) target(%arg8 : memref<128x128xf32, #tpu.memory_space<vmem>>) offsets(%dma_start3A_36 : memref<128xi32, #tpu.memory_space<vmem>>) semaphore(%arg10 : memref<!tpu.dma_semaphore, #tpu.memory_space<semaphore_mem>>)
      %scan3A_40 = arith.constant 0 : i32
      %scan3A_41 = arith.constant 0 : i32
      %scan3A_42 = arith.constant 28 : i32
      %scan3A_43 = arith.addi %scan3A_41, %scan3A_42 : i32
      %scan3A_44 = arith.constant 1 : i32
      scf.for %scan3A_59 = %scan3A_41 to %scan3A_43 step %scan3A_44  : i32 {
        %mul3A_60 = arith.constant 2 : i32
        %mul3A_61 = arith.muli %mul3A_60, %scan3A_59 : i32
        %add3A = arith.constant 1 : i32
        %add3A_62 = arith.addi %mul3A_61, %add3A : i32
        %dma_start3A_63 = arith.constant 0 : i32
        %dma_start3A_64 = tpu.memref_slice %arg6[%add3A_62, %dma_start3A_63] : memref<56x128xi32, #tpu.memory_space<vmem>> -> memref<1x128xi32, #tpu.memory_space<vmem>>
        %dma_start3A_65 = tpu.memref_squeeze %dma_start3A_64 : memref<1x128xi32, #tpu.memory_space<vmem>> -> memref<128xi32, #tpu.memory_space<vmem>>
        %dma_start3A_66 = arith.constant 0 : i32
        %dma_start3A_67 = arith.constant 0 : i32
        %dma_start3A_68 = tpu.memref_slice %arg2[%dma_start3A_66, %dma_start3A_67] : memref<10240x128xf32, #tpu.memory_space<hbm>> -> memref<10240x128xf32, #tpu.memory_space<hbm>>
        tpu.enqueue_indirect_dma source(%dma_start3A_68 : memref<10240x128xf32, #tpu.memory_space<hbm>>) target(%arg9 : memref<128x128xf32, #tpu.memory_space<vmem>>) offsets(%dma_start3A_65 : memref<128xi32, #tpu.memory_space<vmem>>) semaphore(%arg11 : memref<!tpu.dma_semaphore, #tpu.memory_space<semaphore_mem>>)
        %dma_wait3A = arith.constant 0 : i32
        %dma_wait3A_69 = tpu.memref_slice %arg6[%mul3A_61, %dma_wait3A] : memref<56x128xi32, #tpu.memory_space<vmem>> -> memref<1x128xi32, #tpu.memory_space<vmem>>
        %dma_wait3A_70 = tpu.memref_squeeze %dma_wait3A_69 : memref<1x128xi32, #tpu.memory_space<vmem>> -> memref<128xi32, #tpu.memory_space<vmem>>
        %dma_wait3A_71 = arith.constant 0 : i32
        %dma_wait3A_72 = arith.constant 0 : i32
        %dma_wait3A_73 = tpu.memref_slice %arg2[%dma_wait3A_71, %dma_wait3A_72] : memref<10240x128xf32, #tpu.memory_space<hbm>> -> memref<10240x128xf32, #tpu.memory_space<hbm>>
        tpu.wait_indirect_dma semaphore(%arg10 : memref<!tpu.dma_semaphore, #tpu.memory_space<semaphore_mem>>) src(%dma_wait3A_73 : memref<10240x128xf32, #tpu.memory_space<hbm>>) dst(%arg8 : memref<128x128xf32, #tpu.memory_space<vmem>>)
        "tpu.region"() ({
          %run_scoped3A = tpu.sem_alloc : memref<!tpu.dma_semaphore, #tpu.memory_space<semaphore_mem>>
          %dma_start3A_90 = arith.constant 0 : i32
          %dma_start3A_91 = tpu.memref_slice %arg7[%mul3A_61, %dma_start3A_90] : memref<56x128xi32, #tpu.memory_space<vmem>> -> memref<1x128xi32, #tpu.memory_space<vmem>>
          %dma_start3A_92 = tpu.memref_squeeze %dma_start3A_91 : memref<1x128xi32, #tpu.memory_space<vmem>> -> memref<128xi32, #tpu.memory_space<vmem>>
          %dma_start3A_93 = arith.constant 0 : i32
          %dma_start3A_94 = arith.constant 0 : i32
          %dma_start3A_95 = tpu.memref_slice %arg12[%dma_start3A_93, %dma_start3A_94] : memref<10240x128xf32, #tpu.memory_space<vmem_shared>> -> memref<10240x128xf32, #tpu.memory_space<vmem_shared>>
          tpu.enqueue_indirect_dma source(%arg8 : memref<128x128xf32, #tpu.memory_space<vmem>>) target(%dma_start3A_95 : memref<10240x128xf32, #tpu.memory_space<vmem_shared>>) offsets(%dma_start3A_92 : memref<128xi32, #tpu.memory_space<vmem>>) semaphore(%run_scoped3A : memref<!tpu.dma_semaphore, #tpu.memory_space<semaphore_mem>>) {add = true}
          %dma_wait3A_96 = arith.constant 0 : i32
          %dma_wait3A_97 = tpu.memref_slice %arg7[%mul3A_61, %dma_wait3A_96] : memref<56x128xi32, #tpu.memory_space<vmem>> -> memref<1x128xi32, #tpu.memory_space<vmem>>
          %dma_wait3A_98 = tpu.memref_squeeze %dma_wait3A_97 : memref<1x128xi32, #tpu.memory_space<vmem>> -> memref<128xi32, #tpu.memory_space<vmem>>
          %dma_wait3A_99 = arith.constant 0 : i32
          %dma_wait3A_100 = arith.constant 0 : i32
          %dma_wait3A_101 = tpu.memref_slice %arg12[%dma_wait3A_99, %dma_wait3A_100] : memref<10240x128xf32, #tpu.memory_space<vmem_shared>> -> memref<10240x128xf32, #tpu.memory_space<vmem_shared>>
          tpu.wait_indirect_dma semaphore(%run_scoped3A : memref<!tpu.dma_semaphore, #tpu.memory_space<semaphore_mem>>) src(%arg8 : memref<128x128xf32, #tpu.memory_space<vmem>>) dst(%dma_wait3A_101 : memref<10240x128xf32, #tpu.memory_space<vmem_shared>>)
          tpu.yield
        }) : () -> ()
        %add3A_74 = arith.constant 2 : i32
        %add3A_75 = arith.addi %mul3A_61, %add3A_74 : i32
        %lt3A = arith.constant 56 : i32
        %lt3A_76 = arith.cmpi slt, %add3A_75, %lt3A : i32
        %convert_element_type3A_77 = arith.extui %lt3A_76 : i1 to i32
        %cond3A_78 = arith.constant 0 : i32
        %cond3A_79 = arith.cmpi ne, %convert_element_type3A_77, %cond3A_78 : i32
        scf.if %cond3A_79 {
          %add3A_90 = arith.constant 2 : i32
          %add3A_91 = arith.addi %mul3A_61, %add3A_90 : i32
          %dma_start3A_92 = arith.constant 0 : i32
          %dma_start3A_93 = tpu.memref_slice %arg6[%add3A_91, %dma_start3A_92] : memref<56x128xi32, #tpu.memory_space<vmem>> -> memref<1x128xi32, #tpu.memory_space<vmem>>
          %dma_start3A_94 = tpu.memref_squeeze %dma_start3A_93 : memref<1x128xi32, #tpu.memory_space<vmem>> -> memref<128xi32, #tpu.memory_space<vmem>>
          %dma_start3A_95 = arith.constant 0 : i32
          %dma_start3A_96 = arith.constant 0 : i32
          %dma_start3A_97 = tpu.memref_slice %arg2[%dma_start3A_95, %dma_start3A_96] : memref<10240x128xf32, #tpu.memory_space<hbm>> -> memref<10240x128xf32, #tpu.memory_space<hbm>>
          tpu.enqueue_indirect_dma source(%dma_start3A_97 : memref<10240x128xf32, #tpu.memory_space<hbm>>) target(%arg8 : memref<128x128xf32, #tpu.memory_space<vmem>>) offsets(%dma_start3A_94 : memref<128xi32, #tpu.memory_space<vmem>>) semaphore(%arg10 : memref<!tpu.dma_semaphore, #tpu.memory_space<semaphore_mem>>)
        } else {
        }
        %add3A_80 = arith.constant 1 : i32
        %add3A_81 = arith.addi %mul3A_61, %add3A_80 : i32
        %dma_wait3A_82 = arith.constant 0 : i32
        %dma_wait3A_83 = tpu.memref_slice %arg6[%add3A_81, %dma_wait3A_82] : memref<56x128xi32, #tpu.memory_space<vmem>> -> memref<1x128xi32, #tpu.memory_space<vmem>>
        %dma_wait3A_84 = tpu.memref_squeeze %dma_wait3A_83 : memref<1x128xi32, #tpu.memory_space<vmem>> -> memref<128xi32, #tpu.memory_space<vmem>>
        %dma_wait3A_85 = arith.constant 0 : i32
        %dma_wait3A_86 = arith.constant 0 : i32
        %dma_wait3A_87 = tpu.memref_slice %arg2[%dma_wait3A_85, %dma_wait3A_86] : memref<10240x128xf32, #tpu.memory_space<hbm>> -> memref<10240x128xf32, #tpu.memory_space<hbm>>
        tpu.wait_indirect_dma semaphore(%arg11 : memref<!tpu.dma_semaphore, #tpu.memory_space<semaphore_mem>>) src(%dma_wait3A_87 : memref<10240x128xf32, #tpu.memory_space<hbm>>) dst(%arg9 : memref<128x128xf32, #tpu.memory_space<vmem>>)
        %add3A_88 = arith.constant 1 : i32
        %add3A_89 = arith.addi %mul3A_61, %add3A_88 : i32
        "tpu.region"() ({
          %run_scoped3A = tpu.sem_alloc : memref<!tpu.dma_semaphore, #tpu.memory_space<semaphore_mem>>
          %dma_start3A_90 = arith.constant 0 : i32
          %dma_start3A_91 = tpu.memref_slice %arg7[%add3A_89, %dma_start3A_90] : memref<56x128xi32, #tpu.memory_space<vmem>> -> memref<1x128xi32, #tpu.memory_space<vmem>>
          %dma_start3A_92 = tpu.memref_squeeze %dma_start3A_91 : memref<1x128xi32, #tpu.memory_space<vmem>> -> memref<128xi32, #tpu.memory_space<vmem>>
          %dma_start3A_93 = arith.constant 0 : i32
          %dma_start3A_94 = arith.constant 0 : i32
          %dma_start3A_95 = tpu.memref_slice %arg12[%dma_start3A_93, %dma_start3A_94] : memref<10240x128xf32, #tpu.memory_space<vmem_shared>> -> memref<10240x128xf32, #tpu.memory_space<vmem_shared>>
          tpu.enqueue_indirect_dma source(%arg9 : memref<128x128xf32, #tpu.memory_space<vmem>>) target(%dma_start3A_95 : memref<10240x128xf32, #tpu.memory_space<vmem_shared>>) offsets(%dma_start3A_92 : memref<128xi32, #tpu.memory_space<vmem>>) semaphore(%run_scoped3A : memref<!tpu.dma_semaphore, #tpu.memory_space<semaphore_mem>>) {add = true}
          %dma_wait3A_96 = arith.constant 0 : i32
          %dma_wait3A_97 = tpu.memref_slice %arg7[%add3A_89, %dma_wait3A_96] : memref<56x128xi32, #tpu.memory_space<vmem>> -> memref<1x128xi32, #tpu.memory_space<vmem>>
          %dma_wait3A_98 = tpu.memref_squeeze %dma_wait3A_97 : memref<1x128xi32, #tpu.memory_space<vmem>> -> memref<128xi32, #tpu.memory_space<vmem>>
          %dma_wait3A_99 = arith.constant 0 : i32
          %dma_wait3A_100 = arith.constant 0 : i32
          %dma_wait3A_101 = tpu.memref_slice %arg12[%dma_wait3A_99, %dma_wait3A_100] : memref<10240x128xf32, #tpu.memory_space<vmem_shared>> -> memref<10240x128xf32, #tpu.memory_space<vmem_shared>>
          tpu.wait_indirect_dma semaphore(%run_scoped3A : memref<!tpu.dma_semaphore, #tpu.memory_space<semaphore_mem>>) src(%arg9 : memref<128x128xf32, #tpu.memory_space<vmem>>) dst(%dma_wait3A_101 : memref<10240x128xf32, #tpu.memory_space<vmem_shared>>)
          tpu.yield
        }) : () -> ()
      }
      %scan3A_45 = arith.constant 28 : i32
      "tpu.region"() ({
        %run_scoped3A = tpu.sem_alloc : memref<!tpu.dma_semaphore, #tpu.memory_space<semaphore_mem>>
        %dma_start3A_59 = arith.constant 0 : i32
        %dma_start3A_60 = arith.constant 0 : i32
        %dma_start3A_61 = tpu.memref_slice %arg6[%dma_start3A_59, %dma_start3A_60] : memref<56x128xi32, #tpu.memory_space<vmem>> -> memref<8x128xi32, #tpu.memory_space<vmem>>
        %dma_start3A_62 = arith.constant 112 : i32
        %dma_start3A_63 = arith.constant 0 : i32
        %dma_start3A_64 = tpu.memref_slice %arg3[%arg1, %dma_start3A_62, %dma_start3A_63] : memref<16x160x128xi32, #tpu.memory_space<hbm>> -> memref<1x8x128xi32, #tpu.memory_space<hbm>>
        %dma_start3A_65 = tpu.memref_squeeze %dma_start3A_64 : memref<1x8x128xi32, #tpu.memory_space<hbm>> -> memref<8x128xi32, #tpu.memory_space<hbm>>
        %dma_start3A_66 = arith.constant 0 : i32
        %dma_start3A_67 = arith.constant 0 : i32
        %dma_start3A_68 = tpu.memref_slice %arg6[%dma_start3A_66, %dma_start3A_67] : memref<56x128xi32, #tpu.memory_space<vmem>> -> memref<8x128xi32, #tpu.memory_space<vmem>>
        %dma_start3A_69 = arith.constant 112 : i32
        %dma_start3A_70 = arith.constant 0 : i32
        %dma_start3A_71 = tpu.memref_slice %arg3[%arg1, %dma_start3A_69, %dma_start3A_70] : memref<16x160x128xi32, #tpu.memory_space<hbm>> -> memref<1x8x128xi32, #tpu.memory_space<hbm>>
        %dma_start3A_72 = tpu.memref_squeeze %dma_start3A_71 : memref<1x8x128xi32, #tpu.memory_space<hbm>> -> memref<8x128xi32, #tpu.memory_space<hbm>>
        tpu.enqueue_dma source(%dma_start3A_72 : memref<8x128xi32, #tpu.memory_space<hbm>>) target(%dma_start3A_68 : memref<8x128xi32, #tpu.memory_space<vmem>>) target_semaphore(%run_scoped3A : memref<!tpu.dma_semaphore, #tpu.memory_space<semaphore_mem>>)
        %dma_wait3A = arith.constant 0 : i32
        %dma_wait3A_73 = arith.constant 0 : i32
        %dma_wait3A_74 = tpu.memref_slice %arg6[%dma_wait3A, %dma_wait3A_73] : memref<56x128xi32, #tpu.memory_space<vmem>> -> memref<8x128xi32, #tpu.memory_space<vmem>>
        %dma_wait3A_75 = arith.constant 112 : i32
        %dma_wait3A_76 = arith.constant 0 : i32
        %dma_wait3A_77 = tpu.memref_slice %arg3[%arg1, %dma_wait3A_75, %dma_wait3A_76] : memref<16x160x128xi32, #tpu.memory_space<hbm>> -> memref<1x8x128xi32, #tpu.memory_space<hbm>>
        %dma_wait3A_78 = tpu.memref_squeeze %dma_wait3A_77 : memref<1x8x128xi32, #tpu.memory_space<hbm>> -> memref<8x128xi32, #tpu.memory_space<hbm>>
        %dma_wait3A_79 = arith.constant 0 : i32
        %dma_wait3A_80 = arith.constant 0 : i32
        %dma_wait3A_81 = tpu.memref_slice %arg6[%dma_wait3A_79, %dma_wait3A_80] : memref<56x128xi32, #tpu.memory_space<vmem>> -> memref<8x128xi32, #tpu.memory_space<vmem>>
        %dma_wait3A_82 = arith.constant 112 : i32
        %dma_wait3A_83 = arith.constant 0 : i32
        %dma_wait3A_84 = tpu.memref_slice %arg3[%arg1, %dma_wait3A_82, %dma_wait3A_83] : memref<16x160x128xi32, #tpu.memory_space<hbm>> -> memref<1x8x128xi32, #tpu.memory_space<hbm>>
        %dma_wait3A_85 = tpu.memref_squeeze %dma_wait3A_84 : memref<1x8x128xi32, #tpu.memory_space<hbm>> -> memref<8x128xi32, #tpu.memory_space<hbm>>
        tpu.wait_dma2 semaphore(%run_scoped3A : memref<!tpu.dma_semaphore, #tpu.memory_space<semaphore_mem>>) src(%dma_wait3A_85 : memref<8x128xi32, #tpu.memory_space<hbm>>) dst(%dma_wait3A_81 : memref<8x128xi32, #tpu.memory_space<vmem>>)
        tpu.yield
      }) : () -> ()
      "tpu.region"() ({
        %run_scoped3A = tpu.sem_alloc : memref<!tpu.dma_semaphore, #tpu.memory_space<semaphore_mem>>
        %dma_start3A_59 = arith.constant 0 : i32
        %dma_start3A_60 = arith.constant 0 : i32
        %dma_start3A_61 = tpu.memref_slice %arg7[%dma_start3A_59, %dma_start3A_60] : memref<56x128xi32, #tpu.memory_space<vmem>> -> memref<8x128xi32, #tpu.memory_space<vmem>>
        %dma_start3A_62 = arith.constant 112 : i32
        %dma_start3A_63 = arith.constant 0 : i32
        %dma_start3A_64 = tpu.memref_slice %arg4[%arg1, %dma_start3A_62, %dma_start3A_63] : memref<16x160x128xi32, #tpu.memory_space<hbm>> -> memref<1x8x128xi32, #tpu.memory_space<hbm>>
        %dma_start3A_65 = tpu.memref_squeeze %dma_start3A_64 : memref<1x8x128xi32, #tpu.memory_space<hbm>> -> memref<8x128xi32, #tpu.memory_space<hbm>>
        %dma_start3A_66 = arith.constant 0 : i32
        %dma_start3A_67 = arith.constant 0 : i32
        %dma_start3A_68 = tpu.memref_slice %arg7[%dma_start3A_66, %dma_start3A_67] : memref<56x128xi32, #tpu.memory_space<vmem>> -> memref<8x128xi32, #tpu.memory_space<vmem>>
        %dma_start3A_69 = arith.constant 112 : i32
        %dma_start3A_70 = arith.constant 0 : i32
        %dma_start3A_71 = tpu.memref_slice %arg4[%arg1, %dma_start3A_69, %dma_start3A_70] : memref<16x160x128xi32, #tpu.memory_space<hbm>> -> memref<1x8x128xi32, #tpu.memory_space<hbm>>
        %dma_start3A_72 = tpu.memref_squeeze %dma_start3A_71 : memref<1x8x128xi32, #tpu.memory_space<hbm>> -> memref<8x128xi32, #tpu.memory_space<hbm>>
        tpu.enqueue_dma source(%dma_start3A_72 : memref<8x128xi32, #tpu.memory_space<hbm>>) target(%dma_start3A_68 : memref<8x128xi32, #tpu.memory_space<vmem>>) target_semaphore(%run_scoped3A : memref<!tpu.dma_semaphore, #tpu.memory_space<semaphore_mem>>)
        %dma_wait3A = arith.constant 0 : i32
        %dma_wait3A_73 = arith.constant 0 : i32
        %dma_wait3A_74 = tpu.memref_slice %arg7[%dma_wait3A, %dma_wait3A_73] : memref<56x128xi32, #tpu.memory_space<vmem>> -> memref<8x128xi32, #tpu.memory_space<vmem>>
        %dma_wait3A_75 = arith.constant 112 : i32
        %dma_wait3A_76 = arith.constant 0 : i32
        %dma_wait3A_77 = tpu.memref_slice %arg4[%arg1, %dma_wait3A_75, %dma_wait3A_76] : memref<16x160x128xi32, #tpu.memory_space<hbm>> -> memref<1x8x128xi32, #tpu.memory_space<hbm>>
        %dma_wait3A_78 = tpu.memref_squeeze %dma_wait3A_77 : memref<1x8x128xi32, #tpu.memory_space<hbm>> -> memref<8x128xi32, #tpu.memory_space<hbm>>
        %dma_wait3A_79 = arith.constant 0 : i32
        %dma_wait3A_80 = arith.constant 0 : i32
        %dma_wait3A_81 = tpu.memref_slice %arg7[%dma_wait3A_79, %dma_wait3A_80] : memref<56x128xi32, #tpu.memory_space<vmem>> -> memref<8x128xi32, #tpu.memory_space<vmem>>
        %dma_wait3A_82 = arith.constant 112 : i32
        %dma_wait3A_83 = arith.constant 0 : i32
        %dma_wait3A_84 = tpu.memref_slice %arg4[%arg1, %dma_wait3A_82, %dma_wait3A_83] : memref<16x160x128xi32, #tpu.memory_space<hbm>> -> memref<1x8x128xi32, #tpu.memory_space<hbm>>
        %dma_wait3A_85 = tpu.memref_squeeze %dma_wait3A_84 : memref<1x8x128xi32, #tpu.memory_space<hbm>> -> memref<8x128xi32, #tpu.memory_space<hbm>>
        tpu.wait_dma2 semaphore(%run_scoped3A : memref<!tpu.dma_semaphore, #tpu.memory_space<semaphore_mem>>) src(%dma_wait3A_85 : memref<8x128xi32, #tpu.memory_space<hbm>>) dst(%dma_wait3A_81 : memref<8x128xi32, #tpu.memory_space<vmem>>)
        tpu.yield
      }) : () -> ()
      %dma_start3A_46 = arith.constant 0 : i32
      %dma_start3A_47 = arith.constant 0 : i32
      %dma_start3A_48 = tpu.memref_slice %arg6[%dma_start3A_46, %dma_start3A_47] : memref<56x128xi32, #tpu.memory_space<vmem>> -> memref<1x128xi32, #tpu.memory_space<vmem>>
      %dma_start3A_49 = tpu.memref_squeeze %dma_start3A_48 : memref<1x128xi32, #tpu.memory_space<vmem>> -> memref<128xi32, #tpu.memory_space<vmem>>
      %dma_start3A_50 = arith.constant 0 : i32
      %dma_start3A_51 = arith.constant 0 : i32
      %dma_start3A_52 = tpu.memref_slice %arg2[%dma_start3A_50, %dma_start3A_51] : memref<10240x128xf32, #tpu.memory_space<hbm>> -> memref<10240x128xf32, #tpu.memory_space<hbm>>
      tpu.enqueue_indirect_dma source(%dma_start3A_52 : memref<10240x128xf32, #tpu.memory_space<hbm>>) target(%arg8 : memref<128x128xf32, #tpu.memory_space<vmem>>) offsets(%dma_start3A_49 : memref<128xi32, #tpu.memory_space<vmem>>) semaphore(%arg10 : memref<!tpu.dma_semaphore, #tpu.memory_space<semaphore_mem>>)
      %scan3A_53 = arith.constant 0 : i32
      %scan3A_54 = arith.constant 0 : i32
      %scan3A_55 = arith.constant 4 : i32
      %scan3A_56 = arith.addi %scan3A_54, %scan3A_55 : i32
      %scan3A_57 = arith.constant 1 : i32
      scf.for %scan3A_59 = %scan3A_54 to %scan3A_56 step %scan3A_57  : i32 {
        %mul3A_60 = arith.constant 2 : i32
        %mul3A_61 = arith.muli %mul3A_60, %scan3A_59 : i32
        %add3A = arith.constant 1 : i32
        %add3A_62 = arith.addi %mul3A_61, %add3A : i32
        %dma_start3A_63 = arith.constant 0 : i32
        %dma_start3A_64 = tpu.memref_slice %arg6[%add3A_62, %dma_start3A_63] : memref<56x128xi32, #tpu.memory_space<vmem>> -> memref<1x128xi32, #tpu.memory_space<vmem>>
        %dma_start3A_65 = tpu.memref_squeeze %dma_start3A_64 : memref<1x128xi32, #tpu.memory_space<vmem>> -> memref<128xi32, #tpu.memory_space<vmem>>
        %dma_start3A_66 = arith.constant 0 : i32
        %dma_start3A_67 = arith.constant 0 : i32
        %dma_start3A_68 = tpu.memref_slice %arg2[%dma_start3A_66, %dma_start3A_67] : memref<10240x128xf32, #tpu.memory_space<hbm>> -> memref<10240x128xf32, #tpu.memory_space<hbm>>
        tpu.enqueue_indirect_dma source(%dma_start3A_68 : memref<10240x128xf32, #tpu.memory_space<hbm>>) target(%arg9 : memref<128x128xf32, #tpu.memory_space<vmem>>) offsets(%dma_start3A_65 : memref<128xi32, #tpu.memory_space<vmem>>) semaphore(%arg11 : memref<!tpu.dma_semaphore, #tpu.memory_space<semaphore_mem>>)
        %dma_wait3A = arith.constant 0 : i32
        %dma_wait3A_69 = tpu.memref_slice %arg6[%mul3A_61, %dma_wait3A] : memref<56x128xi32, #tpu.memory_space<vmem>> -> memref<1x128xi32, #tpu.memory_space<vmem>>
        %dma_wait3A_70 = tpu.memref_squeeze %dma_wait3A_69 : memref<1x128xi32, #tpu.memory_space<vmem>> -> memref<128xi32, #tpu.memory_space<vmem>>
        %dma_wait3A_71 = arith.constant 0 : i32
        %dma_wait3A_72 = arith.constant 0 : i32
        %dma_wait3A_73 = tpu.memref_slice %arg2[%dma_wait3A_71, %dma_wait3A_72] : memref<10240x128xf32, #tpu.memory_space<hbm>> -> memref<10240x128xf32, #tpu.memory_space<hbm>>
        tpu.wait_indirect_dma semaphore(%arg10 : memref<!tpu.dma_semaphore, #tpu.memory_space<semaphore_mem>>) src(%dma_wait3A_73 : memref<10240x128xf32, #tpu.memory_space<hbm>>) dst(%arg8 : memref<128x128xf32, #tpu.memory_space<vmem>>)
        "tpu.region"() ({
          %run_scoped3A = tpu.sem_alloc : memref<!tpu.dma_semaphore, #tpu.memory_space<semaphore_mem>>
          %dma_start3A_90 = arith.constant 0 : i32
          %dma_start3A_91 = tpu.memref_slice %arg7[%mul3A_61, %dma_start3A_90] : memref<56x128xi32, #tpu.memory_space<vmem>> -> memref<1x128xi32, #tpu.memory_space<vmem>>
          %dma_start3A_92 = tpu.memref_squeeze %dma_start3A_91 : memref<1x128xi32, #tpu.memory_space<vmem>> -> memref<128xi32, #tpu.memory_space<vmem>>
          %dma_start3A_93 = arith.constant 0 : i32
          %dma_start3A_94 = arith.constant 0 : i32
          %dma_start3A_95 = tpu.memref_slice %arg12[%dma_start3A_93, %dma_start3A_94] : memref<10240x128xf32, #tpu.memory_space<vmem_shared>> -> memref<10240x128xf32, #tpu.memory_space<vmem_shared>>
          tpu.enqueue_indirect_dma source(%arg8 : memref<128x128xf32, #tpu.memory_space<vmem>>) target(%dma_start3A_95 : memref<10240x128xf32, #tpu.memory_space<vmem_shared>>) offsets(%dma_start3A_92 : memref<128xi32, #tpu.memory_space<vmem>>) semaphore(%run_scoped3A : memref<!tpu.dma_semaphore, #tpu.memory_space<semaphore_mem>>) {add = true}
          %dma_wait3A_96 = arith.constant 0 : i32
          %dma_wait3A_97 = tpu.memref_slice %arg7[%mul3A_61, %dma_wait3A_96] : memref<56x128xi32, #tpu.memory_space<vmem>> -> memref<1x128xi32, #tpu.memory_space<vmem>>
          %dma_wait3A_98 = tpu.memref_squeeze %dma_wait3A_97 : memref<1x128xi32, #tpu.memory_space<vmem>> -> memref<128xi32, #tpu.memory_space<vmem>>
          %dma_wait3A_99 = arith.constant 0 : i32
          %dma_wait3A_100 = arith.constant 0 : i32
          %dma_wait3A_101 = tpu.memref_slice %arg12[%dma_wait3A_99, %dma_wait3A_100] : memref<10240x128xf32, #tpu.memory_space<vmem_shared>> -> memref<10240x128xf32, #tpu.memory_space<vmem_shared>>
          tpu.wait_indirect_dma semaphore(%run_scoped3A : memref<!tpu.dma_semaphore, #tpu.memory_space<semaphore_mem>>) src(%arg8 : memref<128x128xf32, #tpu.memory_space<vmem>>) dst(%dma_wait3A_101 : memref<10240x128xf32, #tpu.memory_space<vmem_shared>>)
          tpu.yield
        }) : () -> ()
        %add3A_74 = arith.constant 2 : i32
        %add3A_75 = arith.addi %mul3A_61, %add3A_74 : i32
        %lt3A = arith.constant 8 : i32
        %lt3A_76 = arith.cmpi slt, %add3A_75, %lt3A : i32
        %convert_element_type3A_77 = arith.extui %lt3A_76 : i1 to i32
        %cond3A_78 = arith.constant 0 : i32
        %cond3A_79 = arith.cmpi ne, %convert_element_type3A_77, %cond3A_78 : i32
        scf.if %cond3A_79 {
          %add3A_90 = arith.constant 2 : i32
          %add3A_91 = arith.addi %mul3A_61, %add3A_90 : i32
          %dma_start3A_92 = arith.constant 0 : i32
          %dma_start3A_93 = tpu.memref_slice %arg6[%add3A_91, %dma_start3A_92] : memref<56x128xi32, #tpu.memory_space<vmem>> -> memref<1x128xi32, #tpu.memory_space<vmem>>
          %dma_start3A_94 = tpu.memref_squeeze %dma_start3A_93 : memref<1x128xi32, #tpu.memory_space<vmem>> -> memref<128xi32, #tpu.memory_space<vmem>>
          %dma_start3A_95 = arith.constant 0 : i32
          %dma_start3A_96 = arith.constant 0 : i32
          %dma_start3A_97 = tpu.memref_slice %arg2[%dma_start3A_95, %dma_start3A_96] : memref<10240x128xf32, #tpu.memory_space<hbm>> -> memref<10240x128xf32, #tpu.memory_space<hbm>>
          tpu.enqueue_indirect_dma source(%dma_start3A_97 : memref<10240x128xf32, #tpu.memory_space<hbm>>) target(%arg8 : memref<128x128xf32, #tpu.memory_space<vmem>>) offsets(%dma_start3A_94 : memref<128xi32, #tpu.memory_space<vmem>>) semaphore(%arg10 : memref<!tpu.dma_semaphore, #tpu.memory_space<semaphore_mem>>)
        } else {
        }
        %add3A_80 = arith.constant 1 : i32
        %add3A_81 = arith.addi %mul3A_61, %add3A_80 : i32
        %dma_wait3A_82 = arith.constant 0 : i32
        %dma_wait3A_83 = tpu.memref_slice %arg6[%add3A_81, %dma_wait3A_82] : memref<56x128xi32, #tpu.memory_space<vmem>> -> memref<1x128xi32, #tpu.memory_space<vmem>>
        %dma_wait3A_84 = tpu.memref_squeeze %dma_wait3A_83 : memref<1x128xi32, #tpu.memory_space<vmem>> -> memref<128xi32, #tpu.memory_space<vmem>>
        %dma_wait3A_85 = arith.constant 0 : i32
        %dma_wait3A_86 = arith.constant 0 : i32
        %dma_wait3A_87 = tpu.memref_slice %arg2[%dma_wait3A_85, %dma_wait3A_86] : memref<10240x128xf32, #tpu.memory_space<hbm>> -> memref<10240x128xf32, #tpu.memory_space<hbm>>
        tpu.wait_indirect_dma semaphore(%arg11 : memref<!tpu.dma_semaphore, #tpu.memory_space<semaphore_mem>>) src(%dma_wait3A_87 : memref<10240x128xf32, #tpu.memory_space<hbm>>) dst(%arg9 : memref<128x128xf32, #tpu.memory_space<vmem>>)
        %add3A_88 = arith.constant 1 : i32
        %add3A_89 = arith.addi %mul3A_61, %add3A_88 : i32
        "tpu.region"() ({
          %run_scoped3A = tpu.sem_alloc : memref<!tpu.dma_semaphore, #tpu.memory_space<semaphore_mem>>
          %dma_start3A_90 = arith.constant 0 : i32
          %dma_start3A_91 = tpu.memref_slice %arg7[%add3A_89, %dma_start3A_90] : memref<56x128xi32, #tpu.memory_space<vmem>> -> memref<1x128xi32, #tpu.memory_space<vmem>>
          %dma_start3A_92 = tpu.memref_squeeze %dma_start3A_91 : memref<1x128xi32, #tpu.memory_space<vmem>> -> memref<128xi32, #tpu.memory_space<vmem>>
          %dma_start3A_93 = arith.constant 0 : i32
          %dma_start3A_94 = arith.constant 0 : i32
          %dma_start3A_95 = tpu.memref_slice %arg12[%dma_start3A_93, %dma_start3A_94] : memref<10240x128xf32, #tpu.memory_space<vmem_shared>> -> memref<10240x128xf32, #tpu.memory_space<vmem_shared>>
          tpu.enqueue_indirect_dma source(%arg9 : memref<128x128xf32, #tpu.memory_space<vmem>>) target(%dma_start3A_95 : memref<10240x128xf32, #tpu.memory_space<vmem_shared>>) offsets(%dma_start3A_92 : memref<128xi32, #tpu.memory_space<vmem>>) semaphore(%run_scoped3A : memref<!tpu.dma_semaphore, #tpu.memory_space<semaphore_mem>>) {add = true}
          %dma_wait3A_96 = arith.constant 0 : i32
          %dma_wait3A_97 = tpu.memref_slice %arg7[%add3A_89, %dma_wait3A_96] : memref<56x128xi32, #tpu.memory_space<vmem>> -> memref<1x128xi32, #tpu.memory_space<vmem>>
          %dma_wait3A_98 = tpu.memref_squeeze %dma_wait3A_97 : memref<1x128xi32, #tpu.memory_space<vmem>> -> memref<128xi32, #tpu.memory_space<vmem>>
          %dma_wait3A_99 = arith.constant 0 : i32
          %dma_wait3A_100 = arith.constant 0 : i32
          %dma_wait3A_101 = tpu.memref_slice %arg12[%dma_wait3A_99, %dma_wait3A_100] : memref<10240x128xf32, #tpu.memory_space<vmem_shared>> -> memref<10240x128xf32, #tpu.memory_space<vmem_shared>>
          tpu.wait_indirect_dma semaphore(%run_scoped3A : memref<!tpu.dma_semaphore, #tpu.memory_space<semaphore_mem>>) src(%arg9 : memref<128x128xf32, #tpu.memory_space<vmem>>) dst(%dma_wait3A_101 : memref<10240x128xf32, #tpu.memory_space<vmem_shared>>)
          tpu.yield
        }) : () -> ()
      }
      %scan3A_58 = arith.constant 4 : i32
    } else {
    }
    %eq3A_15 = arith.constant 1 : i32
    %eq3A_16 = arith.cmpi eq, %arg0, %eq3A_15 : i32
    %convert_element_type3A_17 = arith.extui %eq3A_16 : i1 to i32
    %cond3A_18 = arith.constant 0 : i32
    %cond3A_19 = arith.cmpi ne, %convert_element_type3A_17, %cond3A_18 : i32
    scf.if %cond3A_19 {
      "tpu.region"() ({
        %run_scoped3A = tpu.sem_alloc : memref<!tpu.dma_semaphore, #tpu.memory_space<semaphore_mem>>
        %dma_start3A_33 = arith.constant 0 : i32
        %dma_start3A_34 = arith.constant 0 : i32
        %dma_start3A_35 = tpu.memref_slice %arg6[%dma_start3A_33, %dma_start3A_34] : memref<56x128xi32, #tpu.memory_space<vmem>> -> memref<40x128xi32, #tpu.memory_space<vmem>>
        %dma_start3A_36 = arith.constant 120 : i32
        %dma_start3A_37 = arith.constant 0 : i32
        %dma_start3A_38 = tpu.memref_slice %arg3[%arg1, %dma_start3A_36, %dma_start3A_37] : memref<16x160x128xi32, #tpu.memory_space<hbm>> -> memref<1x40x128xi32, #tpu.memory_space<hbm>>
        %dma_start3A_39 = tpu.memref_squeeze %dma_start3A_38 : memref<1x40x128xi32, #tpu.memory_space<hbm>> -> memref<40x128xi32, #tpu.memory_space<hbm>>
        %dma_start3A_40 = arith.constant 0 : i32
        %dma_start3A_41 = arith.constant 0 : i32
        %dma_start3A_42 = tpu.memref_slice %arg6[%dma_start3A_40, %dma_start3A_41] : memref<56x128xi32, #tpu.memory_space<vmem>> -> memref<40x128xi32, #tpu.memory_space<vmem>>
        %dma_start3A_43 = arith.constant 120 : i32
        %dma_start3A_44 = arith.constant 0 : i32
        %dma_start3A_45 = tpu.memref_slice %arg3[%arg1, %dma_start3A_43, %dma_start3A_44] : memref<16x160x128xi32, #tpu.memory_space<hbm>> -> memref<1x40x128xi32, #tpu.memory_space<hbm>>
        %dma_start3A_46 = tpu.memref_squeeze %dma_start3A_45 : memref<1x40x128xi32, #tpu.memory_space<hbm>> -> memref<40x128xi32, #tpu.memory_space<hbm>>
        tpu.enqueue_dma source(%dma_start3A_46 : memref<40x128xi32, #tpu.memory_space<hbm>>) target(%dma_start3A_42 : memref<40x128xi32, #tpu.memory_space<vmem>>) target_semaphore(%run_scoped3A : memref<!tpu.dma_semaphore, #tpu.memory_space<semaphore_mem>>)
        %dma_wait3A = arith.constant 0 : i32
        %dma_wait3A_47 = arith.constant 0 : i32
        %dma_wait3A_48 = tpu.memref_slice %arg6[%dma_wait3A, %dma_wait3A_47] : memref<56x128xi32, #tpu.memory_space<vmem>> -> memref<40x128xi32, #tpu.memory_space<vmem>>
        %dma_wait3A_49 = arith.constant 120 : i32
        %dma_wait3A_50 = arith.constant 0 : i32
        %dma_wait3A_51 = tpu.memref_slice %arg3[%arg1, %dma_wait3A_49, %dma_wait3A_50] : memref<16x160x128xi32, #tpu.memory_space<hbm>> -> memref<1x40x128xi32, #tpu.memory_space<hbm>>
        %dma_wait3A_52 = tpu.memref_squeeze %dma_wait3A_51 : memref<1x40x128xi32, #tpu.memory_space<hbm>> -> memref<40x128xi32, #tpu.memory_space<hbm>>
        %dma_wait3A_53 = arith.constant 0 : i32
        %dma_wait3A_54 = arith.constant 0 : i32
        %dma_wait3A_55 = tpu.memref_slice %arg6[%dma_wait3A_53, %dma_wait3A_54] : memref<56x128xi32, #tpu.memory_space<vmem>> -> memref<40x128xi32, #tpu.memory_space<vmem>>
        %dma_wait3A_56 = arith.constant 120 : i32
        %dma_wait3A_57 = arith.constant 0 : i32
        %dma_wait3A_58 = tpu.memref_slice %arg3[%arg1, %dma_wait3A_56, %dma_wait3A_57] : memref<16x160x128xi32, #tpu.memory_space<hbm>> -> memref<1x40x128xi32, #tpu.memory_space<hbm>>
        %dma_wait3A_59 = tpu.memref_squeeze %dma_wait3A_58 : memref<1x40x128xi32, #tpu.memory_space<hbm>> -> memref<40x128xi32, #tpu.memory_space<hbm>>
        tpu.wait_dma2 semaphore(%run_scoped3A : memref<!tpu.dma_semaphore, #tpu.memory_space<semaphore_mem>>) src(%dma_wait3A_59 : memref<40x128xi32, #tpu.memory_space<hbm>>) dst(%dma_wait3A_55 : memref<40x128xi32, #tpu.memory_space<vmem>>)
        tpu.yield
      }) : () -> ()
      "tpu.region"() ({
        %run_scoped3A = tpu.sem_alloc : memref<!tpu.dma_semaphore, #tpu.memory_space<semaphore_mem>>
        %dma_start3A_33 = arith.constant 0 : i32
        %dma_start3A_34 = arith.constant 0 : i32
        %dma_start3A_35 = tpu.memref_slice %arg7[%dma_start3A_33, %dma_start3A_34] : memref<56x128xi32, #tpu.memory_space<vmem>> -> memref<40x128xi32, #tpu.memory_space<vmem>>
        %dma_start3A_36 = arith.constant 120 : i32
        %dma_start3A_37 = arith.constant 0 : i32
        %dma_start3A_38 = tpu.memref_slice %arg4[%arg1, %dma_start3A_36, %dma_start3A_37] : memref<16x160x128xi32, #tpu.memory_space<hbm>> -> memref<1x40x128xi32, #tpu.memory_space<hbm>>
        %dma_start3A_39 = tpu.memref_squeeze %dma_start3A_38 : memref<1x40x128xi32, #tpu.memory_space<hbm>> -> memref<40x128xi32, #tpu.memory_space<hbm>>
        %dma_start3A_40 = arith.constant 0 : i32
        %dma_start3A_41 = arith.constant 0 : i32
        %dma_start3A_42 = tpu.memref_slice %arg7[%dma_start3A_40, %dma_start3A_41] : memref<56x128xi32, #tpu.memory_space<vmem>> -> memref<40x128xi32, #tpu.memory_space<vmem>>
        %dma_start3A_43 = arith.constant 120 : i32
        %dma_start3A_44 = arith.constant 0 : i32
        %dma_start3A_45 = tpu.memref_slice %arg4[%arg1, %dma_start3A_43, %dma_start3A_44] : memref<16x160x128xi32, #tpu.memory_space<hbm>> -> memref<1x40x128xi32, #tpu.memory_space<hbm>>
        %dma_start3A_46 = tpu.memref_squeeze %dma_start3A_45 : memref<1x40x128xi32, #tpu.memory_space<hbm>> -> memref<40x128xi32, #tpu.memory_space<hbm>>
        tpu.enqueue_dma source(%dma_start3A_46 : memref<40x128xi32, #tpu.memory_space<hbm>>) target(%dma_start3A_42 : memref<40x128xi32, #tpu.memory_space<vmem>>) target_semaphore(%run_scoped3A : memref<!tpu.dma_semaphore, #tpu.memory_space<semaphore_mem>>)
        %dma_wait3A = arith.constant 0 : i32
        %dma_wait3A_47 = arith.constant 0 : i32
        %dma_wait3A_48 = tpu.memref_slice %arg7[%dma_wait3A, %dma_wait3A_47] : memref<56x128xi32, #tpu.memory_space<vmem>> -> memref<40x128xi32, #tpu.memory_space<vmem>>
        %dma_wait3A_49 = arith.constant 120 : i32
        %dma_wait3A_50 = arith.constant 0 : i32
        %dma_wait3A_51 = tpu.memref_slice %arg4[%arg1, %dma_wait3A_49, %dma_wait3A_50] : memref<16x160x128xi32, #tpu.memory_space<hbm>> -> memref<1x40x128xi32, #tpu.memory_space<hbm>>
        %dma_wait3A_52 = tpu.memref_squeeze %dma_wait3A_51 : memref<1x40x128xi32, #tpu.memory_space<hbm>> -> memref<40x128xi32, #tpu.memory_space<hbm>>
        %dma_wait3A_53 = arith.constant 0 : i32
        %dma_wait3A_54 = arith.constant 0 : i32
        %dma_wait3A_55 = tpu.memref_slice %arg7[%dma_wait3A_53, %dma_wait3A_54] : memref<56x128xi32, #tpu.memory_space<vmem>> -> memref<40x128xi32, #tpu.memory_space<vmem>>
        %dma_wait3A_56 = arith.constant 120 : i32
        %dma_wait3A_57 = arith.constant 0 : i32
        %dma_wait3A_58 = tpu.memref_slice %arg4[%arg1, %dma_wait3A_56, %dma_wait3A_57] : memref<16x160x128xi32, #tpu.memory_space<hbm>> -> memref<1x40x128xi32, #tpu.memory_space<hbm>>
        %dma_wait3A_59 = tpu.memref_squeeze %dma_wait3A_58 : memref<1x40x128xi32, #tpu.memory_space<hbm>> -> memref<40x128xi32, #tpu.memory_space<hbm>>
        tpu.wait_dma2 semaphore(%run_scoped3A : memref<!tpu.dma_semaphore, #tpu.memory_space<semaphore_mem>>) src(%dma_wait3A_59 : memref<40x128xi32, #tpu.memory_space<hbm>>) dst(%dma_wait3A_55 : memref<40x128xi32, #tpu.memory_space<vmem>>)
        tpu.yield
      }) : () -> ()
      %dma_start3A = arith.constant 0 : i32
      %dma_start3A_21 = arith.constant 0 : i32
      %dma_start3A_22 = tpu.memref_slice %arg6[%dma_start3A, %dma_start3A_21] : memref<56x128xi32, #tpu.memory_space<vmem>> -> memref<1x128xi32, #tpu.memory_space<vmem>>
      %dma_start3A_23 = tpu.memref_squeeze %dma_start3A_22 : memref<1x128xi32, #tpu.memory_space<vmem>> -> memref<128xi32, #tpu.memory_space<vmem>>
      %dma_start3A_24 = arith.constant 0 : i32
      %dma_start3A_25 = arith.constant 0 : i32
      %dma_start3A_26 = tpu.memref_slice %arg2[%dma_start3A_24, %dma_start3A_25] : memref<10240x128xf32, #tpu.memory_space<hbm>> -> memref<10240x128xf32, #tpu.memory_space<hbm>>
      tpu.enqueue_indirect_dma source(%dma_start3A_26 : memref<10240x128xf32, #tpu.memory_space<hbm>>) target(%arg8 : memref<128x128xf32, #tpu.memory_space<vmem>>) offsets(%dma_start3A_23 : memref<128xi32, #tpu.memory_space<vmem>>) semaphore(%arg10 : memref<!tpu.dma_semaphore, #tpu.memory_space<semaphore_mem>>)
      %scan3A_27 = arith.constant 0 : i32
      %scan3A_28 = arith.constant 0 : i32
      %scan3A_29 = arith.constant 20 : i32
      %scan3A_30 = arith.addi %scan3A_28, %scan3A_29 : i32
      %scan3A_31 = arith.constant 1 : i32
      scf.for %scan3A_33 = %scan3A_28 to %scan3A_30 step %scan3A_31  : i32 {
        %mul3A_34 = arith.constant 2 : i32
        %mul3A_35 = arith.muli %mul3A_34, %scan3A_33 : i32
        %add3A = arith.constant 1 : i32
        %add3A_36 = arith.addi %mul3A_35, %add3A : i32
        %dma_start3A_37 = arith.constant 0 : i32
        %dma_start3A_38 = tpu.memref_slice %arg6[%add3A_36, %dma_start3A_37] : memref<56x128xi32, #tpu.memory_space<vmem>> -> memref<1x128xi32, #tpu.memory_space<vmem>>
        %dma_start3A_39 = tpu.memref_squeeze %dma_start3A_38 : memref<1x128xi32, #tpu.memory_space<vmem>> -> memref<128xi32, #tpu.memory_space<vmem>>
        %dma_start3A_40 = arith.constant 0 : i32
        %dma_start3A_41 = arith.constant 0 : i32
        %dma_start3A_42 = tpu.memref_slice %arg2[%dma_start3A_40, %dma_start3A_41] : memref<10240x128xf32, #tpu.memory_space<hbm>> -> memref<10240x128xf32, #tpu.memory_space<hbm>>
        tpu.enqueue_indirect_dma source(%dma_start3A_42 : memref<10240x128xf32, #tpu.memory_space<hbm>>) target(%arg9 : memref<128x128xf32, #tpu.memory_space<vmem>>) offsets(%dma_start3A_39 : memref<128xi32, #tpu.memory_space<vmem>>) semaphore(%arg11 : memref<!tpu.dma_semaphore, #tpu.memory_space<semaphore_mem>>)
        %dma_wait3A = arith.constant 0 : i32
        %dma_wait3A_43 = tpu.memref_slice %arg6[%mul3A_35, %dma_wait3A] : memref<56x128xi32, #tpu.memory_space<vmem>> -> memref<1x128xi32, #tpu.memory_space<vmem>>
        %dma_wait3A_44 = tpu.memref_squeeze %dma_wait3A_43 : memref<1x128xi32, #tpu.memory_space<vmem>> -> memref<128xi32, #tpu.memory_space<vmem>>
        %dma_wait3A_45 = arith.constant 0 : i32
        %dma_wait3A_46 = arith.constant 0 : i32
        %dma_wait3A_47 = tpu.memref_slice %arg2[%dma_wait3A_45, %dma_wait3A_46] : memref<10240x128xf32, #tpu.memory_space<hbm>> -> memref<10240x128xf32, #tpu.memory_space<hbm>>
        tpu.wait_indirect_dma semaphore(%arg10 : memref<!tpu.dma_semaphore, #tpu.memory_space<semaphore_mem>>) src(%dma_wait3A_47 : memref<10240x128xf32, #tpu.memory_space<hbm>>) dst(%arg8 : memref<128x128xf32, #tpu.memory_space<vmem>>)
        "tpu.region"() ({
          %run_scoped3A = tpu.sem_alloc : memref<!tpu.dma_semaphore, #tpu.memory_space<semaphore_mem>>
          %dma_start3A_64 = arith.constant 0 : i32
          %dma_start3A_65 = tpu.memref_slice %arg7[%mul3A_35, %dma_start3A_64] : memref<56x128xi32, #tpu.memory_space<vmem>> -> memref<1x128xi32, #tpu.memory_space<vmem>>
          %dma_start3A_66 = tpu.memref_squeeze %dma_start3A_65 : memref<1x128xi32, #tpu.memory_space<vmem>> -> memref<128xi32, #tpu.memory_space<vmem>>
          %dma_start3A_67 = arith.constant 0 : i32
          %dma_start3A_68 = arith.constant 0 : i32
          %dma_start3A_69 = tpu.memref_slice %arg12[%dma_start3A_67, %dma_start3A_68] : memref<10240x128xf32, #tpu.memory_space<vmem_shared>> -> memref<10240x128xf32, #tpu.memory_space<vmem_shared>>
          tpu.enqueue_indirect_dma source(%arg8 : memref<128x128xf32, #tpu.memory_space<vmem>>) target(%dma_start3A_69 : memref<10240x128xf32, #tpu.memory_space<vmem_shared>>) offsets(%dma_start3A_66 : memref<128xi32, #tpu.memory_space<vmem>>) semaphore(%run_scoped3A : memref<!tpu.dma_semaphore, #tpu.memory_space<semaphore_mem>>) {add = true}
          %dma_wait3A_70 = arith.constant 0 : i32
          %dma_wait3A_71 = tpu.memref_slice %arg7[%mul3A_35, %dma_wait3A_70] : memref<56x128xi32, #tpu.memory_space<vmem>> -> memref<1x128xi32, #tpu.memory_space<vmem>>
          %dma_wait3A_72 = tpu.memref_squeeze %dma_wait3A_71 : memref<1x128xi32, #tpu.memory_space<vmem>> -> memref<128xi32, #tpu.memory_space<vmem>>
          %dma_wait3A_73 = arith.constant 0 : i32
          %dma_wait3A_74 = arith.constant 0 : i32
          %dma_wait3A_75 = tpu.memref_slice %arg12[%dma_wait3A_73, %dma_wait3A_74] : memref<10240x128xf32, #tpu.memory_space<vmem_shared>> -> memref<10240x128xf32, #tpu.memory_space<vmem_shared>>
          tpu.wait_indirect_dma semaphore(%run_scoped3A : memref<!tpu.dma_semaphore, #tpu.memory_space<semaphore_mem>>) src(%arg8 : memref<128x128xf32, #tpu.memory_space<vmem>>) dst(%dma_wait3A_75 : memref<10240x128xf32, #tpu.memory_space<vmem_shared>>)
          tpu.yield
        }) : () -> ()
        %add3A_48 = arith.constant 2 : i32
        %add3A_49 = arith.addi %mul3A_35, %add3A_48 : i32
        %lt3A = arith.constant 40 : i32
        %lt3A_50 = arith.cmpi slt, %add3A_49, %lt3A : i32
        %convert_element_type3A_51 = arith.extui %lt3A_50 : i1 to i32
        %cond3A_52 = arith.constant 0 : i32
        %cond3A_53 = arith.cmpi ne, %convert_element_type3A_51, %cond3A_52 : i32
        scf.if %cond3A_53 {
          %add3A_64 = arith.constant 2 : i32
          %add3A_65 = arith.addi %mul3A_35, %add3A_64 : i32
          %dma_start3A_66 = arith.constant 0 : i32
          %dma_start3A_67 = tpu.memref_slice %arg6[%add3A_65, %dma_start3A_66] : memref<56x128xi32, #tpu.memory_space<vmem>> -> memref<1x128xi32, #tpu.memory_space<vmem>>
          %dma_start3A_68 = tpu.memref_squeeze %dma_start3A_67 : memref<1x128xi32, #tpu.memory_space<vmem>> -> memref<128xi32, #tpu.memory_space<vmem>>
          %dma_start3A_69 = arith.constant 0 : i32
          %dma_start3A_70 = arith.constant 0 : i32
          %dma_start3A_71 = tpu.memref_slice %arg2[%dma_start3A_69, %dma_start3A_70] : memref<10240x128xf32, #tpu.memory_space<hbm>> -> memref<10240x128xf32, #tpu.memory_space<hbm>>
          tpu.enqueue_indirect_dma source(%dma_start3A_71 : memref<10240x128xf32, #tpu.memory_space<hbm>>) target(%arg8 : memref<128x128xf32, #tpu.memory_space<vmem>>) offsets(%dma_start3A_68 : memref<128xi32, #tpu.memory_space<vmem>>) semaphore(%arg10 : memref<!tpu.dma_semaphore, #tpu.memory_space<semaphore_mem>>)
        } else {
        }
        %add3A_54 = arith.constant 1 : i32
        %add3A_55 = arith.addi %mul3A_35, %add3A_54 : i32
        %dma_wait3A_56 = arith.constant 0 : i32
        %dma_wait3A_57 = tpu.memref_slice %arg6[%add3A_55, %dma_wait3A_56] : memref<56x128xi32, #tpu.memory_space<vmem>> -> memref<1x128xi32, #tpu.memory_space<vmem>>
        %dma_wait3A_58 = tpu.memref_squeeze %dma_wait3A_57 : memref<1x128xi32, #tpu.memory_space<vmem>> -> memref<128xi32, #tpu.memory_space<vmem>>
        %dma_wait3A_59 = arith.constant 0 : i32
        %dma_wait3A_60 = arith.constant 0 : i32
        %dma_wait3A_61 = tpu.memref_slice %arg2[%dma_wait3A_59, %dma_wait3A_60] : memref<10240x128xf32, #tpu.memory_space<hbm>> -> memref<10240x128xf32, #tpu.memory_space<hbm>>
        tpu.wait_indirect_dma semaphore(%arg11 : memref<!tpu.dma_semaphore, #tpu.memory_space<semaphore_mem>>) src(%dma_wait3A_61 : memref<10240x128xf32, #tpu.memory_space<hbm>>) dst(%arg9 : memref<128x128xf32, #tpu.memory_space<vmem>>)
        %add3A_62 = arith.constant 1 : i32
        %add3A_63 = arith.addi %mul3A_35, %add3A_62 : i32
        "tpu.region"() ({
          %run_scoped3A = tpu.sem_alloc : memref<!tpu.dma_semaphore, #tpu.memory_space<semaphore_mem>>
          %dma_start3A_64 = arith.constant 0 : i32
          %dma_start3A_65 = tpu.memref_slice %arg7[%add3A_63, %dma_start3A_64] : memref<56x128xi32, #tpu.memory_space<vmem>> -> memref<1x128xi32, #tpu.memory_space<vmem>>
          %dma_start3A_66 = tpu.memref_squeeze %dma_start3A_65 : memref<1x128xi32, #tpu.memory_space<vmem>> -> memref<128xi32, #tpu.memory_space<vmem>>
          %dma_start3A_67 = arith.constant 0 : i32
          %dma_start3A_68 = arith.constant 0 : i32
          %dma_start3A_69 = tpu.memref_slice %arg12[%dma_start3A_67, %dma_start3A_68] : memref<10240x128xf32, #tpu.memory_space<vmem_shared>> -> memref<10240x128xf32, #tpu.memory_space<vmem_shared>>
          tpu.enqueue_indirect_dma source(%arg9 : memref<128x128xf32, #tpu.memory_space<vmem>>) target(%dma_start3A_69 : memref<10240x128xf32, #tpu.memory_space<vmem_shared>>) offsets(%dma_start3A_66 : memref<128xi32, #tpu.memory_space<vmem>>) semaphore(%run_scoped3A : memref<!tpu.dma_semaphore, #tpu.memory_space<semaphore_mem>>) {add = true}
          %dma_wait3A_70 = arith.constant 0 : i32
          %dma_wait3A_71 = tpu.memref_slice %arg7[%add3A_63, %dma_wait3A_70] : memref<56x128xi32, #tpu.memory_space<vmem>> -> memref<1x128xi32, #tpu.memory_space<vmem>>
          %dma_wait3A_72 = tpu.memref_squeeze %dma_wait3A_71 : memref<1x128xi32, #tpu.memory_space<vmem>> -> memref<128xi32, #tpu.memory_space<vmem>>
          %dma_wait3A_73 = arith.constant 0 : i32
          %dma_wait3A_74 = arith.constant 0 : i32
          %dma_wait3A_75 = tpu.memref_slice %arg12[%dma_wait3A_73, %dma_wait3A_74] : memref<10240x128xf32, #tpu.memory_space<vmem_shared>> -> memref<10240x128xf32, #tpu.memory_space<vmem_shared>>
          tpu.wait_indirect_dma semaphore(%run_scoped3A : memref<!tpu.dma_semaphore, #tpu.memory_space<semaphore_mem>>) src(%arg9 : memref<128x128xf32, #tpu.memory_space<vmem>>) dst(%dma_wait3A_75 : memref<10240x128xf32, #tpu.memory_space<vmem_shared>>)
          tpu.yield
        }) : () -> ()
      }
      %scan3A_32 = arith.constant 20 : i32
    } else {
    }
    %barrier3A_20 = arith.constant 0 : index
    tpu.barrier barrier_id(%barrier3A_20)
    "tpu.region"() ({
      %run_scoped3A = tpu.sem_alloc : memref<!tpu.dma_semaphore, #tpu.memory_space<semaphore_mem>>
      %dma_start3A = arith.constant 0 : i32
      %dma_start3A_21 = tpu.memref_slice %arg5[%arg0, %mul3A_6, %dma_start3A] : memref<2x10240x128xf32, #tpu.memory_space<hbm>> -> memref<1x640x128xf32, #tpu.memory_space<hbm>>
      %dma_start3A_22 = tpu.memref_squeeze %dma_start3A_21 : memref<1x640x128xf32, #tpu.memory_space<hbm>> -> memref<640x128xf32, #tpu.memory_space<hbm>>
      %dma_start3A_23 = arith.constant 0 : i32
      %dma_start3A_24 = tpu.memref_slice %arg12[%mul3A_6, %dma_start3A_23] : memref<10240x128xf32, #tpu.memory_space<vmem_shared>> -> memref<640x128xf32, #tpu.memory_space<vmem_shared>>
      tpu.enqueue_dma source(%dma_start3A_24 : memref<640x128xf32, #tpu.memory_space<vmem_shared>>) target(%dma_start3A_22 : memref<640x128xf32, #tpu.memory_space<hbm>>) target_semaphore(%run_scoped3A : memref<!tpu.dma_semaphore, #tpu.memory_space<semaphore_mem>>)
      %dma_wait3A = arith.constant 0 : i32
      %dma_wait3A_25 = tpu.memref_slice %arg5[%arg0, %mul3A_6, %dma_wait3A] : memref<2x10240x128xf32, #tpu.memory_space<hbm>> -> memref<1x640x128xf32, #tpu.memory_space<hbm>>
      %dma_wait3A_26 = tpu.memref_squeeze %dma_wait3A_25 : memref<1x640x128xf32, #tpu.memory_space<hbm>> -> memref<640x128xf32, #tpu.memory_space<hbm>>
      %dma_wait3A_27 = arith.constant 0 : i32
      %dma_wait3A_28 = tpu.memref_slice %arg12[%mul3A_6, %dma_wait3A_27] : memref<10240x128xf32, #tpu.memory_space<vmem_shared>> -> memref<640x128xf32, #tpu.memory_space<vmem_shared>>
      tpu.wait_dma2 semaphore(%run_scoped3A : memref<!tpu.dma_semaphore, #tpu.memory_space<semaphore_mem>>) src(%dma_wait3A_28 : memref<640x128xf32, #tpu.memory_space<vmem_shared>>) dst(%dma_wait3A_26 : memref<640x128xf32, #tpu.memory_space<hbm>>)
      tpu.yield
    }) : () -> ()
    return
  }
}

module attributes {stable_mosaic.version = 14 : i64} {
  func.func @_stats_body(%arg0: i32, %arg1: memref<2x2048x128xf32, #tpu.memory_space<vmem>>, %arg2: memref<2048x128xf32, #tpu.memory_space<vmem>>, %arg3: memref<2048x1xf32, #tpu.memory_space<vmem>>, %arg4: memref<1x128xf32, #tpu.memory_space<vmem>>, %arg5: memref<2048x128xf32, #tpu.memory_space<vmem>>, %arg6: memref<8x128xf32, #tpu.memory_space<vmem>>) attributes {dimension_semantics = [#tpu.dimension_semantics<arbitrary>], iteration_bounds = array<i64: 5>, scalar_prefetch = 0 : i64, scratch_operands = 0 : i64, tpu.core_type = #tpu.core_type<tc>, window_params = [{transform_indices = @transform_0, window_bounds = array<i64: 2, 2048, 128>}, {transform_indices = @transform_1, window_bounds = array<i64: 2048, 128>}, {transform_indices = @transform_2, window_bounds = array<i64: 2048, 1>}, {pipeline_mode = #tpu.pipeline_mode<synchronous>, transform_indices = @transform_3, window_bounds = array<i64: 1, 128>}, {transform_indices = @transform_4, window_bounds = array<i64: 2048, 128>}, {pipeline_mode = #tpu.pipeline_mode<synchronous>, transform_indices = @transform_5, window_bounds = array<i64: 8, 128>}]} {
    %get3A = arith.constant 0 : index
    %get3A_0 = arith.constant 0 : index
    %get3A_1 = arith.constant 0 : index
    %get3A_2 = vector.load %arg1[%get3A, %get3A_0, %get3A_1] : memref<2x2048x128xf32, #tpu.memory_space<vmem>>, vector<1x2048x128xf32>
    %get3A_3 = vector.shape_cast %get3A_2 : vector<1x2048x128xf32> to vector<2048x128xf32>
    %get3A_4 = arith.constant 1 : index
    %get3A_5 = arith.constant 0 : index
    %get3A_6 = arith.constant 0 : index
    %get3A_7 = vector.load %arg1[%get3A_4, %get3A_5, %get3A_6] : memref<2x2048x128xf32, #tpu.memory_space<vmem>>, vector<1x2048x128xf32>
    %get3A_8 = vector.shape_cast %get3A_7 : vector<1x2048x128xf32> to vector<2048x128xf32>
    %add3A = arith.addf %get3A_3, %get3A_8 : vector<2048x128xf32>
    %get3A_9 = arith.constant 0 : index
    %get3A_10 = arith.constant 0 : index
    %get3A_11 = vector.load %arg2[%get3A_9, %get3A_10] : memref<2048x128xf32, #tpu.memory_space<vmem>>, vector<2048x128xf32>
    %add3A_12 = arith.addf %add3A, %get3A_11 : vector<2048x128xf32>
    %get3A_13 = arith.constant 0 : index
    %get3A_14 = arith.constant 0 : index
    %get3A_15 = vector.load %arg3[%get3A_13, %get3A_14] : memref<2048x1xf32, #tpu.memory_space<vmem>>, vector<2048x1xf32>
    %mul3A = vector.broadcast %get3A_15 : vector<2048x1xf32> to vector<2048x128xf32>
    %mul3A_16 = arith.mulf %add3A_12, %mul3A : vector<2048x128xf32>
    %get3A_17 = arith.constant 0 : index
    %get3A_18 = arith.constant 0 : index
    %get3A_19 = vector.load %arg4[%get3A_17, %get3A_18] : memref<1x128xf32, #tpu.memory_space<vmem>>, vector<1x128xf32>
    %add3A_20 = vector.broadcast %get3A_19 : vector<1x128xf32> to vector<2048x128xf32>
    %add3A_21 = arith.addf %mul3A_16, %add3A_20 : vector<2048x128xf32>
    %swap3A = arith.constant 0 : index
    %swap3A_22 = arith.constant 0 : index
    %swap3A_23 = vector.load %arg5[%swap3A, %swap3A_22] : memref<2048x128xf32, #tpu.memory_space<vmem>>, vector<2048x128xf32>
    tpu.vector_store %arg5[%swap3A, %swap3A_22], %add3A_21 {strides = array<i32>} : memref<2048x128xf32, #tpu.memory_space<vmem>>, vector<2048x128xf32>,
    %iota3A = tpu.iota {dimensions = array<i32: 0>} : vector<2048x1xi32>
    %mul3A_24 = arith.constant 2048 : i32
    %mul3A_25 = arith.muli %arg0, %mul3A_24 : i32
    %add3A_26 = vector.broadcast %mul3A_25 : i32 to vector<2048x1xi32>
    %add3A_27 = arith.addi %iota3A, %add3A_26 : vector<2048x1xi32>
    %lt3A = arith.constant 10000 : i32
    %lt3A_28 = vector.broadcast %lt3A : i32 to vector<2048x1xi32>
    %lt3A_29 = arith.cmpi slt, %add3A_27, %lt3A_28 : vector<2048x1xi32>
    %convert_element_type3A = arith.extui %lt3A_29 : vector<2048x1xi1> to vector<2048x1xi32>
    %convert_element_type3A_30 = arith.sitofp %convert_element_type3A : vector<2048x1xi32> to vector<2048x1xf32>
    %mul3A_31 = vector.broadcast %convert_element_type3A_30 : vector<2048x1xf32> to vector<2048x128xf32>
    %mul3A_32 = arith.mulf %add3A_21, %mul3A_31 : vector<2048x128xf32>
    %reduce_sum3A = arith.constant dense<0.000000e+00> : vector<128xf32>
    %reduce_sum3A_33 = vector.multi_reduction <add>, %mul3A_32, %reduce_sum3A [0] : vector<2048x128xf32> to vector<128xf32>
    %broadcast_in_dim3A = vector.shape_cast %reduce_sum3A_33 : vector<128xf32> to vector<1x128xf32>
    %mul3A_34 = arith.mulf %mul3A_32, %mul3A_32 : vector<2048x128xf32>
    %reduce_sum3A_35 = arith.constant dense<0.000000e+00> : vector<128xf32>
    %reduce_sum3A_36 = vector.multi_reduction <add>, %mul3A_34, %reduce_sum3A_35 [0] : vector<2048x128xf32> to vector<128xf32>
    %broadcast_in_dim3A_37 = vector.shape_cast %reduce_sum3A_36 : vector<128xf32> to vector<1x128xf32>
    %broadcast_in_dim3A_38 = arith.constant 0.000000e+00 : f32
    %broadcast_in_dim3A_39 = vector.broadcast %broadcast_in_dim3A_38 : f32 to vector<6x128xf32>
    %concatenate3A = tpu.concatenate %broadcast_in_dim3A, %broadcast_in_dim3A_37, %broadcast_in_dim3A_39 in 0 : vector<1x128xf32>, vector<1x128xf32>, vector<6x128xf32> -> vector<8x128xf32>
    %eq3A = arith.constant 0 : i32
    %eq3A_40 = arith.cmpi eq, %arg0, %eq3A : i32
    %convert_element_type3A_41 = arith.extui %eq3A_40 : i1 to i32
    %cond3A = arith.constant 0 : i32
    %cond3A_42 = arith.cmpi ne, %convert_element_type3A_41, %cond3A : i32
    scf.if %cond3A_42 {
      %broadcast_in_dim3A_50 = arith.constant 0.000000e+00 : f32
      %broadcast_in_dim3A_51 = vector.broadcast %broadcast_in_dim3A_50 : f32 to vector<8x128xf32>
      %swap3A_52 = arith.constant 0 : index
      %swap3A_53 = arith.constant 0 : index
      %swap3A_54 = vector.load %arg6[%swap3A_52, %swap3A_53] : memref<8x128xf32, #tpu.memory_space<vmem>>, vector<8x128xf32>
      tpu.vector_store %arg6[%swap3A_52, %swap3A_53], %broadcast_in_dim3A_51 {strides = array<i32>} : memref<8x128xf32, #tpu.memory_space<vmem>>, vector<8x128xf32>,
    } else {
    }
    %get3A_43 = arith.constant 0 : index
    %get3A_44 = arith.constant 0 : index
    %get3A_45 = vector.load %arg6[%get3A_43, %get3A_44] : memref<8x128xf32, #tpu.memory_space<vmem>>, vector<8x128xf32>
    %add3A_46 = arith.addf %get3A_45, %concatenate3A : vector<8x128xf32>
    %swap3A_47 = arith.constant 0 : index
    %swap3A_48 = arith.constant 0 : index
    %swap3A_49 = vector.load %arg6[%swap3A_47, %swap3A_48] : memref<8x128xf32, #tpu.memory_space<vmem>>, vector<8x128xf32>
    tpu.vector_store %arg6[%swap3A_47, %swap3A_48], %add3A_46 {strides = array<i32>} : memref<8x128xf32, #tpu.memory_space<vmem>>, vector<8x128xf32>,
    return
  }
  func.func @transform_0(%arg0: i32) -> (i32, i32, i32) {
    %c0_i32 = arith.constant 0 : i32
    %c0_i32_0 = arith.constant 0 : i32
    %c0_i32_1 = arith.constant 0 : i32
    return %c0_i32, %arg0, %c0_i32_0 : i32, i32, i32
  }
  func.func @transform_1(%arg0: i32) -> (i32, i32) {
    %c0_i32 = arith.constant 0 : i32
    %c0_i32_0 = arith.constant 0 : i32
    return %arg0, %c0_i32 : i32, i32
  }
  func.func @transform_2(%arg0: i32) -> (i32, i32) {
    %c0_i32 = arith.constant 0 : i32
    %c0_i32_0 = arith.constant 0 : i32
    return %arg0, %c0_i32 : i32, i32
  }
  func.func @transform_3(%arg0: i32) -> (i32, i32) {
    %c0_i32 = arith.constant 0 : i32
    %c0_i32_0 = arith.constant 0 : i32
    %c0_i32_1 = arith.constant 0 : i32
    return %c0_i32, %c0_i32_0 : i32, i32
  }
  func.func @transform_4(%arg0: i32) -> (i32, i32) {
    %c0_i32 = arith.constant 0 : i32
    %c0_i32_0 = arith.constant 0 : i32
    return %arg0, %c0_i32 : i32, i32
  }
  func.func @transform_5(%arg0: i32) -> (i32, i32) {
    %c0_i32 = arith.constant 0 : i32
    %c0_i32_0 = arith.constant 0 : i32
    %c0_i32_1 = arith.constant 0 : i32
    return %c0_i32, %c0_i32_0 : i32, i32
  }
}

module attributes {stable_mosaic.version = 14 : i64} {
  func.func @_t1_body(%arg0: i32, %arg1: memref<32x2048xf32, #tpu.memory_space<vmem>>, %arg2: memref<2048x128xf32, #tpu.memory_space<vmem>>, %arg3: memref<128x128xf32, #tpu.memory_space<vmem>>, %arg4: memref<2048x128xf32, #tpu.memory_space<vmem>>, %arg5: memref<2048x1xf32, #tpu.memory_space<vmem>>) attributes {dimension_semantics = [#tpu.dimension_semantics<arbitrary>], iteration_bounds = array<i64: 5>, scalar_prefetch = 0 : i64, scratch_operands = 0 : i64, tpu.core_type = #tpu.core_type<tc>, window_params = [{transform_indices = @transform_0, window_bounds = array<i64: 32, 2048>}, {transform_indices = @transform_1, window_bounds = array<i64: 2048, 128>}, {pipeline_mode = #tpu.pipeline_mode<synchronous>, transform_indices = @transform_2, window_bounds = array<i64: 128, 128>}, {transform_indices = @transform_3, window_bounds = array<i64: 2048, 128>}, {transform_indices = @transform_4, window_bounds = array<i64: 2048, 1>}]} {
    %broadcast_in_dim3A = arith.constant 1.000000e+00 : f32
    %broadcast_in_dim3A_0 = vector.broadcast %broadcast_in_dim3A : f32 to vector<32x1xf32>
    %get3A = arith.constant 0 : index
    %get3A_1 = arith.constant 0 : index
    %get3A_2 = vector.load %arg1[%get3A, %get3A_1] : memref<32x2048xf32, #tpu.memory_space<vmem>>, vector<32x2048xf32>
    %dot_general3A = arith.constant dense<0.000000e+00> : vector<2048x1xf32>
    %dot_general3A_3 = tpu.matmul %get3A_2, %broadcast_in_dim3A_0, %dot_general3A {dimension_numbers = #tpu.dot_dimension_numbers<[0], [0], [1], [1], [0, 1, 1, 1], [], []>, transpose_lhs_hint = false} : vector<32x2048xf32>, vector<32x1xf32>, vector<2048x1xf32> -> vector<2048x1xf32>
    %add3A = arith.constant 1.000000e+00 : f32
    %add3A_4 = vector.broadcast %add3A : f32 to vector<2048x1xf32>
    %add3A_5 = arith.addf %dot_general3A_3, %add3A_4 : vector<2048x1xf32>
    %rsqrt3A = math.rsqrt %add3A_5 : vector<2048x1xf32>
    %swap3A = arith.constant 0 : index
    %swap3A_6 = arith.constant 0 : index
    %swap3A_7 = vector.load %arg5[%swap3A, %swap3A_6] : memref<2048x1xf32, #tpu.memory_space<vmem>>, vector<2048x1xf32>
    tpu.vector_store %arg5[%swap3A, %swap3A_6], %rsqrt3A {strides = array<i32>} : memref<2048x1xf32, #tpu.memory_space<vmem>>, vector<2048x1xf32>,
    %get3A_8 = arith.constant 0 : index
    %get3A_9 = arith.constant 0 : index
    %get3A_10 = vector.load %arg2[%get3A_8, %get3A_9] : memref<2048x128xf32, #tpu.memory_space<vmem>>, vector<2048x128xf32>
    %get3A_11 = arith.constant 0 : index
    %get3A_12 = arith.constant 0 : index
    %get3A_13 = vector.load %arg3[%get3A_11, %get3A_12] : memref<128x128xf32, #tpu.memory_space<vmem>>, vector<128x128xf32>
    %dot_general3A_14 = arith.constant dense<0.000000e+00> : vector<2048x128xf32>
    %dot_general3A_15 = tpu.matmul %get3A_10, %get3A_13, %dot_general3A_14 {dimension_numbers = #tpu.dot_dimension_numbers<[1], [0], [0], [1], [0, 0, 1, 1], [], []>, transpose_lhs_hint = false} : vector<2048x128xf32>, vector<128x128xf32>, vector<2048x128xf32> -> vector<2048x128xf32>
    %mul3A = vector.broadcast %rsqrt3A : vector<2048x1xf32> to vector<2048x128xf32>
    %mul3A_16 = arith.mulf %dot_general3A_15, %mul3A : vector<2048x128xf32>
    %swap3A_17 = arith.constant 0 : index
    %swap3A_18 = arith.constant 0 : index
    %swap3A_19 = vector.load %arg4[%swap3A_17, %swap3A_18] : memref<2048x128xf32, #tpu.memory_space<vmem>>, vector<2048x128xf32>
    tpu.vector_store %arg4[%swap3A_17, %swap3A_18], %mul3A_16 {strides = array<i32>} : memref<2048x128xf32, #tpu.memory_space<vmem>>, vector<2048x128xf32>,
    return
  }
  func.func @transform_0(%arg0: i32) -> (i32, i32) {
    %c0_i32 = arith.constant 0 : i32
    %c0_i32_0 = arith.constant 0 : i32
    return %c0_i32, %arg0 : i32, i32
  }
  func.func @transform_1(%arg0: i32) -> (i32, i32) {
    %c0_i32 = arith.constant 0 : i32
    %c0_i32_0 = arith.constant 0 : i32
    return %arg0, %c0_i32 : i32, i32
  }
  func.func @transform_2(%arg0: i32) -> (i32, i32) {
    %c0_i32 = arith.constant 0 : i32
    %c0_i32_0 = arith.constant 0 : i32
    %c0_i32_1 = arith.constant 0 : i32
    return %c0_i32, %c0_i32_0 : i32, i32
  }
  func.func @transform_3(%arg0: i32) -> (i32, i32) {
    %c0_i32 = arith.constant 0 : i32
    %c0_i32_0 = arith.constant 0 : i32
    return %arg0, %c0_i32 : i32, i32
  }
  func.func @transform_4(%arg0: i32) -> (i32, i32) {
    %c0_i32 = arith.constant 0 : i32
    %c0_i32_0 = arith.constant 0 : i32
    return %arg0, %c0_i32 : i32, i32
  }
}

module attributes {stable_mosaic.version = 14 : i64} {
  func.func @_t2b_body(%arg0: i32, %arg1: memref<2048x128xf32, #tpu.memory_space<vmem>>, %arg2: memref<8x128xf32, #tpu.memory_space<vmem>>, %arg3: memref<1x128xf32, #tpu.memory_space<vmem>>, %arg4: memref<1x128xf32, #tpu.memory_space<vmem>>, %arg5: memref<2048x1xf32, #tpu.memory_space<vmem>>, %arg6: memref<128x128xf32, #tpu.memory_space<vmem>>, %arg7: memref<2048x128xf32, #tpu.memory_space<vmem>>) attributes {dimension_semantics = [#tpu.dimension_semantics<arbitrary>], iteration_bounds = array<i64: 5>, scalar_prefetch = 0 : i64, scratch_operands = 0 : i64, tpu.core_type = #tpu.core_type<tc>, window_params = [{transform_indices = @transform_0, window_bounds = array<i64: 2048, 128>}, {pipeline_mode = #tpu.pipeline_mode<synchronous>, transform_indices = @transform_1, window_bounds = array<i64: 8, 128>}, {pipeline_mode = #tpu.pipeline_mode<synchronous>, transform_indices = @transform_2, window_bounds = array<i64: 1, 128>}, {pipeline_mode = #tpu.pipeline_mode<synchronous>, transform_indices = @transform_3, window_bounds = array<i64: 1, 128>}, {transform_indices = @transform_4, window_bounds = array<i64: 2048, 1>}, {pipeline_mode = #tpu.pipeline_mode<synchronous>, transform_indices = @transform_5, window_bounds = array<i64: 128, 128>}, {transform_indices = @transform_6, window_bounds = array<i64: 2048, 128>}]} {
    %get3A = arith.constant 0 : index
    %get3A_0 = arith.constant 0 : index
    %get3A_1 = vector.load %arg1[%get3A, %get3A_0] : memref<2048x128xf32, #tpu.memory_space<vmem>>, vector<2048x128xf32>
    %get3A_2 = arith.constant 0 : index
    %get3A_3 = arith.constant 0 : index
    %get3A_4 = vector.load %arg2[%get3A_2, %get3A_3] : memref<8x128xf32, #tpu.memory_space<vmem>>, vector<1x128xf32>
    %get3A_5 = arith.constant 1 : index
    %get3A_6 = arith.constant 0 : index
    %get3A_7 = vector.load %arg2[%get3A_5, %get3A_6] : memref<8x128xf32, #tpu.memory_space<vmem>>, vector<1x128xf32>
    %mul3A = arith.constant 9.99999974E-5 : f32
    %mul3A_8 = vector.broadcast %mul3A : f32 to vector<1x128xf32>
    %mul3A_9 = arith.mulf %get3A_4, %mul3A_8 : vector<1x128xf32>
    %mul3A_10 = arith.constant 9.99999974E-5 : f32
    %mul3A_11 = vector.broadcast %mul3A_10 : f32 to vector<1x128xf32>
    %mul3A_12 = arith.mulf %get3A_7, %mul3A_11 : vector<1x128xf32>
    %mul3A_13 = arith.mulf %mul3A_9, %mul3A_9 : vector<1x128xf32>
    %sub3A = arith.subf %mul3A_12, %mul3A_13 : vector<1x128xf32>
    %add3A = arith.constant 9.99999974E-6 : f32
    %add3A_14 = vector.broadcast %add3A : f32 to vector<1x128xf32>
    %add3A_15 = arith.addf %sub3A, %add3A_14 : vector<1x128xf32>
    %rsqrt3A = math.rsqrt %add3A_15 : vector<1x128xf32>
    %sub3A_16 = vector.broadcast %mul3A_9 : vector<1x128xf32> to vector<2048x128xf32>
    %sub3A_17 = arith.subf %get3A_1, %sub3A_16 : vector<2048x128xf32>
    %mul3A_18 = vector.broadcast %rsqrt3A : vector<1x128xf32> to vector<2048x128xf32>
    %mul3A_19 = arith.mulf %sub3A_17, %mul3A_18 : vector<2048x128xf32>
    %get3A_20 = arith.constant 0 : index
    %get3A_21 = arith.constant 0 : index
    %get3A_22 = vector.load %arg3[%get3A_20, %get3A_21] : memref<1x128xf32, #tpu.memory_space<vmem>>, vector<1x128xf32>
    %mul3A_23 = vector.broadcast %get3A_22 : vector<1x128xf32> to vector<2048x128xf32>
    %mul3A_24 = arith.mulf %mul3A_19, %mul3A_23 : vector<2048x128xf32>
    %get3A_25 = arith.constant 0 : index
    %get3A_26 = arith.constant 0 : index
    %get3A_27 = vector.load %arg4[%get3A_25, %get3A_26] : memref<1x128xf32, #tpu.memory_space<vmem>>, vector<1x128xf32>
    %add3A_28 = vector.broadcast %get3A_27 : vector<1x128xf32> to vector<2048x128xf32>
    %add3A_29 = arith.addf %mul3A_24, %add3A_28 : vector<2048x128xf32>
    %max3A = arith.constant 0.000000e+00 : f32
    %max3A_30 = vector.broadcast %max3A : f32 to vector<2048x128xf32>
    %max3A_31 = arith.maximumf %add3A_29, %max3A_30 : vector<2048x128xf32>
    %get3A_32 = arith.constant 0 : index
    %get3A_33 = arith.constant 0 : index
    %get3A_34 = vector.load %arg6[%get3A_32, %get3A_33] : memref<128x128xf32, #tpu.memory_space<vmem>>, vector<128x128xf32>
    %dot_general3A = arith.constant dense<0.000000e+00> : vector<2048x128xf32>
    %dot_general3A_35 = tpu.matmul %max3A_31, %get3A_34, %dot_general3A {dimension_numbers = #tpu.dot_dimension_numbers<[1], [0], [0], [1], [0, 0, 1, 1], [], []>, transpose_lhs_hint = false} : vector<2048x128xf32>, vector<128x128xf32>, vector<2048x128xf32> -> vector<2048x128xf32>
    %get3A_36 = arith.constant 0 : index
    %get3A_37 = arith.constant 0 : index
    %get3A_38 = vector.load %arg5[%get3A_36, %get3A_37] : memref<2048x1xf32, #tpu.memory_space<vmem>>, vector<2048x1xf32>
    %mul3A_39 = vector.broadcast %get3A_38 : vector<2048x1xf32> to vector<2048x128xf32>
    %mul3A_40 = arith.mulf %dot_general3A_35, %mul3A_39 : vector<2048x128xf32>
    %swap3A = arith.constant 0 : index
    %swap3A_41 = arith.constant 0 : index
    %swap3A_42 = vector.load %arg7[%swap3A, %swap3A_41] : memref<2048x128xf32, #tpu.memory_space<vmem>>, vector<2048x128xf32>
    tpu.vector_store %arg7[%swap3A, %swap3A_41], %mul3A_40 {strides = array<i32>} : memref<2048x128xf32, #tpu.memory_space<vmem>>, vector<2048x128xf32>,
    return
  }
  func.func @transform_0(%arg0: i32) -> (i32, i32) {
    %c0_i32 = arith.constant 0 : i32
    %c0_i32_0 = arith.constant 0 : i32
    return %arg0, %c0_i32 : i32, i32
  }
  func.func @transform_1(%arg0: i32) -> (i32, i32) {
    %c0_i32 = arith.constant 0 : i32
    %c0_i32_0 = arith.constant 0 : i32
    %c0_i32_1 = arith.constant 0 : i32
    return %c0_i32, %c0_i32_0 : i32, i32
  }
  func.func @transform_2(%arg0: i32) -> (i32, i32) {
    %c0_i32 = arith.constant 0 : i32
    %c0_i32_0 = arith.constant 0 : i32
    %c0_i32_1 = arith.constant 0 : i32
    return %c0_i32, %c0_i32_0 : i32, i32
  }
  func.func @transform_3(%arg0: i32) -> (i32, i32) {
    %c0_i32 = arith.constant 0 : i32
    %c0_i32_0 = arith.constant 0 : i32
    %c0_i32_1 = arith.constant 0 : i32
    return %c0_i32, %c0_i32_0 : i32, i32
  }
  func.func @transform_4(%arg0: i32) -> (i32, i32) {
    %c0_i32 = arith.constant 0 : i32
    %c0_i32_0 = arith.constant 0 : i32
    return %arg0, %c0_i32 : i32, i32
  }
  func.func @transform_5(%arg0: i32) -> (i32, i32) {
    %c0_i32 = arith.constant 0 : i32
    %c0_i32_0 = arith.constant 0 : i32
    %c0_i32_1 = arith.constant 0 : i32
    return %c0_i32, %c0_i32_0 : i32, i32
  }
  func.func @transform_6(%arg0: i32) -> (i32, i32) {
    %c0_i32 = arith.constant 0 : i32
    %c0_i32_0 = arith.constant 0 : i32
    return %arg0, %c0_i32 : i32, i32
  }
}

module attributes {stable_mosaic.version = 14 : i64} {
  func.func @_t3b_body(%arg0: i32, %arg1: memref<2048x128xf32, #tpu.memory_space<vmem>>, %arg2: memref<8x128xf32, #tpu.memory_space<vmem>>, %arg3: memref<1x128xf32, #tpu.memory_space<vmem>>, %arg4: memref<1x128xf32, #tpu.memory_space<vmem>>, %arg5: memref<2048x1xi32, #tpu.memory_space<vmem>>, %arg6: memref<64x128xf32, #tpu.memory_space<vmem>>) attributes {dimension_semantics = [#tpu.dimension_semantics<arbitrary>], iteration_bounds = array<i64: 5>, scalar_prefetch = 0 : i64, scratch_operands = 0 : i64, tpu.core_type = #tpu.core_type<tc>, window_params = [{transform_indices = @transform_0, window_bounds = array<i64: 2048, 128>}, {pipeline_mode = #tpu.pipeline_mode<synchronous>, transform_indices = @transform_1, window_bounds = array<i64: 8, 128>}, {pipeline_mode = #tpu.pipeline_mode<synchronous>, transform_indices = @transform_2, window_bounds = array<i64: 1, 128>}, {pipeline_mode = #tpu.pipeline_mode<synchronous>, transform_indices = @transform_3, window_bounds = array<i64: 1, 128>}, {transform_indices = @transform_4, window_bounds = array<i64: 2048, 1>}, {pipeline_mode = #tpu.pipeline_mode<synchronous>, transform_indices = @transform_5, window_bounds = array<i64: 64, 128>}]} {
    %get3A = arith.constant 0 : index
    %get3A_0 = arith.constant 0 : index
    %get3A_1 = vector.load %arg1[%get3A, %get3A_0] : memref<2048x128xf32, #tpu.memory_space<vmem>>, vector<2048x128xf32>
    %get3A_2 = arith.constant 0 : index
    %get3A_3 = arith.constant 0 : index
    %get3A_4 = vector.load %arg2[%get3A_2, %get3A_3] : memref<8x128xf32, #tpu.memory_space<vmem>>, vector<1x128xf32>
    %get3A_5 = arith.constant 1 : index
    %get3A_6 = arith.constant 0 : index
    %get3A_7 = vector.load %arg2[%get3A_5, %get3A_6] : memref<8x128xf32, #tpu.memory_space<vmem>>, vector<1x128xf32>
    %mul3A = arith.constant 9.99999974E-5 : f32
    %mul3A_8 = vector.broadcast %mul3A : f32 to vector<1x128xf32>
    %mul3A_9 = arith.mulf %get3A_4, %mul3A_8 : vector<1x128xf32>
    %mul3A_10 = arith.constant 9.99999974E-5 : f32
    %mul3A_11 = vector.broadcast %mul3A_10 : f32 to vector<1x128xf32>
    %mul3A_12 = arith.mulf %get3A_7, %mul3A_11 : vector<1x128xf32>
    %mul3A_13 = arith.mulf %mul3A_9, %mul3A_9 : vector<1x128xf32>
    %sub3A = arith.subf %mul3A_12, %mul3A_13 : vector<1x128xf32>
    %add3A = arith.constant 9.99999974E-6 : f32
    %add3A_14 = vector.broadcast %add3A : f32 to vector<1x128xf32>
    %add3A_15 = arith.addf %sub3A, %add3A_14 : vector<1x128xf32>
    %rsqrt3A = math.rsqrt %add3A_15 : vector<1x128xf32>
    %sub3A_16 = vector.broadcast %mul3A_9 : vector<1x128xf32> to vector<2048x128xf32>
    %sub3A_17 = arith.subf %get3A_1, %sub3A_16 : vector<2048x128xf32>
    %mul3A_18 = vector.broadcast %rsqrt3A : vector<1x128xf32> to vector<2048x128xf32>
    %mul3A_19 = arith.mulf %sub3A_17, %mul3A_18 : vector<2048x128xf32>
    %get3A_20 = arith.constant 0 : index
    %get3A_21 = arith.constant 0 : index
    %get3A_22 = vector.load %arg3[%get3A_20, %get3A_21] : memref<1x128xf32, #tpu.memory_space<vmem>>, vector<1x128xf32>
    %mul3A_23 = vector.broadcast %get3A_22 : vector<1x128xf32> to vector<2048x128xf32>
    %mul3A_24 = arith.mulf %mul3A_19, %mul3A_23 : vector<2048x128xf32>
    %get3A_25 = arith.constant 0 : index
    %get3A_26 = arith.constant 0 : index
    %get3A_27 = vector.load %arg4[%get3A_25, %get3A_26] : memref<1x128xf32, #tpu.memory_space<vmem>>, vector<1x128xf32>
    %add3A_28 = vector.broadcast %get3A_27 : vector<1x128xf32> to vector<2048x128xf32>
    %add3A_29 = arith.addf %mul3A_24, %add3A_28 : vector<2048x128xf32>
    %max3A = arith.constant 0.000000e+00 : f32
    %max3A_30 = vector.broadcast %max3A : f32 to vector<2048x128xf32>
    %max3A_31 = arith.maximumf %add3A_29, %max3A_30 : vector<2048x128xf32>
    %get3A_32 = arith.constant 0 : index
    %get3A_33 = arith.constant 0 : index
    %get3A_34 = vector.load %arg5[%get3A_32, %get3A_33] : memref<2048x1xi32, #tpu.memory_space<vmem>>, vector<2048x1xi32>
    %iota3A = tpu.iota {dimensions = array<i32: 1>} : vector<1x64xi32>
    %eq3A = vector.broadcast %get3A_34 : vector<2048x1xi32> to vector<2048x64xi32>
    %eq3A_35 = vector.broadcast %iota3A : vector<1x64xi32> to vector<2048x64xi32>
    %eq3A_36 = arith.cmpi eq, %eq3A, %eq3A_35 : vector<2048x64xi32>
    %convert_element_type3A = arith.extui %eq3A_36 : vector<2048x64xi1> to vector<2048x64xi32>
    %convert_element_type3A_37 = arith.sitofp %convert_element_type3A : vector<2048x64xi32> to vector<2048x64xf32>
    %dot_general3A = arith.constant dense<0.000000e+00> : vector<64x128xf32>
    %dot_general3A_38 = tpu.matmul %convert_element_type3A_37, %max3A_31, %dot_general3A {dimension_numbers = #tpu.dot_dimension_numbers<[0], [0], [1], [1], [0, 1, 1, 1], [], []>, transpose_lhs_hint = false} : vector<2048x64xf32>, vector<2048x128xf32>, vector<64x128xf32> -> vector<64x128xf32>
    %eq3A_39 = arith.constant 0 : i32
    %eq3A_40 = arith.cmpi eq, %arg0, %eq3A_39 : i32
    %convert_element_type3A_41 = arith.extui %eq3A_40 : i1 to i32
    %cond3A = arith.constant 0 : i32
    %cond3A_42 = arith.cmpi ne, %convert_element_type3A_41, %cond3A : i32
    scf.if %cond3A_42 {
      %broadcast_in_dim3A = arith.constant 0.000000e+00 : f32
      %broadcast_in_dim3A_49 = vector.broadcast %broadcast_in_dim3A : f32 to vector<64x128xf32>
      %swap3A_50 = arith.constant 0 : index
      %swap3A_51 = arith.constant 0 : index
      %swap3A_52 = vector.load %arg6[%swap3A_50, %swap3A_51] : memref<64x128xf32, #tpu.memory_space<vmem>>, vector<64x128xf32>
      tpu.vector_store %arg6[%swap3A_50, %swap3A_51], %broadcast_in_dim3A_49 {strides = array<i32>} : memref<64x128xf32, #tpu.memory_space<vmem>>, vector<64x128xf32>,
    } else {
    }
    %get3A_43 = arith.constant 0 : index
    %get3A_44 = arith.constant 0 : index
    %get3A_45 = vector.load %arg6[%get3A_43, %get3A_44] : memref<64x128xf32, #tpu.memory_space<vmem>>, vector<64x128xf32>
    %add3A_46 = arith.addf %get3A_45, %dot_general3A_38 : vector<64x128xf32>
    %swap3A = arith.constant 0 : index
    %swap3A_47 = arith.constant 0 : index
    %swap3A_48 = vector.load %arg6[%swap3A, %swap3A_47] : memref<64x128xf32, #tpu.memory_space<vmem>>, vector<64x128xf32>
    tpu.vector_store %arg6[%swap3A, %swap3A_47], %add3A_46 {strides = array<i32>} : memref<64x128xf32, #tpu.memory_space<vmem>>, vector<64x128xf32>,
    return
  }
  func.func @transform_0(%arg0: i32) -> (i32, i32) {
    %c0_i32 = arith.constant 0 : i32
    %c0_i32_0 = arith.constant 0 : i32
    return %arg0, %c0_i32 : i32, i32
  }
  func.func @transform_1(%arg0: i32) -> (i32, i32) {
    %c0_i32 = arith.constant 0 : i32
    %c0_i32_0 = arith.constant 0 : i32
    %c0_i32_1 = arith.constant 0 : i32
    return %c0_i32, %c0_i32_0 : i32, i32
  }
  func.func @transform_2(%arg0: i32) -> (i32, i32) {
    %c0_i32 = arith.constant 0 : i32
    %c0_i32_0 = arith.constant 0 : i32
    %c0_i32_1 = arith.constant 0 : i32
    return %c0_i32, %c0_i32_0 : i32, i32
  }
  func.func @transform_3(%arg0: i32) -> (i32, i32) {
    %c0_i32 = arith.constant 0 : i32
    %c0_i32_0 = arith.constant 0 : i32
    %c0_i32_1 = arith.constant 0 : i32
    return %c0_i32, %c0_i32_0 : i32, i32
  }
  func.func @transform_4(%arg0: i32) -> (i32, i32) {
    %c0_i32 = arith.constant 0 : i32
    %c0_i32_0 = arith.constant 0 : i32
    return %arg0, %c0_i32 : i32, i32
  }
  func.func @transform_5(%arg0: i32) -> (i32, i32) {
    %c0_i32 = arith.constant 0 : i32
    %c0_i32_0 = arith.constant 0 : i32
    %c0_i32_1 = arith.constant 0 : i32
    return %c0_i32, %c0_i32_0 : i32, i32
  }
}

</mosaic_0001>

<sc_bundles>
// kernel: kernel.10.cloned.1.call-start
scs
__scs_entry_jumppad:
0x0: {  	(pc) =	sbr.rel $0x88, $3  }
0x1: {  	(tag) =	ssettag $0x0;
	lr =	simm.s32 $0x1  }
0x2: {  	[smem:$0x3F96] =	sst lr;
	_ =	strace $0xD0000000  }
0x3: {  	_ = 	snop  }
0x4: {  	_ = 	snop  }
0x5: {  	_ = 	snop  }
0x6: {  	_ = 	snop  }
0x7: {  	_ = 	snop  }
__scs_overlays_trampoline_lowered:
0x8: {  	[smem:$0x3FA5] =	sst s0  }
0x9: {  	[smem:$0x3FA6] =	sst s1  }
0xa: {  	[smem:$0x3FA7] =	sst s2  }
0xb: {  	[smem:$0x3FA8] =	sst s3  }
0xc: {  	[smem:$0x3FA9] =	sst s4  }
0xd: {  	[smem:$0x3FAA] =	sst s5  }
0xe: {  	[smem:$0x3FAB] =	sst s6  }
0xf: {  	[smem:$0x3FAC] =	sst s7  }
0x10: {  	[smem:$0x3FAD] =	sst s8  }
0x11: {  	[smem:$0x3FAE] =	sst s9;
	s0 =	simm.s32 @!p0 $0x0  }
0x12: {  	s1 =	sld [smem:$0x3F94];
	s0 =	simm.s32 @p0 $0x1  }
0x13: {  	[smem:$0x3FAF] =	sst s0;
	s0 =	simm.s32 @!p1 $0x0  }
0x14: {  	s2 =	sld [smem:$0x3F93];
	s0 =	simm.s32 @p1 $0x1  }
0x15: {  	[smem:$0x3FB0] =	sst s0;
	s0 =	simm.s32 @!p2 $0x0  }
0x16: {  	s3 =	sld [smem:$0x3FDB];
	s0 =	simm.s32 @p2 $0x1  }
0x17: {  	s4 =	simm.s32 $0x1BF5;
	[smem:$0x3FB2] =	sst s0  }
0x18: {  	s0 =	sld [smem:$0x3F95];
	_ =	swait.ge [sflag:s4], $0x0  }
0x19: {  	s7 =	sld [smem:$0x3F96]  }
0x1a: {  	s8 =	sadd.s32 $0xFFFFE003, lr  }
0x1b: {  	s9 =	sadd.s32 $0xFFFFFEF7, lr;
	s5 =	simm.s32 $0xFFFFFFFF;
	p2 =	slt.u32 s8, $0xFFFFF086  }
0x1c: {  	p1 =	slt.u32 s9, $0xF7A;
	s5 =	simm.s32 @!p2 $0x0  }
0x1d: {  	s5 =	simm.s32 @p1 $0x1;
	p0 =	seq.s32 s7, s2  }
0x1e: {  	s7 =	smul.u32 @!p0 $0xF7A, s2;
	p2 =	seq.s32 @!p0 s5, $0x0  }
0x1f: {  	s9 =	smul.u32 $0xF7A, s1;
	s8 =	simm.s32 @!p0 $0x1BF5;
	p2 =	por !p2, p0  }
0x20: {  	[sflag:s8] =	ssyncset.s32 @!p0 $0xFFFFF086;
	s6 =	sadd.s32 @!p0 s3, s7;
	s7 =	simm.s32 @!p0 $0x108  }
0x21: {  	s3 =	sadd.s32 s3, s9;
	s6 =	sadd.s32 @!p0 $0x88, s6;
	s7 =	simm.s32 @p2 $0x1082  }
0x22: {  	[simem:s7], [sflag:s8] =	dma.local @!p0 [hbm:s6], $0xF7A  }
0x23: {  	s9 =	sor.u32 $0xD0000000, s2;
	s6 =	simm.s32 $0x108;
	_ =	swait.ge @!p0 [sflag:s8], $0x0  }
0x24: {  	s3 =	sadd.s32 $0x88, s3;
	s6 =	simm.s32 @!p1 $0x1082;
	[sflag:s4] =	ssyncset.s32 $0xFFFFF086  }
0x25: {  	[simem:s6], [sflag:s4] =	dma.local [hbm:s3], $0xF7A  }
0x26: {  	[smem:$0x3F96] =	sst s1;
	(tag) =	ssettag s2;
	_ =	strace s9  }
0x27: {  	s1 =	sld [smem:$0x3FA6]  }
0x28: {  	s2 =	sld [smem:$0x3FA7]  }
0x29: {  	s4 =	sld [smem:$0x3FA9]  }
0x2a: {  	p0 =	seq.s32 s5, $0x0;
	s5 =	sld [smem:$0x3FAA]  }
0x2b: {  	s6 =	sld [smem:$0x3FAB]  }
0x2c: {  	s7 =	sld [smem:$0x3FAC]  }
0x2d: {  	s3 =	simm.s32 $0x108;
	s8 =	sld [smem:$0x3FAD]  }
0x2e: {  	s3 =	simm.s32 @!p0 $0x1082;
	s9 =	sld [smem:$0x3FAE]  }
0x2f: {  	lr =	sadd.s32 s0, s3;
	s0 =	sld [smem:$0x3FA5]  }
0x30: {  	s3 =	sld [smem:$0x3FA8]  }
0x31: {  	[smem:$0x3FB1] =	sst s10  }
0x32: {  	s10 =	sld [smem:$0x3FAF];
	_ =	sdelay $0x3  }
0x33: {  	p0 =	seq.s32 s10, $0x1;
	s10 =	sld [smem:$0x3FB1];
	_ =	sdelay $0x3  }
0x34: {  	[smem:$0x3FB1] =	sst s10  }
0x35: {  	s10 =	sld [smem:$0x3FB0];
	_ =	sdelay $0x3  }
0x36: {  	p1 =	seq.s32 s10, $0x1;
	s10 =	sld [smem:$0x3FB1];
	_ =	sdelay $0x3  }
0x37: {  	[smem:$0x3FB1] =	sst s10  }
0x38: {  	s10 =	sld [smem:$0x3FB2]  }
0x39: {  	_ = 	snop;
	(pc) =	sbr.ind lr, $3  }
0x3a: {  	_ = 	snop  }
0x3b: {  	_ = 	snop  }
0x3c: {  	p2 =	seq.s32 s10, $0x1;
	s10 =	sld [smem:$0x3FB1]  }
0x3d: {  	_ =	shalt  }
0x3e: {  	_ =	shalt  }
0x3f: {  	_ =	shalt  }
0x40: {  	_ =	shalt  }
0x41: {  	_ =	shalt  }
0x42: {  	_ =	shalt  }
0x43: {  	_ =	shalt  }
0x44: {  	_ =	shalt  }
0x45: {  	_ =	shalt  }
0x46: {  	_ =	shalt  }
0x47: {  	_ =	shalt  }
0x48: {  	_ =	shalt  }
0x49: {  	_ =	shalt  }
0x4a: {  	_ =	shalt  }
0x4b: {  	_ =	shalt  }
0x4c: {  	_ =	shalt  }
0x4d: {  	_ =	shalt  }
0x4e: {  	_ =	shalt  }
0x4f: {  	_ =	shalt  }
0x50: {  	_ =	shalt  }
0x51: {  	_ =	shalt  }
0x52: {  	_ =	shalt  }
0x53: {  	_ =	shalt  }
0x54: {  	_ =	shalt  }
0x55: {  	_ =	shalt  }
0x56: {  	_ =	shalt  }
0x57: {  	_ =	shalt  }
0x58: {  	_ =	shalt  }
0x59: {  	_ =	shalt  }
0x5a: {  	_ =	shalt  }
0x5b: {  	_ =	shalt  }
0x5c: {  	_ =	shalt  }
0x5d: {  	_ =	shalt  }
0x5e: {  	_ =	shalt  }
0x5f: {  	_ =	shalt  }
0x60: {  	_ =	shalt  }
0x61: {  	_ =	shalt  }
0x62: {  	_ =	shalt  }
0x63: {  	_ =	shalt  }
0x64: {  	_ =	shalt  }
0x65: {  	_ =	shalt  }
0x66: {  	_ =	shalt  }
0x67: {  	_ =	shalt  }
0x68: {  	_ =	shalt  }
0x69: {  	_ =	shalt  }
0x6a: {  	_ =	shalt  }
0x6b: {  	_ =	shalt  }
0x6c: {  	_ =	shalt  }
0x6d: {  	_ =	shalt  }
0x6e: {  	_ =	shalt  }
0x6f: {  	_ =	shalt  }
0x70: {  	_ =	shalt  }
0x71: {  	_ =	shalt  }
0x72: {  	_ =	shalt  }
0x73: {  	_ =	shalt  }
0x74: {  	_ =	shalt  }
0x75: {  	_ =	shalt  }
0x76: {  	_ =	shalt  }
0x77: {  	_ =	shalt  }
0x78: {  	_ =	shalt  }
0x79: {  	_ =	shalt  }
0x7a: {  	_ =	shalt  }
0x7b: {  	_ =	shalt  }
0x7c: {  	_ =	shalt  }
0x7d: {  	_ =	shalt  }
0x7e: {  	_ =	shalt  }
0x7f: {  	_ =	shalt  }
0x80: {  	_ =	shalt  }
0x81: {  	_ =	shalt  }
0x82: {  	_ =	shalt  }
0x83: {  	_ =	shalt  }
0x84: {  	_ =	shalt  }
0x85: {  	_ =	shalt  }
0x86: {  	_ =	shalt  }
0x87: {  	_ =	shalt  }
.Lfunc_end0:
.L_simem_size_0:
called_computation_lowered:
.L_overlay_start_0:
0x88: {  	s2 =	sld [smem:$0x3FD9]  }
0x89: {  	s3 =	sld [smem:$0x3FFE];
	_ =	sdelay $0x1  }
0x8a: {  	s1 =	srdreg.scid  }
0x8b: {  	s0 =	sand.u32 $0x1, s1  }
0x8c: {  	s16 =	sshll.u32 s0, $0xA;
	s2 =	sadd.s32 s3, s2  }
0x8d: {  	s2 =	sadd.s32 s2, s16  }
0x8e: {  	[smem:$0x3FBD] =	sst s2  }
0x8f: {  	_ = 	snop  }
0x90: {  	(tm) =	ssettm $0x1  }
0x91: {  	s17 =	sld [smem:$0x3FFB];
	_ =	sdelay $0x3  }
0x92: {  	_ =	strace s17  }
0x93: {  	s2 =	sld [smem:$0x3FFC];
	_ =	sdelay $0x3  }
0x94: {  	_ =	strace s2  }
0x95: {  	s2 =	sld [smem:$0x3FFD];
	_ =	sdelay $0x3  }
0x96: {  	_ =	strace s2  }
0x97: {  	_ =	strace $0x8FFFFFFF  }
0x98: {  	s18 =	sld [smem:$0x3FDB];
	_ =	sdelay $0x1  }
0x99: {  	s19 =	simm.s32 $_scs_section_size  }
0x9a: {  	s4 =	simm.s32 $_size__tile_overlayer_lowered;
	s5 =	simm.s32 $_tile_overlayer_lowered  }
0x9b: {  	s22 =	simm.s32 $0x1BFF;
	s21 =	sshll.u32 s5, $0x1;
	s2 =	sadd.s32 s19, s18  }
0x9c: {  	s6 =	simm.s32 $0x0;
	s20 =	sshll.u32 s4, $0x1;
	s4 =	sadd.s32 s21, s2  }
0x9d: {  	[timem:s6], [sflag:s22] =	dma.local [hbm:s4], s20  }
0x9e: {  	_ =	swait.ge [sflag:s22], s20  }
0x9f: {  	s3 =	ssub.s32 $0x0, s20;
	[sflag:s22] =	ssyncset.done $0x0  }
0xa0: {  	[sflag:s22] =	ssyncadd.s32 s3;
	_ =	sdelay $0x1  }
0xa1: {  	s23 =	simm.s32 $0x1B8B  }
0xa2: {  	_ =	swait.ge [sflag:s23], $0x1  }
0xa3: {  	[sflag:s23] =	ssyncset.done $0x0  }
0xa4: {  	s25 =	simm.s32 $0x1B8E;
	s24 =	sld [smem:$0x3FFE];
	[sflag:s23] =	ssyncadd.s32 $0xFFFFFFFF  }
0xa5: {  	s26 =	simm.s32 $execute0_lowered;
	[smem:$0x3FD2] =	sst s25  }
0xa6: {  	s4 =	sshll.u32 s26, $0x1;
	_ =	strace $0x80000046;
	[dreg:$0x1] =	wrdreg $0xFFFFFFFF  }
0xa7: {  	s28 =	simm.s32 $_size_execute0_lowered;
	s2 =	sadd.s32 s2, s4;
	[dreg:$0x0] =	wrdreg $0x0  }
0xa8: {  	s4 =	sshll.u32 s28, $0x1;
	[dreg:$0x2] =	wrdreg s2  }
0xa9: {  	[dreg:$0x3] =	wrdreg s4  }
0xaa: {  	[dreg:$0x4] =	wrdreg $0xC0  }
0xab: {  	_ =	task [dreg:s6], $0x5FFFF  }
0xac: {  	[dreg:$0x1] =	wrdreg $0xFFFFFFFF  }
0xad: {  	[dreg:$0x0] =	wrdreg $0x60  }
0xae: {  	[dreg:$0x2] =	wrdreg s24  }
0xaf: {  	[dreg:$0x3] =	wrdreg $0x9  }
0xb0: {  	_ =	task.clear_ibuf [dreg:s6], $0x4FFFF;
	_ =	strace $0x90000046  }
0xb1: {  	s29 =	simm.s32 $0x9;
	_ =	strace $0x80000048  }
0xb2: {  	_ =	swait.ge [sflag:s29], $0x1  }
0xb3: {  	[sflag:s29] =	ssyncadd.s32 $0xFFFFFFFF  }
0xb4: {  	_ =	strace $0x90000048  }
0xb5: {  	_ =	sfence  }
0xb6: {  	s30 =	sld [smem:$0x0];
	_ =	sdelay $0x2  }
0xb7: {  	s31 =	sshll.u32 s1, $0xD;
	s1 =	sshrl.u32 s1, $0x2  }
0xb8: {  	s3 =	sand.u32 $0x4000, s31;
	s1 =	sadd.s32 s1, s30  }
0xb9: {  	s0 =	sor.u32 s3, s0;
	s1 =	sshll.u32 s1, $0x11  }
0xba: {  	s0 =	sor.u32 s1, s0  }
0xbb: {  	s0 =	sadd.s32 $0x8F2B, s0  }
0xbc: {  	[sflag:s0] =	ssyncadd.remote.s32 $0x1  }
0xbd: {  	_ =	sfence.sel $0xFFFF  }
0xbe: {  	[dreg:$0x0] =	wrdreg $0xFFFFFFFF;
	(pc) =	sbr.abs _section_cstart, $3  }
0xbf: {  	[dreg:$0x1] =	wrdreg $0xFFFFFFFF  }
0xc0: {  	_ =	task.clear_ibuf [dreg:s6], $0x2FFFF;
	_ =	strace $0x9FFFFFFF  }
0xc1: {  	(tm) =	ssettm $0x7FFFFFFF  }
tec
execute0_lowered:
.L_overlay_start_1:
0x0: {  	(tag) =	ssettag $0x1  }
0x1: {  	s1 =	srdreg.scid  }
0x2: {  	s0 =	stileid.u32;
	s5 =	rddreg [dreg:$0x0];
	s7 =	simm.s32 $0x400  }
0x3: {  	s8 =	simm.s32 $0x1;
	s9 =	simm.s32 $0x2800;
	s10 =	simm.s32 $0x0  }
0x4: {  	s3 =	sand.u32 $0x1, s1;
	s29 =	sshrl.u32 s0, $0x2;
	s2 =	sshll.u32 s0, $0x8  }
0x5: {  	s4 =	smul.u32 $0x14000, s29;
	s30 =	sshll.u32 s3, $0x7;
	s2 =	sand.u32 $0x300, s2  }
0x6: {  	s1 =	rddreg [dreg:$0x1];
	s3 =	ssub.s32 $0x2, s3;
	s6 =	sor.u32 s30, s2  }
0x7: {  	s2 =	simm.s32 $0x0;
	s31 =	sshrl.u32 s3, $0x1;
	s4 =	sor.u32 s4, s6  }
0x8: {  	[smem:$0x7FF] =	sst s2;
	s6 =	simm.s32 $0x80;
	s4 =	sshrl.u32 s4, $0x3  }
0x9: {  	_ =	strace $0x80000047;
	s4 =	sadd.s32 s4, s5;
	s5 =	ssub.s32 s3, s31  }
0xa: {  	v0 =	vimm.f32 $0.0e+00;
	v1 =	vimm.f32 $1.000000000e+00;
	s3 =	sadd.s32 $0xD600, s4;
	s4 =	sadd.s32 $0x17600, s4;
	s5 =	smax.u32 s5, $0x1  }
.LBB2_1:
0xb: {  	[tilespmem:s2], [sflag:$0x1] =	stream.strided.gather [hbm4b:s3+s6], $0x2800, s7, s6, $0x38;
	[tilespmem:$0x5000] =	vst v63  }
0xc: {  	_ =	swait.ge [sflag:s8], $0x2800  }
0xd: {  	[sflag:s8] =	ssyncset.done $0x0  }
0xe: {  	s11 =	simm.s32 $0x0;
	[sflag:s8] =	ssyncadd.s32 $0xFFFFD800  }
.LBB2_2:
0xf: {  	p0 =	sne.s32 s11, $0x9FC0  }
.Ltmp0:
0x10: {  	_ = 	snop;
	(pc) =	sbr.rel @p0 .LBB2_2-.Ltmp0, $3  }
0x11: {  	_ =	sdelay $0x1  }
0x12: {  	s12 =	sshra.s32 s11, $0x2  }
0x13: {  	s11 =	sadd.s32 $0x40, s11;
	[tilespmem:s12+$0x2800] =	vst v0  }
0x14: {  	s12 =	simm.s32 $0x0;
	s11 =	simm.s32 $0x40  }
.LBB2_4:
0x15: {  	p0 =	sne.s32 s11, $0x9FC0;
	v2 =	vld [tilespmem:s12+$0x0];
	_ =	sdelay $0x3  }
.Ltmp1:
0x16: {  	(pc) =	sbr.rel @p0 .LBB2_4-.Ltmp1, $2  }
0x17: {  	_ =	sdelay $0x2  }
0x18: {  	s12 =	sshra.s32 s11, $0x2;
	s11 =	sadd.s32 $0x40, s11;
	[tilespmem:v2+s9+$0x0] =	vst.idx.add.f32.msk $0xffff, v1  }
0x19: {  	v2 =	vld [tilespmem:s12+$0x0];
	_ =	sdelay $0x5  }
0x1a: {  	s10 =	sadd.s32 $0x1, s10  }
0x1b: {  	p0 =	sne.s32 s10, s5  }
.Ltmp2:
0x1c: {  	[tilespmem:v2+s9+$0x0] =	vst.idx.add.f32.msk $0xffff, v1;
	(pc) =	sbr.rel @p0 .LBB2_1-.Ltmp2, $4  }
0x1d: {  	[hbm4b:s4+s6] =	stream.strided.scatter [tilespmem:s9], [sflag:$0x1], $0x2800, s7, s6, $0x38;
	[tilespmem:$0x5000] =	vst v63  }
0x1e: {  	_ =	swait.ge [sflag:s8], $0x2800  }
0x1f: {  	[sflag:s8] =	ssyncset.done $0x0  }
0x20: {  	[sflag:s8] =	ssyncadd.s32 $0xFFFFD800  }
0x21: {  	_ =	sfence.sel $0x180000  }
0x22: {  	[bflag:$0x0] =	sbarrier.arrive $0xFFFF  }
0x23: {  	p0 =	sne.s32 s0, $0x0;
	_ =	strace $0x90000047  }
0x24: {  	s0 =	sadd.s32 @!p0 $0x100000, s1;
	[bflag:$0x2] =	sbarrier.arrive $0xFFFF  }
0x25: {  	[sflag:s0] =	ssyncadd.tile.s32 @!p0 $0x1;
	_ =	shalt  }
.Lfunc_end2:
_tile_overlayer_lowered:
.L_overlay_start_2:
0x26: {  	(tag) =	ssettag $0x2  }
0x27: {  	s0 =	rddreg [dreg:$0x0];
	s2 =	stileid.u32  }
0x28: {  	s1 =	rddreg [dreg:$0x1];
	p0 =	sne.s32 s2, $0x0  }
0x29: {  	s3 =	rddreg [dreg:$0x2];
	[bflag:$0x3] =	sbarrier.arrive $0xFFFF;
	s2 =	simm.s32 @!p0 $0x1C01  }
0x2a: {  	[timem:s3], [sflag:s2] =	dma.local @!p0 [hbm:s0], s1  }
0x2b: {  	s0 =	simm.s32 @!p0 $0x1  }
0x2c: {  	_ =	swait.ge @!p0 [sflag:s0], s1  }
0x2d: {  	s1 =	ssub.s32 @!p0 $0x0, s1;
	[sflag:s0] =	ssyncset.done @!p0 $0x0  }
0x2e: {  	[sflag:s0] =	ssyncadd.s32 @!p0 s1  }
0x2f: {  	[bflag:$0x3] =	sbarrier.arrive $0xFFFF  }
0x30: {  	_ =	shalt  }

// kernel: kernel.13.cloned.1.call-start
scs
__scs_entry_jumppad:
0x0: {  	(pc) =	sbr.rel $0x88, $3  }
0x1: {  	(tag) =	ssettag $0x0;
	lr =	simm.s32 $0x1  }
0x2: {  	[smem:$0x3F96] =	sst lr;
	_ =	strace $0xD0000000  }
0x3: {  	_ = 	snop  }
0x4: {  	_ = 	snop  }
0x5: {  	_ = 	snop  }
0x6: {  	_ = 	snop  }
0x7: {  	_ = 	snop  }
__scs_overlays_trampoline_lowered:
0x8: {  	[smem:$0x3FA5] =	sst s0  }
0x9: {  	[smem:$0x3FA6] =	sst s1  }
0xa: {  	[smem:$0x3FA7] =	sst s2  }
0xb: {  	[smem:$0x3FA8] =	sst s3  }
0xc: {  	[smem:$0x3FA9] =	sst s4  }
0xd: {  	[smem:$0x3FAA] =	sst s5  }
0xe: {  	[smem:$0x3FAB] =	sst s6  }
0xf: {  	[smem:$0x3FAC] =	sst s7  }
0x10: {  	[smem:$0x3FAD] =	sst s8  }
0x11: {  	[smem:$0x3FAE] =	sst s9;
	s0 =	simm.s32 @!p0 $0x0  }
0x12: {  	s1 =	sld [smem:$0x3F94];
	s0 =	simm.s32 @p0 $0x1  }
0x13: {  	[smem:$0x3FAF] =	sst s0;
	s0 =	simm.s32 @!p1 $0x0  }
0x14: {  	s2 =	sld [smem:$0x3F93];
	s0 =	simm.s32 @p1 $0x1  }
0x15: {  	[smem:$0x3FB0] =	sst s0;
	s0 =	simm.s32 @!p2 $0x0  }
0x16: {  	s3 =	sld [smem:$0x3FDB];
	s0 =	simm.s32 @p2 $0x1  }
0x17: {  	s4 =	simm.s32 $0x1BF5;
	[smem:$0x3FB2] =	sst s0  }
0x18: {  	s0 =	sld [smem:$0x3F95];
	_ =	swait.ge [sflag:s4], $0x0  }
0x19: {  	s7 =	sld [smem:$0x3F96]  }
0x1a: {  	s8 =	sadd.s32 $0xFFFFE003, lr  }
0x1b: {  	s9 =	sadd.s32 $0xFFFFFEF7, lr;
	s5 =	simm.s32 $0xFFFFFFFF;
	p2 =	slt.u32 s8, $0xFFFFF086  }
0x1c: {  	p1 =	slt.u32 s9, $0xF7A;
	s5 =	simm.s32 @!p2 $0x0  }
0x1d: {  	s5 =	simm.s32 @p1 $0x1;
	p0 =	seq.s32 s7, s2  }
0x1e: {  	s7 =	smul.u32 @!p0 $0xF7A, s2;
	p2 =	seq.s32 @!p0 s5, $0x0  }
0x1f: {  	s9 =	smul.u32 $0xF7A, s1;
	s8 =	simm.s32 @!p0 $0x1BF5;
	p2 =	por !p2, p0  }
0x20: {  	[sflag:s8] =	ssyncset.s32 @!p0 $0xFFFFF086;
	s6 =	sadd.s32 @!p0 s3, s7;
	s7 =	simm.s32 @!p0 $0x108  }
0x21: {  	s3 =	sadd.s32 s3, s9;
	s6 =	sadd.s32 @!p0 $0x88, s6;
	s7 =	simm.s32 @p2 $0x1082  }
0x22: {  	[simem:s7], [sflag:s8] =	dma.local @!p0 [hbm:s6], $0xF7A  }
0x23: {  	s9 =	sor.u32 $0xD0000000, s2;
	s6 =	simm.s32 $0x108;
	_ =	swait.ge @!p0 [sflag:s8], $0x0  }
0x24: {  	s3 =	sadd.s32 $0x88, s3;
	s6 =	simm.s32 @!p1 $0x1082;
	[sflag:s4] =	ssyncset.s32 $0xFFFFF086  }
0x25: {  	[simem:s6], [sflag:s4] =	dma.local [hbm:s3], $0xF7A  }
0x26: {  	[smem:$0x3F96] =	sst s1;
	(tag) =	ssettag s2;
	_ =	strace s9  }
0x27: {  	s1 =	sld [smem:$0x3FA6]  }
0x28: {  	s2 =	sld [smem:$0x3FA7]  }
0x29: {  	s4 =	sld [smem:$0x3FA9]  }
0x2a: {  	p0 =	seq.s32 s5, $0x0;
	s5 =	sld [smem:$0x3FAA]  }
0x2b: {  	s6 =	sld [smem:$0x3FAB]  }
0x2c: {  	s7 =	sld [smem:$0x3FAC]  }
0x2d: {  	s3 =	simm.s32 $0x108;
	s8 =	sld [smem:$0x3FAD]  }
0x2e: {  	s3 =	simm.s32 @!p0 $0x1082;
	s9 =	sld [smem:$0x3FAE]  }
0x2f: {  	lr =	sadd.s32 s0, s3;
	s0 =	sld [smem:$0x3FA5]  }
0x30: {  	s3 =	sld [smem:$0x3FA8]  }
0x31: {  	[smem:$0x3FB1] =	sst s10  }
0x32: {  	s10 =	sld [smem:$0x3FAF];
	_ =	sdelay $0x3  }
0x33: {  	p0 =	seq.s32 s10, $0x1;
	s10 =	sld [smem:$0x3FB1];
	_ =	sdelay $0x3  }
0x34: {  	[smem:$0x3FB1] =	sst s10  }
0x35: {  	s10 =	sld [smem:$0x3FB0];
	_ =	sdelay $0x3  }
0x36: {  	p1 =	seq.s32 s10, $0x1;
	s10 =	sld [smem:$0x3FB1];
	_ =	sdelay $0x3  }
0x37: {  	[smem:$0x3FB1] =	sst s10  }
0x38: {  	s10 =	sld [smem:$0x3FB2]  }
0x39: {  	_ = 	snop;
	(pc) =	sbr.ind lr, $3  }
0x3a: {  	_ = 	snop  }
0x3b: {  	_ = 	snop  }
0x3c: {  	p2 =	seq.s32 s10, $0x1;
	s10 =	sld [smem:$0x3FB1]  }
0x3d: {  	_ =	shalt  }
0x3e: {  	_ =	shalt  }
0x3f: {  	_ =	shalt  }
0x40: {  	_ =	shalt  }
0x41: {  	_ =	shalt  }
0x42: {  	_ =	shalt  }
0x43: {  	_ =	shalt  }
0x44: {  	_ =	shalt  }
0x45: {  	_ =	shalt  }
0x46: {  	_ =	shalt  }
0x47: {  	_ =	shalt  }
0x48: {  	_ =	shalt  }
0x49: {  	_ =	shalt  }
0x4a: {  	_ =	shalt  }
0x4b: {  	_ =	shalt  }
0x4c: {  	_ =	shalt  }
0x4d: {  	_ =	shalt  }
0x4e: {  	_ =	shalt  }
0x4f: {  	_ =	shalt  }
0x50: {  	_ =	shalt  }
0x51: {  	_ =	shalt  }
0x52: {  	_ =	shalt  }
0x53: {  	_ =	shalt  }
0x54: {  	_ =	shalt  }
0x55: {  	_ =	shalt  }
0x56: {  	_ =	shalt  }
0x57: {  	_ =	shalt  }
0x58: {  	_ =	shalt  }
0x59: {  	_ =	shalt  }
0x5a: {  	_ =	shalt  }
0x5b: {  	_ =	shalt  }
0x5c: {  	_ =	shalt  }
0x5d: {  	_ =	shalt  }
0x5e: {  	_ =	shalt  }
0x5f: {  	_ =	shalt  }
0x60: {  	_ =	shalt  }
0x61: {  	_ =	shalt  }
0x62: {  	_ =	shalt  }
0x63: {  	_ =	shalt  }
0x64: {  	_ =	shalt  }
0x65: {  	_ =	shalt  }
0x66: {  	_ =	shalt  }
0x67: {  	_ =	shalt  }
0x68: {  	_ =	shalt  }
0x69: {  	_ =	shalt  }
0x6a: {  	_ =	shalt  }
0x6b: {  	_ =	shalt  }
0x6c: {  	_ =	shalt  }
0x6d: {  	_ =	shalt  }
0x6e: {  	_ =	shalt  }
0x6f: {  	_ =	shalt  }
0x70: {  	_ =	shalt  }
0x71: {  	_ =	shalt  }
0x72: {  	_ =	shalt  }
0x73: {  	_ =	shalt  }
0x74: {  	_ =	shalt  }
0x75: {  	_ =	shalt  }
0x76: {  	_ =	shalt  }
0x77: {  	_ =	shalt  }
0x78: {  	_ =	shalt  }
0x79: {  	_ =	shalt  }
0x7a: {  	_ =	shalt  }
0x7b: {  	_ =	shalt  }
0x7c: {  	_ =	shalt  }
0x7d: {  	_ =	shalt  }
0x7e: {  	_ =	shalt  }
0x7f: {  	_ =	shalt  }
0x80: {  	_ =	shalt  }
0x81: {  	_ =	shalt  }
0x82: {  	_ =	shalt  }
0x83: {  	_ =	shalt  }
0x84: {  	_ =	shalt  }
0x85: {  	_ =	shalt  }
0x86: {  	_ =	shalt  }
0x87: {  	_ =	shalt  }
.Lfunc_end0:
.L_simem_size_0:
called_computation.1_lowered:
.L_overlay_start_0:
0x88: {  	s2 =	sld [smem:$0x3FD9]  }
0x89: {  	s3 =	sld [smem:$0x3FFE];
	_ =	sdelay $0x1  }
0x8a: {  	s1 =	srdreg.scid  }
0x8b: {  	s0 =	sand.u32 $0x1, s1  }
0x8c: {  	s16 =	sshll.u32 s0, $0xA;
	s2 =	sadd.s32 s3, s2  }
0x8d: {  	s2 =	sadd.s32 s2, s16  }
0x8e: {  	[smem:$0x3FBD] =	sst s2  }
0x8f: {  	_ = 	snop  }
0x90: {  	(tm) =	ssettm $0x1  }
0x91: {  	s17 =	sld [smem:$0x3FFB];
	_ =	sdelay $0x3  }
0x92: {  	_ =	strace s17  }
0x93: {  	s2 =	sld [smem:$0x3FFC];
	_ =	sdelay $0x3  }
0x94: {  	_ =	strace s2  }
0x95: {  	s2 =	sld [smem:$0x3FFD];
	_ =	sdelay $0x3  }
0x96: {  	_ =	strace s2  }
0x97: {  	_ =	strace $0x8FFFFFFF  }
0x98: {  	s18 =	sld [smem:$0x3FDB];
	_ =	sdelay $0x1  }
0x99: {  	s19 =	simm.s32 $_scs_section_size  }
0x9a: {  	s4 =	simm.s32 $_size__tile_overlayer_lowered;
	s5 =	simm.s32 $_tile_overlayer_lowered  }
0x9b: {  	s22 =	simm.s32 $0x1BFF;
	s21 =	sshll.u32 s5, $0x1;
	s2 =	sadd.s32 s19, s18  }
0x9c: {  	s6 =	simm.s32 $0x0;
	s20 =	sshll.u32 s4, $0x1;
	s4 =	sadd.s32 s21, s2  }
0x9d: {  	[timem:s6], [sflag:s22] =	dma.local [hbm:s4], s20  }
0x9e: {  	_ =	swait.ge [sflag:s22], s20  }
0x9f: {  	s3 =	ssub.s32 $0x0, s20;
	[sflag:s22] =	ssyncset.done $0x0  }
0xa0: {  	[sflag:s22] =	ssyncadd.s32 s3;
	_ =	sdelay $0x1  }
0xa1: {  	s23 =	simm.s32 $0x1B8B  }
0xa2: {  	_ =	swait.ge [sflag:s23], $0x1  }
0xa3: {  	[sflag:s23] =	ssyncset.done $0x0  }
0xa4: {  	s25 =	simm.s32 $0x1B8E;
	s24 =	sld [smem:$0x3FFE];
	[sflag:s23] =	ssyncadd.s32 $0xFFFFFFFF  }
0xa5: {  	s26 =	simm.s32 $execute0_lowered;
	[smem:$0x3FD2] =	sst s25  }
0xa6: {  	s4 =	sshll.u32 s26, $0x1;
	_ =	strace $0x80000049;
	[dreg:$0x1] =	wrdreg $0xFFFFFFFF  }
0xa7: {  	s28 =	simm.s32 $_size_execute0_lowered;
	s2 =	sadd.s32 s2, s4;
	[dreg:$0x0] =	wrdreg $0x0  }
0xa8: {  	s4 =	sshll.u32 s28, $0x1;
	[dreg:$0x2] =	wrdreg s2  }
0xa9: {  	[dreg:$0x3] =	wrdreg s4  }
0xaa: {  	[dreg:$0x4] =	wrdreg $0xC0  }
0xab: {  	_ =	task [dreg:s6], $0x5FFFF  }
0xac: {  	[dreg:$0x1] =	wrdreg $0xFFFFFFFF  }
0xad: {  	[dreg:$0x0] =	wrdreg $0x60  }
0xae: {  	[dreg:$0x2] =	wrdreg s24  }
0xaf: {  	[dreg:$0x3] =	wrdreg $0xB8000  }
0xb0: {  	[dreg:$0x4] =	wrdreg $0x9  }
0xb1: {  	_ =	task.clear_ibuf [dreg:s6], $0x5FFFF;
	_ =	strace $0x90000049  }
0xb2: {  	s29 =	simm.s32 $0x9;
	_ =	strace $0x8000004B  }
0xb3: {  	_ =	swait.ge [sflag:s29], $0x1  }
0xb4: {  	[sflag:s29] =	ssyncadd.s32 $0xFFFFFFFF  }
0xb5: {  	_ =	strace $0x9000004B  }
0xb6: {  	_ =	sfence  }
0xb7: {  	s30 =	sld [smem:$0x0];
	_ =	sdelay $0x2  }
0xb8: {  	s31 =	sshll.u32 s1, $0xD;
	s1 =	sshrl.u32 s1, $0x2  }
0xb9: {  	s3 =	sand.u32 $0x4000, s31;
	s1 =	sadd.s32 s1, s30  }
0xba: {  	s0 =	sor.u32 s3, s0;
	s1 =	sshll.u32 s1, $0x11  }
0xbb: {  	s0 =	sor.u32 s1, s0  }
0xbc: {  	s0 =	sadd.s32 $0x8F2B, s0  }
0xbd: {  	[sflag:s0] =	ssyncadd.remote.s32 $0x1  }
0xbe: {  	_ =	sfence.sel $0xFFFF  }
0xbf: {  	[dreg:$0x0] =	wrdreg $0xFFFFFFFF;
	(pc) =	sbr.abs _section_cstart, $3  }
0xc0: {  	[dreg:$0x1] =	wrdreg $0xFFFFFFFF  }
0xc1: {  	_ =	task.clear_ibuf [dreg:s6], $0x2FFFF;
	_ =	strace $0x9FFFFFFF  }
0xc2: {  	(tm) =	ssettm $0x7FFFFFFF  }
0xc3: {  	_ =	shalt  }
tec
execute0_lowered:
.L_overlay_start_1:
0x0: {  	(tag) =	ssettag $0x1  }
0x1: {  	s0 =	rddreg [dreg:$0x0]  }
0x2: {  	s1 =	rddreg [dreg:$0x1];
	s2 =	srdreg.scid;
	s3 =	simm.s32 $0x0  }
0x3: {  	s28 =	simm.s32 $0x1B80;
	s29 =	simm.s32 $0x3700;
	s30 =	simm.s32 $0x3780  }
0x4: {  	s31 =	simm.s32 $0x0;
	s6 =	sand.u32 $0x1, s2;
	s2 =	stileid.u32  }
0x5: {  	[smem:$0x7FF] =	sst s3;
	s4 =	sadd.s32 $0x2B600, s0;
	s5 =	smul.u32 $0x140000, s6  }
0x6: {  	s12 =	sadd.s32 $0x21600, s0;
	s13 =	sadd.s32 $0x3600, s0;
	s7 =	smul.u32 $0x14000, s2  }
0x7: {  	_ =	strace $0x8000004A;
	s19 =	smul.u32 $0x50000, s2;
	s8 =	ssub.s32 $0x2, s6  }
0x8: {  	s9 =	smul.u32 $0x5000, s2;
	p0 =	seq.s32 s6, $0x1;
	s20 =	sshrl.u32 s8, $0x1  }
0x9: {  	s5 =	sadd.s32 s7, s5;
	s7 =	sshrl.u32 s19, $0x2;
	s15 =	ssub.s32 s8, s20  }
0xa: {  	s21 =	sshrl.u32 s9, $0x3;
	s20 =	simm.s32 $0x3800;
	s5 =	sshrl.u32 s5, $0x3  }
0xb: {  	s22 =	sadd.s32 s12, s21;
	s23 =	sadd.s32 $0x380, s21;
	s24 =	sadd.s32 s13, s21  }
0xc: {  	s11 =	sadd.s32 $0x700, s21;
	s26 =	sadd.s32 $0x780, s21;
	s15 =	smax.u32 s15, $0x1  }
0xd: {  	s21 =	simm.s32 $0x3;
	s0 =	sadd.s32 s5, s0;
	[dreg:$0x3] =	wrdreg s22  }
0xe: {  	s5 =	sadd.s32 s7, s1;
	[dreg:$0x4] =	wrdreg s24;
	s25 =	sadd.s32 s12, s23  }
0xf: {  	s6 =	sadd.s32 s13, s23;
	s10 =	sadd.s32 s12, s11;
	s11 =	sadd.s32 s13, s11  }
.Ltmp0:
0x10: {  	s12 =	sadd.s32 s12, s26;
	s13 =	sadd.s32 s13, s26;
	(pc) =	sbr.rel .LBB2_1-.Ltmp0, $4  }
0x11: {  	s22 =	simm.s32 $0x1C00;
	s23 =	simm.s32 $0x80;
	[dreg:$0x5] =	wrdreg s25  }
0x12: {  	s24 =	simm.s32 $0x7800;
	s26 =	simm.s32 $0x2;
	[dreg:$0x6] =	wrdreg s6  }
0x13: {  	s14 =	sadd.s32 $0x53600, s0;
	s16 =	sadd.s32 $0x4000, s5;
	s17 =	sadd.s32 $0x8000, s5  }
0x14: {  	v0 =	vimm.f32 $0.0e+00;
	s18 =	sadd.s32 $0xC000, s5;
	s19 =	sadd.s32 $0x10000, s5;
	s25 =	simm.s32 $0x1  }
.LBB2_8:
0x15: {  	s6 =	sadd.s32 $0x80, s0;
	[sflag:s21] =	ssyncadd.s32 $0xFFFFC000  }
0x16: {  	[tilespmem:s24], [sflag:$0x2] =	stream.indirect.gather [hbm4b:s4+s23], $0x80, s6, s23, $0xb8;
	[tilespmem:$0x1F800] =	vst v63  }
0x17: {  	_ =	swait.ge [sflag:s25], $0x4000  }
0x18: {  	[sflag:s25] =	ssyncset.done $0x0  }
0x19: {  	s8 =	sadd.s32 $0x1C00, s0;
	[sflag:s25] =	ssyncadd.s32 $0xFFFFC000  }
0x1a: {  	[spmem:s1] =	stream.indirect.scatter.add.f32 [tilespmem:s20], [sflag:$0x3], $0x80, s8, s23, $0xb8;
	[tilespmem:$0x1F800] =	vst v63  }
0x1b: {  	_ =	swait.ge [sflag:s21], $0x4000  }
0x1c: {  	[sflag:s21] =	ssyncset.done $0x0  }
0x1d: {  	s9 =	sadd.s32 $0x100, s0;
	[sflag:s21] =	ssyncadd.s32 $0xFFFFC000  }
0x1e: {  	[tilespmem:s20], [sflag:$0x1] =	stream.indirect.gather [hbm4b:s4+s23], $0x80, s9, s23, $0xb8;
	[tilespmem:$0x1F800] =	vst v63  }
0x1f: {  	_ =	swait.ge [sflag:s26], $0x4000  }
0x20: {  	[sflag:s26] =	ssyncset.done $0x0  }
0x21: {  	s7 =	sadd.s32 $0x1C80, s0;
	[sflag:s26] =	ssyncadd.s32 $0xFFFFC000  }
0x22: {  	[spmem:s1] =	stream.indirect.scatter.add.f32 [tilespmem:s24], [sflag:$0x3], $0x80, s7, s23, $0xb8;
	[tilespmem:$0x1F800] =	vst v63  }
0x23: {  	_ =	swait.ge [sflag:s21], $0x4000  }
0x24: {  	[sflag:s21] =	ssyncset.done $0x0  }
0x25: {  	[sflag:s21] =	ssyncadd.s32 $0xFFFFC000  }
0x26: {  	[tilespmem:s24], [sflag:$0x2] =	stream.indirect.gather [hbm4b:s4+s23], $0x80, s28, s23, $0xb8;
	[tilespmem:$0x1F800] =	vst v63  }
0x27: {  	_ =	swait.ge [sflag:s25], $0x4000  }
0x28: {  	[sflag:s25] =	ssyncset.done $0x0  }
0x29: {  	[sflag:s25] =	ssyncadd.s32 $0xFFFFC000  }
0x2a: {  	[spmem:s1] =	stream.indirect.scatter.add.f32 [tilespmem:s20], [sflag:$0x3], $0x80, s29, s23, $0xb8;
	[tilespmem:$0x1F800] =	vst v63  }
0x2b: {  	_ =	swait.ge [sflag:s21], $0x4000  }
0x2c: {  	[sflag:s21] =	ssyncset.done $0x0  }
0x2d: {  	[sflag:s21] =	ssyncadd.s32 $0xFFFFC000  }
0x2e: {  	_ =	swait.ge [sflag:s26], $0x4000  }
0x2f: {  	[sflag:s26] =	ssyncset.done $0x0  }
0x30: {  	[sflag:s26] =	ssyncadd.s32 $0xFFFFC000  }
0x31: {  	[spmem:s1] =	stream.indirect.scatter.add.f32 [tilespmem:s24], [sflag:$0x3], $0x80, s30, s23, $0xb8;
	[tilespmem:$0x1F800] =	vst v63  }
0x32: {  	_ =	swait.ge [sflag:s21], $0x4000  }
0x33: {  	[sflag:s21] =	ssyncset.done $0x0  }
0x34: {  	[sflag:s21] =	ssyncadd.s32 $0xFFFFC000  }
0x35: {  	[tilespmem:s3], [sflag:$0x3] =	stream.linear.gather [hbm4b:s10+s3], $0x400, $0x38;
	[tilespmem:$0x1F800] =	vst v63  }
0x36: {  	_ =	swait.ge [sflag:s21], $0x400  }
0x37: {  	[sflag:s21] =	ssyncset.done $0x0  }
0x38: {  	[sflag:s21] =	ssyncadd.s32 $0xFFFFFC00  }
0x39: {  	[tilespmem:s22], [sflag:$0x3] =	stream.linear.gather [hbm4b:s11+s3], $0x400, $0x38;
	[tilespmem:$0x1F800] =	vst v63  }
0x3a: {  	_ =	swait.ge [sflag:s21], $0x400  }
0x3b: {  	[sflag:s21] =	ssyncset.done $0x0  }
0x3c: {  	[sflag:s21] =	ssyncadd.s32 $0xFFFFFC00  }
0x3d: {  	[tilespmem:s20], [sflag:$0x1] =	stream.indirect.gather [hbm4b:s4+s23], $0x80, s3, s23, $0xb8;
	[tilespmem:$0x1F800] =	vst v63  }
0x3e: {  	_ = 	snop  }
0x3f: {  	[tilespmem:s24], [sflag:$0x2] =	stream.indirect.gather [hbm4b:s4+s23], $0x80, s23, s23, $0xb8;
	[tilespmem:$0x1F800] =	vst v63  }
0x40: {  	_ =	swait.ge [sflag:s25], $0x4000  }
0x41: {  	[sflag:s25] =	ssyncset.done $0x0  }
0x42: {  	[sflag:s25] =	ssyncadd.s32 $0xFFFFC000  }
0x43: {  	[spmem:s1] =	stream.indirect.scatter.add.f32 [tilespmem:s20], [sflag:$0x3], $0x80, s22, s23, $0xb8;
	[tilespmem:$0x1F800] =	vst v63  }
0x44: {  	_ =	swait.ge [sflag:s21], $0x4000  }
0x45: {  	[sflag:s21] =	ssyncset.done $0x0  }
0x46: {  	s8 =	simm.s32 $0x100;
	[sflag:s21] =	ssyncadd.s32 $0xFFFFC000  }
0x47: {  	[tilespmem:s20], [sflag:$0x1] =	stream.indirect.gather [hbm4b:s4+s23], $0x80, s8, s23, $0xb8;
	[tilespmem:$0x1F800] =	vst v63  }
0x48: {  	_ =	swait.ge [sflag:s26], $0x4000  }
0x49: {  	[sflag:s26] =	ssyncset.done $0x0  }
0x4a: {  	s9 =	simm.s32 $0x1C80;
	[sflag:s26] =	ssyncadd.s32 $0xFFFFC000  }
0x4b: {  	[spmem:s1] =	stream.indirect.scatter.add.f32 [tilespmem:s24], [sflag:$0x3], $0x80, s9, s23, $0xb8;
	[tilespmem:$0x1F800] =	vst v63  }
0x4c: {  	_ =	swait.ge [sflag:s21], $0x4000  }
0x4d: {  	[sflag:s21] =	ssyncset.done $0x0  }
0x4e: {  	s6 =	simm.s32 $0x180;
	[sflag:s21] =	ssyncadd.s32 $0xFFFFC000  }
0x4f: {  	[tilespmem:s24], [sflag:$0x2] =	stream.indirect.gather [hbm4b:s4+s23], $0x80, s6, s23, $0xb8;
	[tilespmem:$0x1F800] =	vst v63  }
0x50: {  	_ =	swait.ge [sflag:s25], $0x4000  }
0x51: {  	[sflag:s25] =	ssyncset.done $0x0  }
0x52: {  	s7 =	simm.s32 $0x1D00;
	[sflag:s25] =	ssyncadd.s32 $0xFFFFC000  }
0x53: {  	[spmem:s1] =	stream.indirect.scatter.add.f32 [tilespmem:s20], [sflag:$0x3], $0x80, s7, s23, $0xb8;
	[tilespmem:$0x1F800] =	vst v63  }
0x54: {  	_ =	swait.ge [sflag:s21], $0x4000  }
0x55: {  	[sflag:s21] =	ssyncset.done $0x0  }
0x56: {  	s8 =	simm.s32 $0x200;
	[sflag:s21] =	ssyncadd.s32 $0xFFFFC000  }
0x57: {  	[tilespmem:s20], [sflag:$0x1] =	stream.indirect.gather [hbm4b:s4+s23], $0x80, s8, s23, $0xb8;
	[tilespmem:$0x1F800] =	vst v63  }
0x58: {  	_ =	swait.ge [sflag:s26], $0x4000  }
0x59: {  	[sflag:s26] =	ssyncset.done $0x0  }
0x5a: {  	s9 =	simm.s32 $0x1D80;
	[sflag:s26] =	ssyncadd.s32 $0xFFFFC000  }
0x5b: {  	[spmem:s1] =	stream.indirect.scatter.add.f32 [tilespmem:s24], [sflag:$0x3], $0x80, s9, s23, $0xb8;
	[tilespmem:$0x1F800] =	vst v63  }
0x5c: {  	_ =	swait.ge [sflag:s21], $0x4000  }
0x5d: {  	[sflag:s21] =	ssyncset.done $0x0  }
0x5e: {  	s6 =	simm.s32 $0x280;
	[sflag:s21] =	ssyncadd.s32 $0xFFFFC000  }
0x5f: {  	[tilespmem:s24], [sflag:$0x2] =	stream.indirect.gather [hbm4b:s4+s23], $0x80, s6, s23, $0xb8;
	[tilespmem:$0x1F800] =	vst v63  }
0x60: {  	_ =	swait.ge [sflag:s25], $0x4000  }
0x61: {  	[sflag:s25] =	ssyncset.done $0x0  }
0x62: {  	s7 =	simm.s32 $0x1E00;
	[sflag:s25] =	ssyncadd.s32 $0xFFFFC000  }
0x63: {  	[spmem:s1] =	stream.indirect.scatter.add.f32 [tilespmem:s20], [sflag:$0x3], $0x80, s7, s23, $0xb8;
	[tilespmem:$0x1F800] =	vst v63  }
0x64: {  	_ =	swait.ge [sflag:s21], $0x4000  }
0x65: {  	[sflag:s21] =	ssyncset.done $0x0  }
0x66: {  	s8 =	simm.s32 $0x300;
	[sflag:s21] =	ssyncadd.s32 $0xFFFFC000  }
0x67: {  	[tilespmem:s20], [sflag:$0x1] =	stream.indirect.gather [hbm4b:s4+s23], $0x80, s8, s23, $0xb8;
	[tilespmem:$0x1F800] =	vst v63  }
0x68: {  	_ =	swait.ge [sflag:s26], $0x4000  }
0x69: {  	[sflag:s26] =	ssyncset.done $0x0  }
0x6a: {  	s9 =	simm.s32 $0x1E80;
	[sflag:s26] =	ssyncadd.s32 $0xFFFFC000  }
0x6b: {  	[spmem:s1] =	stream.indirect.scatter.add.f32 [tilespmem:s24], [sflag:$0x3], $0x80, s9, s23, $0xb8;
	[tilespmem:$0x1F800] =	vst v63  }
0x6c: {  	_ =	swait.ge [sflag:s21], $0x4000  }
0x6d: {  	s0 =	simm.s32 $0x1F80;
	[sflag:s21] =	ssyncset.done $0x0  }
0x6e: {  	s6 =	simm.s32 $0x1F00;
	s7 =	simm.s32 $0x380;
	[sflag:s21] =	ssyncadd.s32 $0xFFFFC000  }
.LBB2_12:
0x6f: {  	[tilespmem:s24], [sflag:$0x2] =	stream.indirect.gather [hbm4b:s4+s23], $0x80, s7, s23, $0xb8;
	[tilespmem:$0x1F800] =	vst v63  }
0x70: {  	_ =	swait.ge [sflag:s25], $0x4000  }
0x71: {  	[sflag:s25] =	ssyncset.done $0x0  }
0x72: {  	[sflag:s25] =	ssyncadd.s32 $0xFFFFC000  }
0x73: {  	[spmem:s1] =	stream.indirect.scatter.add.f32 [tilespmem:s20], [sflag:$0x3], $0x80, s6, s23, $0xb8;
	[tilespmem:$0x1F800] =	vst v63  }
0x74: {  	_ =	swait.ge [sflag:s21], $0x4000  }
0x75: {  	[sflag:s21] =	ssyncset.done $0x0  }
0x76: {  	[sflag:s21] =	ssyncadd.s32 $0xFFFFC000  }
0x77: {  	_ =	swait.ge [sflag:s26], $0x4000  }
0x78: {  	[sflag:s26] =	ssyncset.done $0x0  }
0x79: {  	[sflag:s26] =	ssyncadd.s32 $0xFFFFC000  }
0x7a: {  	[spmem:s1] =	stream.indirect.scatter.add.f32 [tilespmem:s24], [sflag:$0x3], $0x80, s0, s23, $0xb8;
	[tilespmem:$0x1F800] =	vst v63  }
0x7b: {  	_ =	swait.ge [sflag:s21], $0x4000  }
0x7c: {  	s8 =	sshll.u32 s2, $0x6;
	s31 =	sadd.s32 $0x1, s31;
	[sflag:s21] =	ssyncset.done $0x0  }
0x7d: {  	s9 =	sshrl.u32 s5, $0x3;
	p1 =	sne.s32 s31, s15;
	[sflag:s21] =	ssyncadd.s32 $0xFFFFC000  }
.Ltmp1:
0x7e: {  	s0 =	sor.u32 $0x1C03, s8;
	[bflag:$0x0] =	sbarrier.arrive $0xFFFF;
	(pc) =	sbr.rel @!p1 .LBB2_13-.Ltmp1, $4  }
0x7f: {  	[hbm:s14], [sflag:s0] =	dma.local [spmem:s9], $0x2800  }
0x80: {  	_ =	swait.ge [sflag:s21], $0x2800  }
0x81: {  	[sflag:s21] =	ssyncset.done $0x0  }
0x82: {  	[sflag:s21] =	ssyncadd.s32 $0xFFFFD800  }
.LBB2_1:
0x83: {  	s0 =	sand.u32 $0xFE00, s3  }
0x84: {  	s6 =	sand.u32 $0x70, s3;
	s7 =	sshrl.u32 s0, $0x2  }
0x85: {  	s0 =	simm.s32 $0x40;
	s7 =	sor.u32 s6, s7;
	s6 =	simm.s32 $0x0  }
.LBB2_2:
0x86: {  	p1 =	sne.s32 s0, $0xFFC0  }
0x87: {  	[tilespmem:s7+$0x3800] =	vst v0;
	s6 =	sadd.s32 $0x10, s6;
	s7 =	smov.u32 s0;
	s0 =	sadd.s32 $0x40, s0  }
.Ltmp2:
0x88: {  	(pc) =	sbr.rel @p1 .LBB2_2-.Ltmp2, $4  }
0x89: {  	_ = 	snop  }
0x8a: {  	s7 =	sand.u32 $0xFE00, s7  }
0x8b: {  	s8 =	sand.u32 $0x70, s6;
	s7 =	sshrl.u32 s7, $0x2  }
0x8c: {  	s7 =	sor.u32 s8, s7  }
0x8d: {  	[tilespmem:s7+$0x3800] =	vst v0  }
0x8e: {  	[spmem:s5] =	stream.linear.scatter [tilespmem:s20], [sflag:$0x3], $0x4000, $0x38;
	[tilespmem:$0x1F800] =	vst v63  }
0x8f: {  	_ =	swait.ge [sflag:s21], $0x4000  }
0x90: {  	[sflag:s21] =	ssyncset.done $0x0  }
0x91: {  	[sflag:s21] =	ssyncadd.s32 $0xFFFFC000  }
0x92: {  	[spmem:s16] =	stream.linear.scatter [tilespmem:s20], [sflag:$0x3], $0x4000, $0x38;
	[tilespmem:$0x1F800] =	vst v63  }
0x93: {  	_ =	swait.ge [sflag:s21], $0x4000  }
0x94: {  	[sflag:s21] =	ssyncset.done $0x0  }
0x95: {  	[sflag:s21] =	ssyncadd.s32 $0xFFFFC000  }
0x96: {  	[spmem:s17] =	stream.linear.scatter [tilespmem:s20], [sflag:$0x3], $0x4000, $0x38;
	[tilespmem:$0x1F800] =	vst v63  }
0x97: {  	_ =	swait.ge [sflag:s21], $0x4000  }
0x98: {  	[sflag:s21] =	ssyncset.done $0x0  }
0x99: {  	[sflag:s21] =	ssyncadd.s32 $0xFFFFC000  }
0x9a: {  	[spmem:s18] =	stream.linear.scatter [tilespmem:s20], [sflag:$0x3], $0x4000, $0x38;
	[tilespmem:$0x1F800] =	vst v63  }
0x9b: {  	_ =	swait.ge [sflag:s21], $0x4000  }
0x9c: {  	[sflag:s21] =	ssyncset.done $0x0  }
0x9d: {  	[sflag:s21] =	ssyncadd.s32 $0xFFFFC000  }
0x9e: {  	[spmem:s19] =	stream.linear.scatter [tilespmem:s20], [sflag:$0x3], $0x4000, $0x38;
	[tilespmem:$0x1F800] =	vst v63  }
.Ltmp3:
0x9f: {  	_ =	swait.ge [sflag:s21], $0x4000;
	(pc) =	sbr.rel @!p0 .LBB2_4-.Ltmp3, $4  }
0xa0: {  	[sflag:s21] =	ssyncset.done $0x0  }
0xa1: {  	[sflag:s21] =	ssyncadd.s32 $0xFFFFC000  }
0xa2: {  	[bflag:$0x0] =	sbarrier.arrive $0xFFFF  }
0xa3: {  	s0 =	simm.s32 $0x0  }
0xa4: {  	[tilespmem:s0], [sflag:$0x3] =	stream.linear.gather [hbm4b:s12+s0], $0x1400, $0x38;
	[tilespmem:$0x1F800] =	vst v63  }
0xa5: {  	_ =	swait.ge [sflag:s21], $0x1400  }
0xa6: {  	[sflag:s21] =	ssyncset.done $0x0  }
0xa7: {  	[sflag:s21] =	ssyncadd.s32 $0xFFFFEC00  }
0xa8: {  	[tilespmem:s22], [sflag:$0x3] =	stream.linear.gather [hbm4b:s13+s0], $0x1400, $0x38;
	[tilespmem:$0x1F800] =	vst v63  }
0xa9: {  	_ =	swait.ge [sflag:s21], $0x1400  }
0xaa: {  	[sflag:s21] =	ssyncset.done $0x0  }
0xab: {  	[sflag:s21] =	ssyncadd.s32 $0xFFFFEC00  }
0xac: {  	[tilespmem:s20], [sflag:$0x1] =	stream.indirect.gather [hbm4b:s4+s23], $0x80, s0, s23, $0xb8;
	[tilespmem:$0x1F800] =	vst v63  }
0xad: {  	s6 =	simm.s32 $0x80  }
0xae: {  	[tilespmem:s24], [sflag:$0x2] =	stream.indirect.gather [hbm4b:s4+s23], $0x80, s6, s23, $0xb8;
	[tilespmem:$0x1F800] =	vst v63  }
0xaf: {  	_ =	swait.ge [sflag:s25], $0x4000  }
0xb0: {  	[sflag:s25] =	ssyncset.done $0x0  }
0xb1: {  	s7 =	simm.s32 $0x1C00;
	[sflag:s25] =	ssyncadd.s32 $0xFFFFC000  }
0xb2: {  	[spmem:s1] =	stream.indirect.scatter.add.f32 [tilespmem:s20], [sflag:$0x3], $0x80, s7, s23, $0xb8;
	[tilespmem:$0x1F800] =	vst v63  }
0xb3: {  	_ =	swait.ge [sflag:s21], $0x4000  }
0xb4: {  	[sflag:s21] =	ssyncset.done $0x0  }
0xb5: {  	s8 =	simm.s32 $0x100;
	[sflag:s21] =	ssyncadd.s32 $0xFFFFC000  }
0xb6: {  	[tilespmem:s20], [sflag:$0x1] =	stream.indirect.gather [hbm4b:s4+s23], $0x80, s8, s23, $0xb8;
	[tilespmem:$0x1F800] =	vst v63  }
0xb7: {  	_ =	swait.ge [sflag:s26], $0x4000  }
0xb8: {  	[sflag:s26] =	ssyncset.done $0x0  }
0xb9: {  	s9 =	simm.s32 $0x1C80;
	[sflag:s26] =	ssyncadd.s32 $0xFFFFC000  }
0xba: {  	[spmem:s1] =	stream.indirect.scatter.add.f32 [tilespmem:s24], [sflag:$0x3], $0x80, s9, s23, $0xb8;
	[tilespmem:$0x1F800] =	vst v63  }
0xbb: {  	_ =	swait.ge [sflag:s21], $0x4000  }
0xbc: {  	s0 =	simm.s32 $0x100;
	s6 =	simm.s32 $0x800;
	[sflag:s21] =	ssyncset.done $0x0  }
.LBB2_10:
0xbd: {  	s7 =	sadd.s32 $0x80, s0  }
0xbe: {  	[sflag:s21] =	ssyncadd.s32 $0xFFFFC000;
	s8 =	smov.u32 s6;
	s9 =	sadd.s32 $0x400, s6  }
0xbf: {  	[tilespmem:s24], [sflag:$0x2] =	stream.indirect.gather [hbm4b:s4+s23], $0x80, s7, s23, $0xb8;
	[tilespmem:$0x1F800] =	vst v63  }
0xc0: {  	p1 =	sne.s32 s6, $0x4800;
	_ =	swait.ge [sflag:s25], $0x4000  }
0xc1: {  	[sflag:s25] =	ssyncset.done $0x0  }
0xc2: {  	s6 =	sadd.s32 $0x1C00, s0;
	[sflag:s25] =	ssyncadd.s32 $0xFFFFC000  }
0xc3: {  	[spmem:s1] =	stream.indirect.scatter.add.f32 [tilespmem:s20], [sflag:$0x3], $0x80, s6, s23, $0xb8;
	[tilespmem:$0x1F800] =	vst v63  }
0xc4: {  	_ =	swait.ge [sflag:s21], $0x4000  }
0xc5: {  	[sflag:s21] =	ssyncset.done $0x0  }
0xc6: {  	s6 =	sadd.s32 $0x100, s0;
	[sflag:s21] =	ssyncadd.s32 $0xFFFFC000  }
0xc7: {  	[tilespmem:s20], [sflag:$0x1] =	stream.indirect.gather [hbm4b:s4+s23], $0x80, s6, s23, $0xb8;
	[tilespmem:$0x1F800] =	vst v63  }
0xc8: {  	_ =	swait.ge [sflag:s26], $0x4000  }
.Ltmp4:
0xc9: {  	[sflag:s26] =	ssyncset.done $0x0;
	(pc) =	sbr.rel @p1 .LBB2_10-.Ltmp4, $4  }
0xca: {  	s0 =	sadd.s32 $0x1C80, s0;
	[sflag:s26] =	ssyncadd.s32 $0xFFFFC000  }
0xcb: {  	[spmem:s1] =	stream.indirect.scatter.add.f32 [tilespmem:s24], [sflag:$0x3], $0x80, s0, s23, $0xb8;
	[tilespmem:$0x1F800] =	vst v63  }
0xcc: {  	_ =	swait.ge [sflag:s21], $0x4000  }
0xcd: {  	s6 =	smov.u32 s9;
	s0 =	sshra.s32 s8, $0x2;
	[sflag:s21] =	ssyncset.done $0x0  }
0xce: {  	s6 =	sadd.s32 $0x80, s0;
	[sflag:s21] =	ssyncadd.s32 $0xFFFFC000  }
0xcf: {  	[tilespmem:s24], [sflag:$0x2] =	stream.indirect.gather [hbm4b:s4+s23], $0x80, s6, s23, $0xb8;
	[tilespmem:$0x1F800] =	vst v63  }
0xd0: {  	_ =	swait.ge [sflag:s25], $0x4000  }
0xd1: {  	[sflag:s25] =	ssyncset.done $0x0  }
0xd2: {  	s7 =	sadd.s32 $0x1C00, s0;
	[sflag:s25] =	ssyncadd.s32 $0xFFFFC000  }
0xd3: {  	[spmem:s1] =	stream.indirect.scatter.add.f32 [tilespmem:s20], [sflag:$0x3], $0x80, s7, s23, $0xb8;
	[tilespmem:$0x1F800] =	vst v63  }
0xd4: {  	_ =	swait.ge [sflag:s21], $0x4000  }
0xd5: {  	[sflag:s21] =	ssyncset.done $0x0  }
0xd6: {  	s8 =	sadd.s32 $0x100, s0;
	[sflag:s21] =	ssyncadd.s32 $0xFFFFC000  }
0xd7: {  	[tilespmem:s20], [sflag:$0x1] =	stream.indirect.gather [hbm4b:s4+s23], $0x80, s8, s23, $0xb8;
	[tilespmem:$0x1F800] =	vst v63  }
0xd8: {  	_ =	swait.ge [sflag:s26], $0x4000  }
0xd9: {  	[sflag:s26] =	ssyncset.done $0x0  }
.Ltmp5:
0xda: {  	s9 =	sadd.s32 $0x1C80, s0;
	[sflag:s26] =	ssyncadd.s32 $0xFFFFC000;
	(pc) =	sbr.rel .LBB2_12-.Ltmp5, $4  }
0xdb: {  	[spmem:s1] =	stream.indirect.scatter.add.f32 [tilespmem:s24], [sflag:$0x3], $0x80, s9, s23, $0xb8;
	[tilespmem:$0x1F800] =	vst v63  }
0xdc: {  	_ =	swait.ge [sflag:s21], $0x4000  }
0xdd: {  	s0 =	simm.s32 $0x2F80;
	[sflag:s21] =	ssyncset.done $0x0  }
0xde: {  	s6 =	simm.s32 $0x2F00;
	s7 =	simm.s32 $0x1380;
	[sflag:s21] =	ssyncadd.s32 $0xFFFFC000  }
.LBB2_4:
0xdf: {  	s6 =	rddreg [dreg:$0x3]  }
0xe0: {  	[tilespmem:s0], [sflag:$0x3] =	stream.linear.gather [hbm4b:s6+s0], $0x1C00, $0x38;
	[tilespmem:$0x1F800] =	vst v63  }
0xe1: {  	_ =	swait.ge [sflag:s21], $0x1C00  }
0xe2: {  	[sflag:s21] =	ssyncset.done $0x0  }
0xe3: {  	s9 =	rddreg [dreg:$0x4];
	[sflag:s21] =	ssyncadd.s32 $0xFFFFE400  }
0xe4: {  	[tilespmem:s22], [sflag:$0x3] =	stream.linear.gather [hbm4b:s9+s0], $0x1C00, $0x38;
	[tilespmem:$0x1F800] =	vst v63  }
0xe5: {  	_ =	swait.ge [sflag:s21], $0x1C00  }
0xe6: {  	[sflag:s21] =	ssyncset.done $0x0  }
0xe7: {  	[sflag:s21] =	ssyncadd.s32 $0xFFFFE400  }
0xe8: {  	[tilespmem:s20], [sflag:$0x1] =	stream.indirect.gather [hbm4b:s4+s23], $0x80, s0, s23, $0xb8;
	[tilespmem:$0x1F800] =	vst v63  }
0xe9: {  	s6 =	simm.s32 $0x80  }
0xea: {  	[tilespmem:s24], [sflag:$0x2] =	stream.indirect.gather [hbm4b:s4+s23], $0x80, s6, s23, $0xb8;
	[tilespmem:$0x1F800] =	vst v63  }
0xeb: {  	_ =	swait.ge [sflag:s25], $0x4000  }
0xec: {  	[sflag:s25] =	ssyncset.done $0x0  }
0xed: {  	s7 =	simm.s32 $0x1C00;
	[sflag:s25] =	ssyncadd.s32 $0xFFFFC000  }
0xee: {  	[spmem:s1] =	stream.indirect.scatter.add.f32 [tilespmem:s20], [sflag:$0x3], $0x80, s7, s23, $0xb8;
	[tilespmem:$0x1F800] =	vst v63  }
0xef: {  	_ =	swait.ge [sflag:s21], $0x4000  }
0xf0: {  	[sflag:s21] =	ssyncset.done $0x0  }
0xf1: {  	s8 =	simm.s32 $0x100;
	[sflag:s21] =	ssyncadd.s32 $0xFFFFC000  }
0xf2: {  	[tilespmem:s20], [sflag:$0x1] =	stream.indirect.gather [hbm4b:s4+s23], $0x80, s8, s23, $0xb8;
	[tilespmem:$0x1F800] =	vst v63  }
0xf3: {  	_ =	swait.ge [sflag:s26], $0x4000  }
0xf4: {  	[sflag:s26] =	ssyncset.done $0x0  }
0xf5: {  	s9 =	simm.s32 $0x1C80;
	[sflag:s26] =	ssyncadd.s32 $0xFFFFC000  }
0xf6: {  	[spmem:s1] =	stream.indirect.scatter.add.f32 [tilespmem:s24], [sflag:$0x3], $0x80, s9, s23, $0xb8;
	[tilespmem:$0x1F800] =	vst v63  }
0xf7: {  	_ =	swait.ge [sflag:s21], $0x4000  }
0xf8: {  	s0 =	simm.s32 $0x100;
	s6 =	simm.s32 $0x800;
	[sflag:s21] =	ssyncset.done $0x0  }
.LBB2_5:
0xf9: {  	s7 =	sadd.s32 $0x80, s0  }
0xfa: {  	[sflag:s21] =	ssyncadd.s32 $0xFFFFC000;
	s8 =	smov.u32 s6;
	s9 =	sadd.s32 $0x400, s6  }
0xfb: {  	[tilespmem:s24], [sflag:$0x2] =	stream.indirect.gather [hbm4b:s4+s23], $0x80, s7, s23, $0xb8;
	[tilespmem:$0x1F800] =	vst v63  }
0xfc: {  	p1 =	sne.s32 s6, $0x6800;
	_ =	swait.ge [sflag:s25], $0x4000  }
0xfd: {  	[sflag:s25] =	ssyncset.done $0x0  }
0xfe: {  	s6 =	sadd.s32 $0x1C00, s0;
	[sflag:s25] =	ssyncadd.s32 $0xFFFFC000  }
0xff: {  	[spmem:s1] =	stream.indirect.scatter.add.f32 [tilespmem:s20], [sflag:$0x3], $0x80, s6, s23, $0xb8;
	[tilespmem:$0x1F800] =	vst v63  }
0x100: {  	_ =	swait.ge [sflag:s21], $0x4000  }
0x101: {  	[sflag:s21] =	ssyncset.done $0x0  }
0x102: {  	s6 =	sadd.s32 $0x100, s0;
	[sflag:s21] =	ssyncadd.s32 $0xFFFFC000  }
0x103: {  	[tilespmem:s20], [sflag:$0x1] =	stream.indirect.gather [hbm4b:s4+s23], $0x80, s6, s23, $0xb8;
	[tilespmem:$0x1F800] =	vst v63  }
0x104: {  	_ =	swait.ge [sflag:s26], $0x4000  }
.Ltmp6:
0x105: {  	[sflag:s26] =	ssyncset.done $0x0;
	(pc) =	sbr.rel @p1 .LBB2_5-.Ltmp6, $4  }
0x106: {  	s0 =	sadd.s32 $0x1C80, s0;
	[sflag:s26] =	ssyncadd.s32 $0xFFFFC000  }
0x107: {  	[spmem:s1] =	stream.indirect.scatter.add.f32 [tilespmem:s24], [sflag:$0x3], $0x80, s0, s23, $0xb8;
	[tilespmem:$0x1F800] =	vst v63  }
0x108: {  	_ =	swait.ge [sflag:s21], $0x4000  }
0x109: {  	s6 =	smov.u32 s9;
	s0 =	sshra.s32 s8, $0x2;
	[sflag:s21] =	ssyncset.done $0x0  }
0x10a: {  	s6 =	sadd.s32 $0x80, s0;
	[sflag:s21] =	ssyncadd.s32 $0xFFFFC000  }
0x10b: {  	[tilespmem:s24], [sflag:$0x2] =	stream.indirect.gather [hbm4b:s4+s23], $0x80, s6, s23, $0xb8;
	[tilespmem:$0x1F800] =	vst v63  }
0x10c: {  	_ =	swait.ge [sflag:s25], $0x4000  }
0x10d: {  	[sflag:s25] =	ssyncset.done $0x0  }
0x10e: {  	s8 =	sadd.s32 $0x1C00, s0;
	[sflag:s25] =	ssyncadd.s32 $0xFFFFC000  }
0x10f: {  	[spmem:s1] =	stream.indirect.scatter.add.f32 [tilespmem:s20], [sflag:$0x3], $0x80, s8, s23, $0xb8;
	[tilespmem:$0x1F800] =	vst v63  }
0x110: {  	_ =	swait.ge [sflag:s21], $0x4000  }
0x111: {  	[sflag:s21] =	ssyncset.done $0x0  }
0x112: {  	s9 =	sadd.s32 $0x100, s0;
	[sflag:s21] =	ssyncadd.s32 $0xFFFFC000  }
0x113: {  	[tilespmem:s20], [sflag:$0x1] =	stream.indirect.gather [hbm4b:s4+s23], $0x80, s9, s23, $0xb8;
	[tilespmem:$0x1F800] =	vst v63  }
0x114: {  	_ =	swait.ge [sflag:s26], $0x4000  }
0x115: {  	[sflag:s26] =	ssyncset.done $0x0  }
0x116: {  	s6 =	sadd.s32 $0x1C80, s0;
	[sflag:s26] =	ssyncadd.s32 $0xFFFFC000  }
0x117: {  	[spmem:s1] =	stream.indirect.scatter.add.f32 [tilespmem:s24], [sflag:$0x3], $0x80, s6, s23, $0xb8;
	[tilespmem:$0x1F800] =	vst v63  }
0x118: {  	_ =	swait.ge [sflag:s21], $0x4000  }
0x119: {  	[sflag:s21] =	ssyncset.done $0x0  }
0x11a: {  	[sflag:s21] =	ssyncadd.s32 $0xFFFFC000  }
0x11b: {  	[tilespmem:s24], [sflag:$0x2] =	stream.indirect.gather [hbm4b:s4+s23], $0x80, s28, s23, $0xb8;
	[tilespmem:$0x1F800] =	vst v63  }
0x11c: {  	_ =	swait.ge [sflag:s25], $0x4000  }
0x11d: {  	[sflag:s25] =	ssyncset.done $0x0  }
0x11e: {  	[sflag:s25] =	ssyncadd.s32 $0xFFFFC000  }
0x11f: {  	[spmem:s1] =	stream.indirect.scatter.add.f32 [tilespmem:s20], [sflag:$0x3], $0x80, s29, s23, $0xb8;
	[tilespmem:$0x1F800] =	vst v63  }
0x120: {  	_ =	swait.ge [sflag:s21], $0x4000  }
0x121: {  	[sflag:s21] =	ssyncset.done $0x0  }
0x122: {  	[sflag:s21] =	ssyncadd.s32 $0xFFFFC000  }
0x123: {  	_ =	swait.ge [sflag:s26], $0x4000  }
0x124: {  	[sflag:s26] =	ssyncset.done $0x0  }
0x125: {  	[sflag:s26] =	ssyncadd.s32 $0xFFFFC000  }
0x126: {  	[spmem:s1] =	stream.indirect.scatter.add.f32 [tilespmem:s24], [sflag:$0x3], $0x80, s30, s23, $0xb8;
	[tilespmem:$0x1F800] =	vst v63  }
0x127: {  	_ =	swait.ge [sflag:s21], $0x4000  }
0x128: {  	[sflag:s21] =	ssyncset.done $0x0  }
0x129: {  	s7 =	simm.s32 $0x0;
	s8 =	rddreg [dreg:$0x5];
	[sflag:s21] =	ssyncadd.s32 $0xFFFFC000  }
0x12a: {  	[tilespmem:s7], [sflag:$0x3] =	stream.linear.gather [hbm4b:s8+s7], $0x1C00, $0x38;
	[tilespmem:$0x1F800] =	vst v63  }
0x12b: {  	_ =	swait.ge [sflag:s21], $0x1C00  }
0x12c: {  	[sflag:s21] =	ssyncset.done $0x0  }
0x12d: {  	s9 =	rddreg [dreg:$0x6];
	[sflag:s21] =	ssyncadd.s32 $0xFFFFE400  }
0x12e: {  	[tilespmem:s22], [sflag:$0x3] =	stream.linear.gather [hbm4b:s9+s7], $0x1C00, $0x38;
	[tilespmem:$0x1F800] =	vst v63  }
0x12f: {  	_ =	swait.ge [sflag:s21], $0x1C00  }
0x130: {  	[sflag:s21] =	ssyncset.done $0x0  }
0x131: {  	[sflag:s21] =	ssyncadd.s32 $0xFFFFE400  }
0x132: {  	[tilespmem:s20], [sflag:$0x1] =	stream.indirect.gather [hbm4b:s4+s23], $0x80, s7, s23, $0xb8;
	[tilespmem:$0x1F800] =	vst v63  }
0x133: {  	s6 =	simm.s32 $0x80  }
0x134: {  	[tilespmem:s24], [sflag:$0x2] =	stream.indirect.gather [hbm4b:s4+s23], $0x80, s6, s23, $0xb8;
	[tilespmem:$0x1F800] =	vst v63  }
0x135: {  	_ =	swait.ge [sflag:s25], $0x4000  }
0x136: {  	[sflag:s25] =	ssyncset.done $0x0  }
0x137: {  	s7 =	simm.s32 $0x1C00;
	[sflag:s25] =	ssyncadd.s32 $0xFFFFC000  }
0x138: {  	[spmem:s1] =	stream.indirect.scatter.add.f32 [tilespmem:s20], [sflag:$0x3], $0x80, s7, s23, $0xb8;
	[tilespmem:$0x1F800] =	vst v63  }
0x139: {  	_ =	swait.ge [sflag:s21], $0x4000  }
0x13a: {  	[sflag:s21] =	ssyncset.done $0x0  }
0x13b: {  	s8 =	simm.s32 $0x100;
	[sflag:s21] =	ssyncadd.s32 $0xFFFFC000  }
0x13c: {  	[tilespmem:s20], [sflag:$0x1] =	stream.indirect.gather [hbm4b:s4+s23], $0x80, s8, s23, $0xb8;
	[tilespmem:$0x1F800] =	vst v63  }
0x13d: {  	_ =	swait.ge [sflag:s26], $0x4000  }
0x13e: {  	[sflag:s26] =	ssyncset.done $0x0  }
0x13f: {  	s9 =	simm.s32 $0x1C80;
	[sflag:s26] =	ssyncadd.s32 $0xFFFFC000  }
0x140: {  	[spmem:s1] =	stream.indirect.scatter.add.f32 [tilespmem:s24], [sflag:$0x3], $0x80, s9, s23, $0xb8;
	[tilespmem:$0x1F800] =	vst v63  }
0x141: {  	_ =	swait.ge [sflag:s21], $0x4000  }
0x142: {  	s0 =	simm.s32 $0x100;
	s6 =	simm.s32 $0x800;
	[sflag:s21] =	ssyncset.done $0x0  }
.LBB2_7:
0x143: {  	s7 =	sadd.s32 $0x80, s0  }
0x144: {  	[sflag:s21] =	ssyncadd.s32 $0xFFFFC000;
	s8 =	smov.u32 s6;
	s9 =	sadd.s32 $0x400, s6  }
0x145: {  	[tilespmem:s24], [sflag:$0x2] =	stream.indirect.gather [hbm4b:s4+s23], $0x80, s7, s23, $0xb8;
	[tilespmem:$0x1F800] =	vst v63  }
0x146: {  	p1 =	sne.s32 s6, $0x6800;
	_ =	swait.ge [sflag:s25], $0x4000  }
0x147: {  	[sflag:s25] =	ssyncset.done $0x0  }
0x148: {  	s6 =	sadd.s32 $0x1C00, s0;
	[sflag:s25] =	ssyncadd.s32 $0xFFFFC000  }
0x149: {  	[spmem:s1] =	stream.indirect.scatter.add.f32 [tilespmem:s20], [sflag:$0x3], $0x80, s6, s23, $0xb8;
	[tilespmem:$0x1F800] =	vst v63  }
0x14a: {  	_ =	swait.ge [sflag:s21], $0x4000  }
0x14b: {  	[sflag:s21] =	ssyncset.done $0x0  }
0x14c: {  	s6 =	sadd.s32 $0x100, s0;
	[sflag:s21] =	ssyncadd.s32 $0xFFFFC000  }
0x14d: {  	[tilespmem:s20], [sflag:$0x1] =	stream.indirect.gather [hbm4b:s4+s23], $0x80, s6, s23, $0xb8;
	[tilespmem:$0x1F800] =	vst v63  }
0x14e: {  	_ =	swait.ge [sflag:s26], $0x4000  }
.Ltmp7:
0x14f: {  	[sflag:s26] =	ssyncset.done $0x0;
	(pc) =	sbr.rel @p1 .LBB2_7-.Ltmp7, $4  }
0x150: {  	s0 =	sadd.s32 $0x1C80, s0;
	[sflag:s26] =	ssyncadd.s32 $0xFFFFC000  }
0x151: {  	[spmem:s1] =	stream.indirect.scatter.add.f32 [tilespmem:s24], [sflag:$0x3], $0x80, s0, s23, $0xb8;
	[tilespmem:$0x1F800] =	vst v63  }
0x152: {  	_ =	swait.ge [sflag:s21], $0x4000  }
0x153: {  	s6 =	smov.u32 s9;
	s0 =	sshra.s32 s8, $0x2;
	[sflag:s21] =	ssyncset.done $0x0  }
.Ltmp8:
0x154: {  	_ = 	snop;
	(pc) =	sbr.rel .LBB2_8-.Ltmp8, $1  }
0x155: {  	_ =	sdelay $0x3  }
.LBB2_13:
0x156: {  	_ =	sfence.sel $0x180000  }
0x157: {  	[bflag:$0x0] =	sbarrier.arrive $0xFFFF  }
0x158: {  	_ =	strace $0x9000004A  }
0x159: {  	[bflag:$0x2] =	sbarrier.arrive $0xFFFF  }
0x15a: {  	p0 =	sne.s32 s2, $0x0;
	s0 =	rddreg [dreg:$0x2]  }
0x15b: {  	s0 =	sadd.s32 @!p0 $0x100000, s0  }
0x15c: {  	[sflag:s0] =	ssyncadd.tile.s32 @!p0 $0x1;
	_ =	shalt  }
.Lfunc_end2:
_tile_overlayer_lowered:
.L_overlay_start_2:
0x15d: {  	(tag) =	ssettag $0x2  }
0x15e: {  	s0 =	rddreg [dreg:$0x0];
	s2 =	stileid.u32  }
0x15f: {  	s1 =	rddreg [dreg:$0x1];
	p0 =	sne.s32 s2, $0x0  }
0x160: {  	s3 =	rddreg [dreg:$0x2];
	[bflag:$0x3] =	sbarrier.arrive $0xFFFF;
	s2 =	simm.s32 @!p0 $0x1C03  }
0x161: {  	[timem:s3], [sflag:s2] =	dma.local @!p0 [hbm:s0], s1  }
0x162: {  	s0 =	simm.s32 @!p0 $0x3  }
0x163: {  	_ =	swait.ge @!p0 [sflag:s0], s1  }
0x164: {  	s1 =	ssub.s32 @!p0 $0x0, s1;
	[sflag:s0] =	ssyncset.done @!p0 $0x0  }
0x165: {  	[sflag:s0] =	ssyncadd.s32 @!p0 s1  }
0x166: {  	[bflag:$0x3] =	sbarrier.arrive $0xFFFF  }
0x167: {  	_ =	shalt  }

// kernel: kernel.16.cloned.1.call-start
scs
__scs_entry_jumppad:
0x0: {  	(pc) =	sbr.rel $0x88, $3  }
0x1: {  	(tag) =	ssettag $0x0;
	lr =	simm.s32 $0x1  }
0x2: {  	[smem:$0x3F96] =	sst lr;
	_ =	strace $0xD0000000  }
0x3: {  	_ = 	snop  }
0x4: {  	_ = 	snop  }
0x5: {  	_ = 	snop  }
0x6: {  	_ = 	snop  }
0x7: {  	_ = 	snop  }
__scs_overlays_trampoline_lowered:
0x8: {  	[smem:$0x3FA5] =	sst s0  }
0x9: {  	[smem:$0x3FA6] =	sst s1  }
0xa: {  	[smem:$0x3FA7] =	sst s2  }
0xb: {  	[smem:$0x3FA8] =	sst s3  }
0xc: {  	[smem:$0x3FA9] =	sst s4  }
0xd: {  	[smem:$0x3FAA] =	sst s5  }
0xe: {  	[smem:$0x3FAB] =	sst s6  }
0xf: {  	[smem:$0x3FAC] =	sst s7  }
0x10: {  	[smem:$0x3FAD] =	sst s8  }
0x11: {  	[smem:$0x3FAE] =	sst s9;
	s0 =	simm.s32 @!p0 $0x0  }
0x12: {  	s1 =	sld [smem:$0x3F94];
	s0 =	simm.s32 @p0 $0x1  }
0x13: {  	[smem:$0x3FAF] =	sst s0;
	s0 =	simm.s32 @!p1 $0x0  }
0x14: {  	s2 =	sld [smem:$0x3F93];
	s0 =	simm.s32 @p1 $0x1  }
0x15: {  	[smem:$0x3FB0] =	sst s0;
	s0 =	simm.s32 @!p2 $0x0  }
0x16: {  	s3 =	sld [smem:$0x3FDB];
	s0 =	simm.s32 @p2 $0x1  }
0x17: {  	s4 =	simm.s32 $0x1BF5;
	[smem:$0x3FB2] =	sst s0  }
0x18: {  	s0 =	sld [smem:$0x3F95];
	_ =	swait.ge [sflag:s4], $0x0  }
0x19: {  	s7 =	sld [smem:$0x3F96]  }
0x1a: {  	s8 =	sadd.s32 $0xFFFFE003, lr  }
0x1b: {  	s9 =	sadd.s32 $0xFFFFFEF7, lr;
	s5 =	simm.s32 $0xFFFFFFFF;
	p2 =	slt.u32 s8, $0xFFFFF086  }
0x1c: {  	p1 =	slt.u32 s9, $0xF7A;
	s5 =	simm.s32 @!p2 $0x0  }
0x1d: {  	s5 =	simm.s32 @p1 $0x1;
	p0 =	seq.s32 s7, s2  }
0x1e: {  	s7 =	smul.u32 @!p0 $0xF7A, s2;
	p2 =	seq.s32 @!p0 s5, $0x0  }
0x1f: {  	s9 =	smul.u32 $0xF7A, s1;
	s8 =	simm.s32 @!p0 $0x1BF5;
	p2 =	por !p2, p0  }
0x20: {  	[sflag:s8] =	ssyncset.s32 @!p0 $0xFFFFF086;
	s6 =	sadd.s32 @!p0 s3, s7;
	s7 =	simm.s32 @!p0 $0x108  }
0x21: {  	s3 =	sadd.s32 s3, s9;
	s6 =	sadd.s32 @!p0 $0x88, s6;
	s7 =	simm.s32 @p2 $0x1082  }
0x22: {  	[simem:s7], [sflag:s8] =	dma.local @!p0 [hbm:s6], $0xF7A  }
0x23: {  	s9 =	sor.u32 $0xD0000000, s2;
	s6 =	simm.s32 $0x108;
	_ =	swait.ge @!p0 [sflag:s8], $0x0  }
0x24: {  	s3 =	sadd.s32 $0x88, s3;
	s6 =	simm.s32 @!p1 $0x1082;
	[sflag:s4] =	ssyncset.s32 $0xFFFFF086  }
0x25: {  	[simem:s6], [sflag:s4] =	dma.local [hbm:s3], $0xF7A  }
0x26: {  	[smem:$0x3F96] =	sst s1;
	(tag) =	ssettag s2;
	_ =	strace s9  }
0x27: {  	s1 =	sld [smem:$0x3FA6]  }
0x28: {  	s2 =	sld [smem:$0x3FA7]  }
0x29: {  	s4 =	sld [smem:$0x3FA9]  }
0x2a: {  	p0 =	seq.s32 s5, $0x0;
	s5 =	sld [smem:$0x3FAA]  }
0x2b: {  	s6 =	sld [smem:$0x3FAB]  }
0x2c: {  	s7 =	sld [smem:$0x3FAC]  }
0x2d: {  	s3 =	simm.s32 $0x108;
	s8 =	sld [smem:$0x3FAD]  }
0x2e: {  	s3 =	simm.s32 @!p0 $0x1082;
	s9 =	sld [smem:$0x3FAE]  }
0x2f: {  	lr =	sadd.s32 s0, s3;
	s0 =	sld [smem:$0x3FA5]  }
0x30: {  	s3 =	sld [smem:$0x3FA8]  }
0x31: {  	[smem:$0x3FB1] =	sst s10  }
0x32: {  	s10 =	sld [smem:$0x3FAF];
	_ =	sdelay $0x3  }
0x33: {  	p0 =	seq.s32 s10, $0x1;
	s10 =	sld [smem:$0x3FB1];
	_ =	sdelay $0x3  }
0x34: {  	[smem:$0x3FB1] =	sst s10  }
0x35: {  	s10 =	sld [smem:$0x3FB0];
	_ =	sdelay $0x3  }
0x36: {  	p1 =	seq.s32 s10, $0x1;
	s10 =	sld [smem:$0x3FB1];
	_ =	sdelay $0x3  }
0x37: {  	[smem:$0x3FB1] =	sst s10  }
0x38: {  	s10 =	sld [smem:$0x3FB2]  }
0x39: {  	_ = 	snop;
	(pc) =	sbr.ind lr, $3  }
0x3a: {  	_ = 	snop  }
0x3b: {  	_ = 	snop  }
0x3c: {  	p2 =	seq.s32 s10, $0x1;
	s10 =	sld [smem:$0x3FB1]  }
0x3d: {  	_ =	shalt  }
0x3e: {  	_ =	shalt  }
0x3f: {  	_ =	shalt  }
0x40: {  	_ =	shalt  }
0x41: {  	_ =	shalt  }
0x42: {  	_ =	shalt  }
0x43: {  	_ =	shalt  }
0x44: {  	_ =	shalt  }
0x45: {  	_ =	shalt  }
0x46: {  	_ =	shalt  }
0x47: {  	_ =	shalt  }
0x48: {  	_ =	shalt  }
0x49: {  	_ =	shalt  }
0x4a: {  	_ =	shalt  }
0x4b: {  	_ =	shalt  }
0x4c: {  	_ =	shalt  }
0x4d: {  	_ =	shalt  }
0x4e: {  	_ =	shalt  }
0x4f: {  	_ =	shalt  }
0x50: {  	_ =	shalt  }
0x51: {  	_ =	shalt  }
0x52: {  	_ =	shalt  }
0x53: {  	_ =	shalt  }
0x54: {  	_ =	shalt  }
0x55: {  	_ =	shalt  }
0x56: {  	_ =	shalt  }
0x57: {  	_ =	shalt  }
0x58: {  	_ =	shalt  }
0x59: {  	_ =	shalt  }
0x5a: {  	_ =	shalt  }
0x5b: {  	_ =	shalt  }
0x5c: {  	_ =	shalt  }
0x5d: {  	_ =	shalt  }
0x5e: {  	_ =	shalt  }
0x5f: {  	_ =	shalt  }
0x60: {  	_ =	shalt  }
0x61: {  	_ =	shalt  }
0x62: {  	_ =	shalt  }
0x63: {  	_ =	shalt  }
0x64: {  	_ =	shalt  }
0x65: {  	_ =	shalt  }
0x66: {  	_ =	shalt  }
0x67: {  	_ =	shalt  }
0x68: {  	_ =	shalt  }
0x69: {  	_ =	shalt  }
0x6a: {  	_ =	shalt  }
0x6b: {  	_ =	shalt  }
0x6c: {  	_ =	shalt  }
0x6d: {  	_ =	shalt  }
0x6e: {  	_ =	shalt  }
0x6f: {  	_ =	shalt  }
0x70: {  	_ =	shalt  }
0x71: {  	_ =	shalt  }
0x72: {  	_ =	shalt  }
0x73: {  	_ =	shalt  }
0x74: {  	_ =	shalt  }
0x75: {  	_ =	shalt  }
0x76: {  	_ =	shalt  }
0x77: {  	_ =	shalt  }
0x78: {  	_ =	shalt  }
0x79: {  	_ =	shalt  }
0x7a: {  	_ =	shalt  }
0x7b: {  	_ =	shalt  }
0x7c: {  	_ =	shalt  }
0x7d: {  	_ =	shalt  }
0x7e: {  	_ =	shalt  }
0x7f: {  	_ =	shalt  }
0x80: {  	_ =	shalt  }
0x81: {  	_ =	shalt  }
0x82: {  	_ =	shalt  }
0x83: {  	_ =	shalt  }
0x84: {  	_ =	shalt  }
0x85: {  	_ =	shalt  }
0x86: {  	_ =	shalt  }
0x87: {  	_ =	shalt  }
.Lfunc_end0:
.L_simem_size_0:
called_computation.2_lowered:
.L_overlay_start_0:
0x88: {  	s2 =	sld [smem:$0x3FD9]  }
0x89: {  	s3 =	sld [smem:$0x3FFE];
	_ =	sdelay $0x1  }
0x8a: {  	s1 =	srdreg.scid  }
0x8b: {  	s0 =	sand.u32 $0x1, s1  }
0x8c: {  	s16 =	sshll.u32 s0, $0xA;
	s2 =	sadd.s32 s3, s2  }
0x8d: {  	s2 =	sadd.s32 s2, s16  }
0x8e: {  	[smem:$0x3FBD] =	sst s2  }
0x8f: {  	_ = 	snop  }
0x90: {  	(tm) =	ssettm $0x1  }
0x91: {  	s17 =	sld [smem:$0x3FFB];
	_ =	sdelay $0x3  }
0x92: {  	_ =	strace s17  }
0x93: {  	s2 =	sld [smem:$0x3FFC];
	_ =	sdelay $0x3  }
0x94: {  	_ =	strace s2  }
0x95: {  	s2 =	sld [smem:$0x3FFD];
	_ =	sdelay $0x3  }
0x96: {  	_ =	strace s2  }
0x97: {  	_ =	strace $0x8FFFFFFF  }
0x98: {  	s18 =	sld [smem:$0x3FDB];
	_ =	sdelay $0x1  }
0x99: {  	s19 =	simm.s32 $_scs_section_size  }
0x9a: {  	s4 =	simm.s32 $_size__tile_overlayer_lowered;
	s5 =	simm.s32 $_tile_overlayer_lowered  }
0x9b: {  	s22 =	simm.s32 $0x1BFF;
	s21 =	sshll.u32 s5, $0x1;
	s2 =	sadd.s32 s19, s18  }
0x9c: {  	s6 =	simm.s32 $0x0;
	s20 =	sshll.u32 s4, $0x1;
	s4 =	sadd.s32 s21, s2  }
0x9d: {  	[timem:s6], [sflag:s22] =	dma.local [hbm:s4], s20  }
0x9e: {  	_ =	swait.ge [sflag:s22], s20  }
0x9f: {  	s3 =	ssub.s32 $0x0, s20;
	[sflag:s22] =	ssyncset.done $0x0  }
0xa0: {  	[sflag:s22] =	ssyncadd.s32 s3;
	_ =	sdelay $0x1  }
0xa1: {  	s23 =	simm.s32 $0x1B8B  }
0xa2: {  	_ =	swait.ge [sflag:s23], $0x1  }
0xa3: {  	[sflag:s23] =	ssyncset.done $0x0  }
0xa4: {  	s25 =	simm.s32 $0x1B8E;
	s24 =	sld [smem:$0x3FFE];
	[sflag:s23] =	ssyncadd.s32 $0xFFFFFFFF  }
0xa5: {  	s26 =	simm.s32 $execute0_lowered;
	[smem:$0x3FD2] =	sst s25  }
0xa6: {  	s4 =	sshll.u32 s26, $0x1;
	_ =	strace $0x8000004C;
	[dreg:$0x1] =	wrdreg $0xFFFFFFFF  }
0xa7: {  	s28 =	simm.s32 $_size_execute0_lowered;
	s2 =	sadd.s32 s2, s4;
	[dreg:$0x0] =	wrdreg $0x0  }
0xa8: {  	s4 =	sshll.u32 s28, $0x1;
	[dreg:$0x2] =	wrdreg s2  }
0xa9: {  	[dreg:$0x3] =	wrdreg s4  }
0xaa: {  	[dreg:$0x4] =	wrdreg $0xC0  }
0xab: {  	_ =	task [dreg:s6], $0x5FFFF  }
0xac: {  	[dreg:$0x1] =	wrdreg $0xFFFFFFFF  }
0xad: {  	[dreg:$0x0] =	wrdreg $0x60  }
0xae: {  	[dreg:$0x2] =	wrdreg s24  }
0xaf: {  	[dreg:$0x3] =	wrdreg $0xB8000  }
0xb0: {  	[dreg:$0x4] =	wrdreg $0x9  }
0xb1: {  	_ =	task.clear_ibuf [dreg:s6], $0x5FFFF;
	_ =	strace $0x9000004C  }
0xb2: {  	s29 =	simm.s32 $0x9;
	_ =	strace $0x8000004E  }
0xb3: {  	_ =	swait.ge [sflag:s29], $0x1  }
0xb4: {  	[sflag:s29] =	ssyncadd.s32 $0xFFFFFFFF  }
0xb5: {  	_ =	strace $0x9000004E  }
0xb6: {  	_ =	sfence  }
0xb7: {  	s30 =	sld [smem:$0x0];
	_ =	sdelay $0x2  }
0xb8: {  	s31 =	sshll.u32 s1, $0xD;
	s1 =	sshrl.u32 s1, $0x2  }
0xb9: {  	s3 =	sand.u32 $0x4000, s31;
	s1 =	sadd.s32 s1, s30  }
0xba: {  	s0 =	sor.u32 s3, s0;
	s1 =	sshll.u32 s1, $0x11  }
0xbb: {  	s0 =	sor.u32 s1, s0  }
0xbc: {  	s0 =	sadd.s32 $0x8F2B, s0  }
0xbd: {  	[sflag:s0] =	ssyncadd.remote.s32 $0x1  }
0xbe: {  	_ =	sfence.sel $0xFFFF  }
0xbf: {  	[dreg:$0x0] =	wrdreg $0xFFFFFFFF;
	(pc) =	sbr.abs _section_cstart, $3  }
0xc0: {  	[dreg:$0x1] =	wrdreg $0xFFFFFFFF  }
0xc1: {  	_ =	task.clear_ibuf [dreg:s6], $0x2FFFF;
	_ =	strace $0x9FFFFFFF  }
0xc2: {  	(tm) =	ssettm $0x7FFFFFFF  }
0xc3: {  	_ =	shalt  }
tec
execute0_lowered:
.L_overlay_start_1:
0x0: {  	(tag) =	ssettag $0x1  }
0x1: {  	s0 =	rddreg [dreg:$0x0]  }
0x2: {  	s1 =	rddreg [dreg:$0x1];
	s2 =	srdreg.scid;
	s3 =	simm.s32 $0x0  }
0x3: {  	s28 =	simm.s32 $0x1B80;
	s29 =	simm.s32 $0x3700;
	s30 =	simm.s32 $0x3780  }
0x4: {  	s31 =	simm.s32 $0x0;
	s6 =	sand.u32 $0x1, s2;
	s2 =	stileid.u32  }
0x5: {  	[smem:$0x7FF] =	sst s3;
	s4 =	sadd.s32 $0x2B600, s0;
	s5 =	smul.u32 $0x140000, s6  }
0x6: {  	s12 =	sadd.s32 $0x21600, s0;
	s13 =	sadd.s32 $0x3600, s0;
	s7 =	smul.u32 $0x14000, s2  }
0x7: {  	_ =	strace $0x8000004D;
	s19 =	smul.u32 $0x50000, s2;
	s8 =	ssub.s32 $0x2, s6  }
0x8: {  	s9 =	smul.u32 $0x5000, s2;
	p0 =	seq.s32 s6, $0x1;
	s20 =	sshrl.u32 s8, $0x1  }
0x9: {  	s5 =	sadd.s32 s7, s5;
	s7 =	sshrl.u32 s19, $0x2;
	s15 =	ssub.s32 s8, s20  }
0xa: {  	s21 =	sshrl.u32 s9, $0x3;
	s20 =	simm.s32 $0x3800;
	s5 =	sshrl.u32 s5, $0x3  }
0xb: {  	s22 =	sadd.s32 s12, s21;
	s23 =	sadd.s32 $0x380, s21;
	s24 =	sadd.s32 s13, s21  }
0xc: {  	s11 =	sadd.s32 $0x700, s21;
	s26 =	sadd.s32 $0x780, s21;
	s15 =	smax.u32 s15, $0x1  }
0xd: {  	s21 =	simm.s32 $0x3;
	s0 =	sadd.s32 s5, s0;
	[dreg:$0x3] =	wrdreg s22  }
0xe: {  	s5 =	sadd.s32 s7, s1;
	[dreg:$0x4] =	wrdreg s24;
	s25 =	sadd.s32 s12, s23  }
0xf: {  	s6 =	sadd.s32 s13, s23;
	s10 =	sadd.s32 s12, s11;
	s11 =	sadd.s32 s13, s11  }
.Ltmp0:
0x10: {  	s12 =	sadd.s32 s12, s26;
	s13 =	sadd.s32 s13, s26;
	(pc) =	sbr.rel .LBB2_1-.Ltmp0, $4  }
0x11: {  	s22 =	simm.s32 $0x1C00;
	s23 =	simm.s32 $0x80;
	[dreg:$0x5] =	wrdreg s25  }
0x12: {  	s24 =	simm.s32 $0x7800;
	s26 =	simm.s32 $0x2;
	[dreg:$0x6] =	wrdreg s6  }
0x13: {  	s14 =	sadd.s32 $0x53600, s0;
	s16 =	sadd.s32 $0x4000, s5;
	s17 =	sadd.s32 $0x8000, s5  }
0x14: {  	v0 =	vimm.f32 $0.0e+00;
	s18 =	sadd.s32 $0xC000, s5;
	s19 =	sadd.s32 $0x10000, s5;
	s25 =	simm.s32 $0x1  }
.LBB2_8:
0x15: {  	s6 =	sadd.s32 $0x80, s0;
	[sflag:s21] =	ssyncadd.s32 $0xFFFFC000  }
0x16: {  	[tilespmem:s24], [sflag:$0x2] =	stream.indirect.gather [hbm4b:s4+s23], $0x80, s6, s23, $0xb8;
	[tilespmem:$0x1F800] =	vst v63  }
0x17: {  	_ =	swait.ge [sflag:s25], $0x4000  }
0x18: {  	[sflag:s25] =	ssyncset.done $0x0  }
0x19: {  	s8 =	sadd.s32 $0x1C00, s0;
	[sflag:s25] =	ssyncadd.s32 $0xFFFFC000  }
0x1a: {  	[spmem:s1] =	stream.indirect.scatter.add.f32 [tilespmem:s20], [sflag:$0x3], $0x80, s8, s23, $0xb8;
	[tilespmem:$0x1F800] =	vst v63  }
0x1b: {  	_ =	swait.ge [sflag:s21], $0x4000  }
0x1c: {  	[sflag:s21] =	ssyncset.done $0x0  }
0x1d: {  	s9 =	sadd.s32 $0x100, s0;
	[sflag:s21] =	ssyncadd.s32 $0xFFFFC000  }
0x1e: {  	[tilespmem:s20], [sflag:$0x1] =	stream.indirect.gather [hbm4b:s4+s23], $0x80, s9, s23, $0xb8;
	[tilespmem:$0x1F800] =	vst v63  }
0x1f: {  	_ =	swait.ge [sflag:s26], $0x4000  }
0x20: {  	[sflag:s26] =	ssyncset.done $0x0  }
0x21: {  	s7 =	sadd.s32 $0x1C80, s0;
	[sflag:s26] =	ssyncadd.s32 $0xFFFFC000  }
0x22: {  	[spmem:s1] =	stream.indirect.scatter.add.f32 [tilespmem:s24], [sflag:$0x3], $0x80, s7, s23, $0xb8;
	[tilespmem:$0x1F800] =	vst v63  }
0x23: {  	_ =	swait.ge [sflag:s21], $0x4000  }
0x24: {  	[sflag:s21] =	ssyncset.done $0x0  }
0x25: {  	[sflag:s21] =	ssyncadd.s32 $0xFFFFC000  }
0x26: {  	[tilespmem:s24], [sflag:$0x2] =	stream.indirect.gather [hbm4b:s4+s23], $0x80, s28, s23, $0xb8;
	[tilespmem:$0x1F800] =	vst v63  }
0x27: {  	_ =	swait.ge [sflag:s25], $0x4000  }
0x28: {  	[sflag:s25] =	ssyncset.done $0x0  }
0x29: {  	[sflag:s25] =	ssyncadd.s32 $0xFFFFC000  }
0x2a: {  	[spmem:s1] =	stream.indirect.scatter.add.f32 [tilespmem:s20], [sflag:$0x3], $0x80, s29, s23, $0xb8;
	[tilespmem:$0x1F800] =	vst v63  }
0x2b: {  	_ =	swait.ge [sflag:s21], $0x4000  }
0x2c: {  	[sflag:s21] =	ssyncset.done $0x0  }
0x2d: {  	[sflag:s21] =	ssyncadd.s32 $0xFFFFC000  }
0x2e: {  	_ =	swait.ge [sflag:s26], $0x4000  }
0x2f: {  	[sflag:s26] =	ssyncset.done $0x0  }
0x30: {  	[sflag:s26] =	ssyncadd.s32 $0xFFFFC000  }
0x31: {  	[spmem:s1] =	stream.indirect.scatter.add.f32 [tilespmem:s24], [sflag:$0x3], $0x80, s30, s23, $0xb8;
	[tilespmem:$0x1F800] =	vst v63  }
0x32: {  	_ =	swait.ge [sflag:s21], $0x4000  }
0x33: {  	[sflag:s21] =	ssyncset.done $0x0  }
0x34: {  	[sflag:s21] =	ssyncadd.s32 $0xFFFFC000  }
0x35: {  	[tilespmem:s3], [sflag:$0x3] =	stream.linear.gather [hbm4b:s10+s3], $0x400, $0x38;
	[tilespmem:$0x1F800] =	vst v63  }
0x36: {  	_ =	swait.ge [sflag:s21], $0x400  }
0x37: {  	[sflag:s21] =	ssyncset.done $0x0  }
0x38: {  	[sflag:s21] =	ssyncadd.s32 $0xFFFFFC00  }
0x39: {  	[tilespmem:s22], [sflag:$0x3] =	stream.linear.gather [hbm4b:s11+s3], $0x400, $0x38;
	[tilespmem:$0x1F800] =	vst v63  }
0x3a: {  	_ =	swait.ge [sflag:s21], $0x400  }
0x3b: {  	[sflag:s21] =	ssyncset.done $0x0  }
0x3c: {  	[sflag:s21] =	ssyncadd.s32 $0xFFFFFC00  }
0x3d: {  	[tilespmem:s20], [sflag:$0x1] =	stream.indirect.gather [hbm4b:s4+s23], $0x80, s3, s23, $0xb8;
	[tilespmem:$0x1F800] =	vst v63  }
0x3e: {  	_ = 	snop  }
0x3f: {  	[tilespmem:s24], [sflag:$0x2] =	stream.indirect.gather [hbm4b:s4+s23], $0x80, s23, s23, $0xb8;
	[tilespmem:$0x1F800] =	vst v63  }
0x40: {  	_ =	swait.ge [sflag:s25], $0x4000  }
0x41: {  	[sflag:s25] =	ssyncset.done $0x0  }
0x42: {  	[sflag:s25] =	ssyncadd.s32 $0xFFFFC000  }
0x43: {  	[spmem:s1] =	stream.indirect.scatter.add.f32 [tilespmem:s20], [sflag:$0x3], $0x80, s22, s23, $0xb8;
	[tilespmem:$0x1F800] =	vst v63  }
0x44: {  	_ =	swait.ge [sflag:s21], $0x4000  }
0x45: {  	[sflag:s21] =	ssyncset.done $0x0  }
0x46: {  	s8 =	simm.s32 $0x100;
	[sflag:s21] =	ssyncadd.s32 $0xFFFFC000  }
0x47: {  	[tilespmem:s20], [sflag:$0x1] =	stream.indirect.gather [hbm4b:s4+s23], $0x80, s8, s23, $0xb8;
	[tilespmem:$0x1F800] =	vst v63  }
0x48: {  	_ =	swait.ge [sflag:s26], $0x4000  }
0x49: {  	[sflag:s26] =	ssyncset.done $0x0  }
0x4a: {  	s9 =	simm.s32 $0x1C80;
	[sflag:s26] =	ssyncadd.s32 $0xFFFFC000  }
0x4b: {  	[spmem:s1] =	stream.indirect.scatter.add.f32 [tilespmem:s24], [sflag:$0x3], $0x80, s9, s23, $0xb8;
	[tilespmem:$0x1F800] =	vst v63  }
0x4c: {  	_ =	swait.ge [sflag:s21], $0x4000  }
0x4d: {  	[sflag:s21] =	ssyncset.done $0x0  }
0x4e: {  	s6 =	simm.s32 $0x180;
	[sflag:s21] =	ssyncadd.s32 $0xFFFFC000  }
0x4f: {  	[tilespmem:s24], [sflag:$0x2] =	stream.indirect.gather [hbm4b:s4+s23], $0x80, s6, s23, $0xb8;
	[tilespmem:$0x1F800] =	vst v63  }
0x50: {  	_ =	swait.ge [sflag:s25], $0x4000  }
0x51: {  	[sflag:s25] =	ssyncset.done $0x0  }
0x52: {  	s7 =	simm.s32 $0x1D00;
	[sflag:s25] =	ssyncadd.s32 $0xFFFFC000  }
0x53: {  	[spmem:s1] =	stream.indirect.scatter.add.f32 [tilespmem:s20], [sflag:$0x3], $0x80, s7, s23, $0xb8;
	[tilespmem:$0x1F800] =	vst v63  }
0x54: {  	_ =	swait.ge [sflag:s21], $0x4000  }
0x55: {  	[sflag:s21] =	ssyncset.done $0x0  }
0x56: {  	s8 =	simm.s32 $0x200;
	[sflag:s21] =	ssyncadd.s32 $0xFFFFC000  }
0x57: {  	[tilespmem:s20], [sflag:$0x1] =	stream.indirect.gather [hbm4b:s4+s23], $0x80, s8, s23, $0xb8;
	[tilespmem:$0x1F800] =	vst v63  }
0x58: {  	_ =	swait.ge [sflag:s26], $0x4000  }
0x59: {  	[sflag:s26] =	ssyncset.done $0x0  }
0x5a: {  	s9 =	simm.s32 $0x1D80;
	[sflag:s26] =	ssyncadd.s32 $0xFFFFC000  }
0x5b: {  	[spmem:s1] =	stream.indirect.scatter.add.f32 [tilespmem:s24], [sflag:$0x3], $0x80, s9, s23, $0xb8;
	[tilespmem:$0x1F800] =	vst v63  }
0x5c: {  	_ =	swait.ge [sflag:s21], $0x4000  }
0x5d: {  	[sflag:s21] =	ssyncset.done $0x0  }
0x5e: {  	s6 =	simm.s32 $0x280;
	[sflag:s21] =	ssyncadd.s32 $0xFFFFC000  }
0x5f: {  	[tilespmem:s24], [sflag:$0x2] =	stream.indirect.gather [hbm4b:s4+s23], $0x80, s6, s23, $0xb8;
	[tilespmem:$0x1F800] =	vst v63  }
0x60: {  	_ =	swait.ge [sflag:s25], $0x4000  }
0x61: {  	[sflag:s25] =	ssyncset.done $0x0  }
0x62: {  	s7 =	simm.s32 $0x1E00;
	[sflag:s25] =	ssyncadd.s32 $0xFFFFC000  }
0x63: {  	[spmem:s1] =	stream.indirect.scatter.add.f32 [tilespmem:s20], [sflag:$0x3], $0x80, s7, s23, $0xb8;
	[tilespmem:$0x1F800] =	vst v63  }
0x64: {  	_ =	swait.ge [sflag:s21], $0x4000  }
0x65: {  	[sflag:s21] =	ssyncset.done $0x0  }
0x66: {  	s8 =	simm.s32 $0x300;
	[sflag:s21] =	ssyncadd.s32 $0xFFFFC000  }
0x67: {  	[tilespmem:s20], [sflag:$0x1] =	stream.indirect.gather [hbm4b:s4+s23], $0x80, s8, s23, $0xb8;
	[tilespmem:$0x1F800] =	vst v63  }
0x68: {  	_ =	swait.ge [sflag:s26], $0x4000  }
0x69: {  	[sflag:s26] =	ssyncset.done $0x0  }
0x6a: {  	s9 =	simm.s32 $0x1E80;
	[sflag:s26] =	ssyncadd.s32 $0xFFFFC000  }
0x6b: {  	[spmem:s1] =	stream.indirect.scatter.add.f32 [tilespmem:s24], [sflag:$0x3], $0x80, s9, s23, $0xb8;
	[tilespmem:$0x1F800] =	vst v63  }
0x6c: {  	_ =	swait.ge [sflag:s21], $0x4000  }
0x6d: {  	s0 =	simm.s32 $0x1F80;
	[sflag:s21] =	ssyncset.done $0x0  }
0x6e: {  	s6 =	simm.s32 $0x1F00;
	s7 =	simm.s32 $0x380;
	[sflag:s21] =	ssyncadd.s32 $0xFFFFC000  }
.LBB2_12:
0x6f: {  	[tilespmem:s24], [sflag:$0x2] =	stream.indirect.gather [hbm4b:s4+s23], $0x80, s7, s23, $0xb8;
	[tilespmem:$0x1F800] =	vst v63  }
0x70: {  	_ =	swait.ge [sflag:s25], $0x4000  }
0x71: {  	[sflag:s25] =	ssyncset.done $0x0  }
0x72: {  	[sflag:s25] =	ssyncadd.s32 $0xFFFFC000  }
0x73: {  	[spmem:s1] =	stream.indirect.scatter.add.f32 [tilespmem:s20], [sflag:$0x3], $0x80, s6, s23, $0xb8;
	[tilespmem:$0x1F800] =	vst v63  }
0x74: {  	_ =	swait.ge [sflag:s21], $0x4000  }
0x75: {  	[sflag:s21] =	ssyncset.done $0x0  }
0x76: {  	[sflag:s21] =	ssyncadd.s32 $0xFFFFC000  }
0x77: {  	_ =	swait.ge [sflag:s26], $0x4000  }
0x78: {  	[sflag:s26] =	ssyncset.done $0x0  }
0x79: {  	[sflag:s26] =	ssyncadd.s32 $0xFFFFC000  }
0x7a: {  	[spmem:s1] =	stream.indirect.scatter.add.f32 [tilespmem:s24], [sflag:$0x3], $0x80, s0, s23, $0xb8;
	[tilespmem:$0x1F800] =	vst v63  }
0x7b: {  	_ =	swait.ge [sflag:s21], $0x4000  }
0x7c: {  	s8 =	sshll.u32 s2, $0x6;
	s31 =	sadd.s32 $0x1, s31;
	[sflag:s21] =	ssyncset.done $0x0  }
0x7d: {  	s9 =	sshrl.u32 s5, $0x3;
	p1 =	sne.s32 s31, s15;
	[sflag:s21] =	ssyncadd.s32 $0xFFFFC000  }
.Ltmp1:
0x7e: {  	s0 =	sor.u32 $0x1C03, s8;
	[bflag:$0x0] =	sbarrier.arrive $0xFFFF;
	(pc) =	sbr.rel @!p1 .LBB2_13-.Ltmp1, $4  }
0x7f: {  	[hbm:s14], [sflag:s0] =	dma.local [spmem:s9], $0x2800  }
0x80: {  	_ =	swait.ge [sflag:s21], $0x2800  }
0x81: {  	[sflag:s21] =	ssyncset.done $0x0  }
0x82: {  	[sflag:s21] =	ssyncadd.s32 $0xFFFFD800  }
.LBB2_1:
0x83: {  	s0 =	sand.u32 $0xFE00, s3  }
0x84: {  	s6 =	sand.u32 $0x70, s3;
	s7 =	sshrl.u32 s0, $0x2  }
0x85: {  	s0 =	simm.s32 $0x40;
	s7 =	sor.u32 s6, s7;
	s6 =	simm.s32 $0x0  }
.LBB2_2:
0x86: {  	p1 =	sne.s32 s0, $0xFFC0  }
0x87: {  	[tilespmem:s7+$0x3800] =	vst v0;
	s6 =	sadd.s32 $0x10, s6;
	s7 =	smov.u32 s0;
	s0 =	sadd.s32 $0x40, s0  }
.Ltmp2:
0x88: {  	(pc) =	sbr.rel @p1 .LBB2_2-.Ltmp2, $4  }
0x89: {  	_ = 	snop  }
0x8a: {  	s7 =	sand.u32 $0xFE00, s7  }
0x8b: {  	s8 =	sand.u32 $0x70, s6;
	s7 =	sshrl.u32 s7, $0x2  }
0x8c: {  	s7 =	sor.u32 s8, s7  }
0x8d: {  	[tilespmem:s7+$0x3800] =	vst v0  }
0x8e: {  	[spmem:s5] =	stream.linear.scatter [tilespmem:s20], [sflag:$0x3], $0x4000, $0x38;
	[tilespmem:$0x1F800] =	vst v63  }
0x8f: {  	_ =	swait.ge [sflag:s21], $0x4000  }
0x90: {  	[sflag:s21] =	ssyncset.done $0x0  }
0x91: {  	[sflag:s21] =	ssyncadd.s32 $0xFFFFC000  }
0x92: {  	[spmem:s16] =	stream.linear.scatter [tilespmem:s20], [sflag:$0x3], $0x4000, $0x38;
	[tilespmem:$0x1F800] =	vst v63  }
0x93: {  	_ =	swait.ge [sflag:s21], $0x4000  }
0x94: {  	[sflag:s21] =	ssyncset.done $0x0  }
0x95: {  	[sflag:s21] =	ssyncadd.s32 $0xFFFFC000  }
0x96: {  	[spmem:s17] =	stream.linear.scatter [tilespmem:s20], [sflag:$0x3], $0x4000, $0x38;
	[tilespmem:$0x1F800] =	vst v63  }
0x97: {  	_ =	swait.ge [sflag:s21], $0x4000  }
0x98: {  	[sflag:s21] =	ssyncset.done $0x0  }
0x99: {  	[sflag:s21] =	ssyncadd.s32 $0xFFFFC000  }
0x9a: {  	[spmem:s18] =	stream.linear.scatter [tilespmem:s20], [sflag:$0x3], $0x4000, $0x38;
	[tilespmem:$0x1F800] =	vst v63  }
0x9b: {  	_ =	swait.ge [sflag:s21], $0x4000  }
0x9c: {  	[sflag:s21] =	ssyncset.done $0x0  }
0x9d: {  	[sflag:s21] =	ssyncadd.s32 $0xFFFFC000  }
0x9e: {  	[spmem:s19] =	stream.linear.scatter [tilespmem:s20], [sflag:$0x3], $0x4000, $0x38;
	[tilespmem:$0x1F800] =	vst v63  }
.Ltmp3:
0x9f: {  	_ =	swait.ge [sflag:s21], $0x4000;
	(pc) =	sbr.rel @!p0 .LBB2_4-.Ltmp3, $4  }
0xa0: {  	[sflag:s21] =	ssyncset.done $0x0  }
0xa1: {  	[sflag:s21] =	ssyncadd.s32 $0xFFFFC000  }
0xa2: {  	[bflag:$0x0] =	sbarrier.arrive $0xFFFF  }
0xa3: {  	s0 =	simm.s32 $0x0  }
0xa4: {  	[tilespmem:s0], [sflag:$0x3] =	stream.linear.gather [hbm4b:s12+s0], $0x1400, $0x38;
	[tilespmem:$0x1F800] =	vst v63  }
0xa5: {  	_ =	swait.ge [sflag:s21], $0x1400  }
0xa6: {  	[sflag:s21] =	ssyncset.done $0x0  }
0xa7: {  	[sflag:s21] =	ssyncadd.s32 $0xFFFFEC00  }
0xa8: {  	[tilespmem:s22], [sflag:$0x3] =	stream.linear.gather [hbm4b:s13+s0], $0x1400, $0x38;
	[tilespmem:$0x1F800] =	vst v63  }
0xa9: {  	_ =	swait.ge [sflag:s21], $0x1400  }
0xaa: {  	[sflag:s21] =	ssyncset.done $0x0  }
0xab: {  	[sflag:s21] =	ssyncadd.s32 $0xFFFFEC00  }
0xac: {  	[tilespmem:s20], [sflag:$0x1] =	stream.indirect.gather [hbm4b:s4+s23], $0x80, s0, s23, $0xb8;
	[tilespmem:$0x1F800] =	vst v63  }
0xad: {  	s6 =	simm.s32 $0x80  }
0xae: {  	[tilespmem:s24], [sflag:$0x2] =	stream.indirect.gather [hbm4b:s4+s23], $0x80, s6, s23, $0xb8;
	[tilespmem:$0x1F800] =	vst v63  }
0xaf: {  	_ =	swait.ge [sflag:s25], $0x4000  }
0xb0: {  	[sflag:s25] =	ssyncset.done $0x0  }
0xb1: {  	s7 =	simm.s32 $0x1C00;
	[sflag:s25] =	ssyncadd.s32 $0xFFFFC000  }
0xb2: {  	[spmem:s1] =	stream.indirect.scatter.add.f32 [tilespmem:s20], [sflag:$0x3], $0x80, s7, s23, $0xb8;
	[tilespmem:$0x1F800] =	vst v63  }
0xb3: {  	_ =	swait.ge [sflag:s21], $0x4000  }
0xb4: {  	[sflag:s21] =	ssyncset.done $0x0  }
0xb5: {  	s8 =	simm.s32 $0x100;
	[sflag:s21] =	ssyncadd.s32 $0xFFFFC000  }
0xb6: {  	[tilespmem:s20], [sflag:$0x1] =	stream.indirect.gather [hbm4b:s4+s23], $0x80, s8, s23, $0xb8;
	[tilespmem:$0x1F800] =	vst v63  }
0xb7: {  	_ =	swait.ge [sflag:s26], $0x4000  }
0xb8: {  	[sflag:s26] =	ssyncset.done $0x0  }
0xb9: {  	s9 =	simm.s32 $0x1C80;
	[sflag:s26] =	ssyncadd.s32 $0xFFFFC000  }
0xba: {  	[spmem:s1] =	stream.indirect.scatter.add.f32 [tilespmem:s24], [sflag:$0x3], $0x80, s9, s23, $0xb8;
	[tilespmem:$0x1F800] =	vst v63  }
0xbb: {  	_ =	swait.ge [sflag:s21], $0x4000  }
0xbc: {  	s0 =	simm.s32 $0x100;
	s6 =	simm.s32 $0x800;
	[sflag:s21] =	ssyncset.done $0x0  }
.LBB2_10:
0xbd: {  	s7 =	sadd.s32 $0x80, s0  }
0xbe: {  	[sflag:s21] =	ssyncadd.s32 $0xFFFFC000;
	s8 =	smov.u32 s6;
	s9 =	sadd.s32 $0x400, s6  }
0xbf: {  	[tilespmem:s24], [sflag:$0x2] =	stream.indirect.gather [hbm4b:s4+s23], $0x80, s7, s23, $0xb8;
	[tilespmem:$0x1F800] =	vst v63  }
0xc0: {  	p1 =	sne.s32 s6, $0x4800;
	_ =	swait.ge [sflag:s25], $0x4000  }
0xc1: {  	[sflag:s25] =	ssyncset.done $0x0  }
0xc2: {  	s6 =	sadd.s32 $0x1C00, s0;
	[sflag:s25] =	ssyncadd.s32 $0xFFFFC000  }
0xc3: {  	[spmem:s1] =	stream.indirect.scatter.add.f32 [tilespmem:s20], [sflag:$0x3], $0x80, s6, s23, $0xb8;
	[tilespmem:$0x1F800] =	vst v63  }
0xc4: {  	_ =	swait.ge [sflag:s21], $0x4000  }
0xc5: {  	[sflag:s21] =	ssyncset.done $0x0  }
0xc6: {  	s6 =	sadd.s32 $0x100, s0;
	[sflag:s21] =	ssyncadd.s32 $0xFFFFC000  }
0xc7: {  	[tilespmem:s20], [sflag:$0x1] =	stream.indirect.gather [hbm4b:s4+s23], $0x80, s6, s23, $0xb8;
	[tilespmem:$0x1F800] =	vst v63  }
0xc8: {  	_ =	swait.ge [sflag:s26], $0x4000  }
.Ltmp4:
0xc9: {  	[sflag:s26] =	ssyncset.done $0x0;
	(pc) =	sbr.rel @p1 .LBB2_10-.Ltmp4, $4  }
0xca: {  	s0 =	sadd.s32 $0x1C80, s0;
	[sflag:s26] =	ssyncadd.s32 $0xFFFFC000  }
0xcb: {  	[spmem:s1] =	stream.indirect.scatter.add.f32 [tilespmem:s24], [sflag:$0x3], $0x80, s0, s23, $0xb8;
	[tilespmem:$0x1F800] =	vst v63  }
0xcc: {  	_ =	swait.ge [sflag:s21], $0x4000  }
0xcd: {  	s6 =	smov.u32 s9;
	s0 =	sshra.s32 s8, $0x2;
	[sflag:s21] =	ssyncset.done $0x0  }
0xce: {  	s6 =	sadd.s32 $0x80, s0;
	[sflag:s21] =	ssyncadd.s32 $0xFFFFC000  }
0xcf: {  	[tilespmem:s24], [sflag:$0x2] =	stream.indirect.gather [hbm4b:s4+s23], $0x80, s6, s23, $0xb8;
	[tilespmem:$0x1F800] =	vst v63  }
0xd0: {  	_ =	swait.ge [sflag:s25], $0x4000  }
0xd1: {  	[sflag:s25] =	ssyncset.done $0x0  }
0xd2: {  	s7 =	sadd.s32 $0x1C00, s0;
	[sflag:s25] =	ssyncadd.s32 $0xFFFFC000  }
0xd3: {  	[spmem:s1] =	stream.indirect.scatter.add.f32 [tilespmem:s20], [sflag:$0x3], $0x80, s7, s23, $0xb8;
	[tilespmem:$0x1F800] =	vst v63  }
0xd4: {  	_ =	swait.ge [sflag:s21], $0x4000  }
0xd5: {  	[sflag:s21] =	ssyncset.done $0x0  }
0xd6: {  	s8 =	sadd.s32 $0x100, s0;
	[sflag:s21] =	ssyncadd.s32 $0xFFFFC000  }
0xd7: {  	[tilespmem:s20], [sflag:$0x1] =	stream.indirect.gather [hbm4b:s4+s23], $0x80, s8, s23, $0xb8;
	[tilespmem:$0x1F800] =	vst v63  }
0xd8: {  	_ =	swait.ge [sflag:s26], $0x4000  }
0xd9: {  	[sflag:s26] =	ssyncset.done $0x0  }
.Ltmp5:
0xda: {  	s9 =	sadd.s32 $0x1C80, s0;
	[sflag:s26] =	ssyncadd.s32 $0xFFFFC000;
	(pc) =	sbr.rel .LBB2_12-.Ltmp5, $4  }
0xdb: {  	[spmem:s1] =	stream.indirect.scatter.add.f32 [tilespmem:s24], [sflag:$0x3], $0x80, s9, s23, $0xb8;
	[tilespmem:$0x1F800] =	vst v63  }
0xdc: {  	_ =	swait.ge [sflag:s21], $0x4000  }
0xdd: {  	s0 =	simm.s32 $0x2F80;
	[sflag:s21] =	ssyncset.done $0x0  }
0xde: {  	s6 =	simm.s32 $0x2F00;
	s7 =	simm.s32 $0x1380;
	[sflag:s21] =	ssyncadd.s32 $0xFFFFC000  }
.LBB2_4:
0xdf: {  	s6 =	rddreg [dreg:$0x3]  }
0xe0: {  	[tilespmem:s0], [sflag:$0x3] =	stream.linear.gather [hbm4b:s6+s0], $0x1C00, $0x38;
	[tilespmem:$0x1F800] =	vst v63  }
0xe1: {  	_ =	swait.ge [sflag:s21], $0x1C00  }
0xe2: {  	[sflag:s21] =	ssyncset.done $0x0  }
0xe3: {  	s9 =	rddreg [dreg:$0x4];
	[sflag:s21] =	ssyncadd.s32 $0xFFFFE400  }
0xe4: {  	[tilespmem:s22], [sflag:$0x3] =	stream.linear.gather [hbm4b:s9+s0], $0x1C00, $0x38;
	[tilespmem:$0x1F800] =	vst v63  }
0xe5: {  	_ =	swait.ge [sflag:s21], $0x1C00  }
0xe6: {  	[sflag:s21] =	ssyncset.done $0x0  }
0xe7: {  	[sflag:s21] =	ssyncadd.s32 $0xFFFFE400  }
0xe8: {  	[tilespmem:s20], [sflag:$0x1] =	stream.indirect.gather [hbm4b:s4+s23], $0x80, s0, s23, $0xb8;
	[tilespmem:$0x1F800] =	vst v63  }
0xe9: {  	s6 =	simm.s32 $0x80  }
0xea: {  	[tilespmem:s24], [sflag:$0x2] =	stream.indirect.gather [hbm4b:s4+s23], $0x80, s6, s23, $0xb8;
	[tilespmem:$0x1F800] =	vst v63  }
0xeb: {  	_ =	swait.ge [sflag:s25], $0x4000  }
0xec: {  	[sflag:s25] =	ssyncset.done $0x0  }
0xed: {  	s7 =	simm.s32 $0x1C00;
	[sflag:s25] =	ssyncadd.s32 $0xFFFFC000  }
0xee: {  	[spmem:s1] =	stream.indirect.scatter.add.f32 [tilespmem:s20], [sflag:$0x3], $0x80, s7, s23, $0xb8;
	[tilespmem:$0x1F800] =	vst v63  }
0xef: {  	_ =	swait.ge [sflag:s21], $0x4000  }
0xf0: {  	[sflag:s21] =	ssyncset.done $0x0  }
0xf1: {  	s8 =	simm.s32 $0x100;
	[sflag:s21] =	ssyncadd.s32 $0xFFFFC000  }
0xf2: {  	[tilespmem:s20], [sflag:$0x1] =	stream.indirect.gather [hbm4b:s4+s23], $0x80, s8, s23, $0xb8;
	[tilespmem:$0x1F800] =	vst v63  }
0xf3: {  	_ =	swait.ge [sflag:s26], $0x4000  }
0xf4: {  	[sflag:s26] =	ssyncset.done $0x0  }
0xf5: {  	s9 =	simm.s32 $0x1C80;
	[sflag:s26] =	ssyncadd.s32 $0xFFFFC000  }
0xf6: {  	[spmem:s1] =	stream.indirect.scatter.add.f32 [tilespmem:s24], [sflag:$0x3], $0x80, s9, s23, $0xb8;
	[tilespmem:$0x1F800] =	vst v63  }
0xf7: {  	_ =	swait.ge [sflag:s21], $0x4000  }
0xf8: {  	s0 =	simm.s32 $0x100;
	s6 =	simm.s32 $0x800;
	[sflag:s21] =	ssyncset.done $0x0  }
.LBB2_5:
0xf9: {  	s7 =	sadd.s32 $0x80, s0  }
0xfa: {  	[sflag:s21] =	ssyncadd.s32 $0xFFFFC000;
	s8 =	smov.u32 s6;
	s9 =	sadd.s32 $0x400, s6  }
0xfb: {  	[tilespmem:s24], [sflag:$0x2] =	stream.indirect.gather [hbm4b:s4+s23], $0x80, s7, s23, $0xb8;
	[tilespmem:$0x1F800] =	vst v63  }
0xfc: {  	p1 =	sne.s32 s6, $0x6800;
	_ =	swait.ge [sflag:s25], $0x4000  }
0xfd: {  	[sflag:s25] =	ssyncset.done $0x0  }
0xfe: {  	s6 =	sadd.s32 $0x1C00, s0;
	[sflag:s25] =	ssyncadd.s32 $0xFFFFC000  }
0xff: {  	[spmem:s1] =	stream.indirect.scatter.add.f32 [tilespmem:s20], [sflag:$0x3], $0x80, s6, s23, $0xb8;
	[tilespmem:$0x1F800] =	vst v63  }
0x100: {  	_ =	swait.ge [sflag:s21], $0x4000  }
0x101: {  	[sflag:s21] =	ssyncset.done $0x0  }
0x102: {  	s6 =	sadd.s32 $0x100, s0;
	[sflag:s21] =	ssyncadd.s32 $0xFFFFC000  }
0x103: {  	[tilespmem:s20], [sflag:$0x1] =	stream.indirect.gather [hbm4b:s4+s23], $0x80, s6, s23, $0xb8;
	[tilespmem:$0x1F800] =	vst v63  }
0x104: {  	_ =	swait.ge [sflag:s26], $0x4000  }
.Ltmp6:
0x105: {  	[sflag:s26] =	ssyncset.done $0x0;
	(pc) =	sbr.rel @p1 .LBB2_5-.Ltmp6, $4  }
0x106: {  	s0 =	sadd.s32 $0x1C80, s0;
	[sflag:s26] =	ssyncadd.s32 $0xFFFFC000  }
0x107: {  	[spmem:s1] =	stream.indirect.scatter.add.f32 [tilespmem:s24], [sflag:$0x3], $0x80, s0, s23, $0xb8;
	[tilespmem:$0x1F800] =	vst v63  }
0x108: {  	_ =	swait.ge [sflag:s21], $0x4000  }
0x109: {  	s6 =	smov.u32 s9;
	s0 =	sshra.s32 s8, $0x2;
	[sflag:s21] =	ssyncset.done $0x0  }
0x10a: {  	s6 =	sadd.s32 $0x80, s0;
	[sflag:s21] =	ssyncadd.s32 $0xFFFFC000  }
0x10b: {  	[tilespmem:s24], [sflag:$0x2] =	stream.indirect.gather [hbm4b:s4+s23], $0x80, s6, s23, $0xb8;
	[tilespmem:$0x1F800] =	vst v63  }
0x10c: {  	_ =	swait.ge [sflag:s25], $0x4000  }
0x10d: {  	[sflag:s25] =	ssyncset.done $0x0  }
0x10e: {  	s8 =	sadd.s32 $0x1C00, s0;
	[sflag:s25] =	ssyncadd.s32 $0xFFFFC000  }
0x10f: {  	[spmem:s1] =	stream.indirect.scatter.add.f32 [tilespmem:s20], [sflag:$0x3], $0x80, s8, s23, $0xb8;
	[tilespmem:$0x1F800] =	vst v63  }
0x110: {  	_ =	swait.ge [sflag:s21], $0x4000  }
0x111: {  	[sflag:s21] =	ssyncset.done $0x0  }
0x112: {  	s9 =	sadd.s32 $0x100, s0;
	[sflag:s21] =	ssyncadd.s32 $0xFFFFC000  }
0x113: {  	[tilespmem:s20], [sflag:$0x1] =	stream.indirect.gather [hbm4b:s4+s23], $0x80, s9, s23, $0xb8;
	[tilespmem:$0x1F800] =	vst v63  }
0x114: {  	_ =	swait.ge [sflag:s26], $0x4000  }
0x115: {  	[sflag:s26] =	ssyncset.done $0x0  }
0x116: {  	s6 =	sadd.s32 $0x1C80, s0;
	[sflag:s26] =	ssyncadd.s32 $0xFFFFC000  }
0x117: {  	[spmem:s1] =	stream.indirect.scatter.add.f32 [tilespmem:s24], [sflag:$0x3], $0x80, s6, s23, $0xb8;
	[tilespmem:$0x1F800] =	vst v63  }
0x118: {  	_ =	swait.ge [sflag:s21], $0x4000  }
0x119: {  	[sflag:s21] =	ssyncset.done $0x0  }
0x11a: {  	[sflag:s21] =	ssyncadd.s32 $0xFFFFC000  }
0x11b: {  	[tilespmem:s24], [sflag:$0x2] =	stream.indirect.gather [hbm4b:s4+s23], $0x80, s28, s23, $0xb8;
	[tilespmem:$0x1F800] =	vst v63  }
0x11c: {  	_ =	swait.ge [sflag:s25], $0x4000  }
0x11d: {  	[sflag:s25] =	ssyncset.done $0x0  }
0x11e: {  	[sflag:s25] =	ssyncadd.s32 $0xFFFFC000  }
0x11f: {  	[spmem:s1] =	stream.indirect.scatter.add.f32 [tilespmem:s20], [sflag:$0x3], $0x80, s29, s23, $0xb8;
	[tilespmem:$0x1F800] =	vst v63  }
0x120: {  	_ =	swait.ge [sflag:s21], $0x4000  }
0x121: {  	[sflag:s21] =	ssyncset.done $0x0  }
0x122: {  	[sflag:s21] =	ssyncadd.s32 $0xFFFFC000  }
0x123: {  	_ =	swait.ge [sflag:s26], $0x4000  }
0x124: {  	[sflag:s26] =	ssyncset.done $0x0  }
0x125: {  	[sflag:s26] =	ssyncadd.s32 $0xFFFFC000  }
0x126: {  	[spmem:s1] =	stream.indirect.scatter.add.f32 [tilespmem:s24], [sflag:$0x3], $0x80, s30, s23, $0xb8;
	[tilespmem:$0x1F800] =	vst v63  }
0x127: {  	_ =	swait.ge [sflag:s21], $0x4000  }
0x128: {  	[sflag:s21] =	ssyncset.done $0x0  }
0x129: {  	s7 =	simm.s32 $0x0;
	s8 =	rddreg [dreg:$0x5];
	[sflag:s21] =	ssyncadd.s32 $0xFFFFC000  }
0x12a: {  	[tilespmem:s7], [sflag:$0x3] =	stream.linear.gather [hbm4b:s8+s7], $0x1C00, $0x38;
	[tilespmem:$0x1F800] =	vst v63  }
0x12b: {  	_ =	swait.ge [sflag:s21], $0x1C00  }
0x12c: {  	[sflag:s21] =	ssyncset.done $0x0  }
0x12d: {  	s9 =	rddreg [dreg:$0x6];
	[sflag:s21] =	ssyncadd.s32 $0xFFFFE400  }
0x12e: {  	[tilespmem:s22], [sflag:$0x3] =	stream.linear.gather [hbm4b:s9+s7], $0x1C00, $0x38;
	[tilespmem:$0x1F800] =	vst v63  }
0x12f: {  	_ =	swait.ge [sflag:s21], $0x1C00  }
0x130: {  	[sflag:s21] =	ssyncset.done $0x0  }
0x131: {  	[sflag:s21] =	ssyncadd.s32 $0xFFFFE400  }
0x132: {  	[tilespmem:s20], [sflag:$0x1] =	stream.indirect.gather [hbm4b:s4+s23], $0x80, s7, s23, $0xb8;
	[tilespmem:$0x1F800] =	vst v63  }
0x133: {  	s6 =	simm.s32 $0x80  }
0x134: {  	[tilespmem:s24], [sflag:$0x2] =	stream.indirect.gather [hbm4b:s4+s23], $0x80, s6, s23, $0xb8;
	[tilespmem:$0x1F800] =	vst v63  }
0x135: {  	_ =	swait.ge [sflag:s25], $0x4000  }
0x136: {  	[sflag:s25] =	ssyncset.done $0x0  }
0x137: {  	s7 =	simm.s32 $0x1C00;
	[sflag:s25] =	ssyncadd.s32 $0xFFFFC000  }
0x138: {  	[spmem:s1] =	stream.indirect.scatter.add.f32 [tilespmem:s20], [sflag:$0x3], $0x80, s7, s23, $0xb8;
	[tilespmem:$0x1F800] =	vst v63  }
0x139: {  	_ =	swait.ge [sflag:s21], $0x4000  }
0x13a: {  	[sflag:s21] =	ssyncset.done $0x0  }
0x13b: {  	s8 =	simm.s32 $0x100;
	[sflag:s21] =	ssyncadd.s32 $0xFFFFC000  }
0x13c: {  	[tilespmem:s20], [sflag:$0x1] =	stream.indirect.gather [hbm4b:s4+s23], $0x80, s8, s23, $0xb8;
	[tilespmem:$0x1F800] =	vst v63  }
0x13d: {  	_ =	swait.ge [sflag:s26], $0x4000  }
0x13e: {  	[sflag:s26] =	ssyncset.done $0x0  }
0x13f: {  	s9 =	simm.s32 $0x1C80;
	[sflag:s26] =	ssyncadd.s32 $0xFFFFC000  }
0x140: {  	[spmem:s1] =	stream.indirect.scatter.add.f32 [tilespmem:s24], [sflag:$0x3], $0x80, s9, s23, $0xb8;
	[tilespmem:$0x1F800] =	vst v63  }
0x141: {  	_ =	swait.ge [sflag:s21], $0x4000  }
0x142: {  	s0 =	simm.s32 $0x100;
	s6 =	simm.s32 $0x800;
	[sflag:s21] =	ssyncset.done $0x0  }
.LBB2_7:
0x143: {  	s7 =	sadd.s32 $0x80, s0  }
0x144: {  	[sflag:s21] =	ssyncadd.s32 $0xFFFFC000;
	s8 =	smov.u32 s6;
	s9 =	sadd.s32 $0x400, s6  }
0x145: {  	[tilespmem:s24], [sflag:$0x2] =	stream.indirect.gather [hbm4b:s4+s23], $0x80, s7, s23, $0xb8;
	[tilespmem:$0x1F800] =	vst v63  }
0x146: {  	p1 =	sne.s32 s6, $0x6800;
	_ =	swait.ge [sflag:s25], $0x4000  }
0x147: {  	[sflag:s25] =	ssyncset.done $0x0  }
0x148: {  	s6 =	sadd.s32 $0x1C00, s0;
	[sflag:s25] =	ssyncadd.s32 $0xFFFFC000  }
0x149: {  	[spmem:s1] =	stream.indirect.scatter.add.f32 [tilespmem:s20], [sflag:$0x3], $0x80, s6, s23, $0xb8;
	[tilespmem:$0x1F800] =	vst v63  }
0x14a: {  	_ =	swait.ge [sflag:s21], $0x4000  }
0x14b: {  	[sflag:s21] =	ssyncset.done $0x0  }
0x14c: {  	s6 =	sadd.s32 $0x100, s0;
	[sflag:s21] =	ssyncadd.s32 $0xFFFFC000  }
0x14d: {  	[tilespmem:s20], [sflag:$0x1] =	stream.indirect.gather [hbm4b:s4+s23], $0x80, s6, s23, $0xb8;
	[tilespmem:$0x1F800] =	vst v63  }
0x14e: {  	_ =	swait.ge [sflag:s26], $0x4000  }
.Ltmp7:
0x14f: {  	[sflag:s26] =	ssyncset.done $0x0;
	(pc) =	sbr.rel @p1 .LBB2_7-.Ltmp7, $4  }
0x150: {  	s0 =	sadd.s32 $0x1C80, s0;
	[sflag:s26] =	ssyncadd.s32 $0xFFFFC000  }
0x151: {  	[spmem:s1] =	stream.indirect.scatter.add.f32 [tilespmem:s24], [sflag:$0x3], $0x80, s0, s23, $0xb8;
	[tilespmem:$0x1F800] =	vst v63  }
0x152: {  	_ =	swait.ge [sflag:s21], $0x4000  }
0x153: {  	s6 =	smov.u32 s9;
	s0 =	sshra.s32 s8, $0x2;
	[sflag:s21] =	ssyncset.done $0x0  }
.Ltmp8:
0x154: {  	_ = 	snop;
	(pc) =	sbr.rel .LBB2_8-.Ltmp8, $1  }
0x155: {  	_ =	sdelay $0x3  }
.LBB2_13:
0x156: {  	_ =	sfence.sel $0x180000  }
0x157: {  	[bflag:$0x0] =	sbarrier.arrive $0xFFFF  }
0x158: {  	_ =	strace $0x9000004D  }
0x159: {  	[bflag:$0x2] =	sbarrier.arrive $0xFFFF  }
0x15a: {  	p0 =	sne.s32 s2, $0x0;
	s0 =	rddreg [dreg:$0x2]  }
0x15b: {  	s0 =	sadd.s32 @!p0 $0x100000, s0  }
0x15c: {  	[sflag:s0] =	ssyncadd.tile.s32 @!p0 $0x1;
	_ =	shalt  }
.Lfunc_end2:
_tile_overlayer_lowered:
.L_overlay_start_2:
0x15d: {  	(tag) =	ssettag $0x2  }
0x15e: {  	s0 =	rddreg [dreg:$0x0];
	s2 =	stileid.u32  }
0x15f: {  	s1 =	rddreg [dreg:$0x1];
	p0 =	sne.s32 s2, $0x0  }
0x160: {  	s3 =	rddreg [dreg:$0x2];
	[bflag:$0x3] =	sbarrier.arrive $0xFFFF;
	s2 =	simm.s32 @!p0 $0x1C03  }
0x161: {  	[timem:s3], [sflag:s2] =	dma.local @!p0 [hbm:s0], s1  }
0x162: {  	s0 =	simm.s32 @!p0 $0x3  }
0x163: {  	_ =	swait.ge @!p0 [sflag:s0], s1  }
0x164: {  	s1 =	ssub.s32 @!p0 $0x0, s1;
	[sflag:s0] =	ssyncset.done @!p0 $0x0  }
0x165: {  	[sflag:s0] =	ssyncadd.s32 @!p0 s1  }
0x166: {  	[bflag:$0x3] =	sbarrier.arrive $0xFFFF  }
0x167: {  	_ =	shalt  }

</sc_bundles>
